<compile_context>
chip_gen: v7x
topology: tpu7x:2x2x1
jax: 0.10.2.dev20260603
libtpu: 0.0.44.dev20260713+nightly
codegen_flags: <defaults>
</compile_context>

<pallas_src>
import functools

import jax
import jax.numpy as jnp
from jax import lax
from jax.experimental import pallas as pl
from jax.experimental.pallas import tpu as pltpu
from jax.experimental.pallas import tpu_sc as plsc

NC = 2
NS = 16
NW = NC * NS
LANES = 16
CHUNK = 128
ACC_ROWS = 10240
BLK = 400
C0_NUM = 7
C0_DEN = 8


def _sc_mesh():
    return plsc.VectorSubcoreMesh(core_axis_name="c", subcore_axis_name="s")


def _degree_hist(col2d, ncw):

    @functools.partial(
        pl.kernel,
        out_type=jax.ShapeDtypeStruct((NC, ACC_ROWS), jnp.float32),
        mesh=_sc_mesh(),
        scratch_types=[
            pltpu.VMEM((ncw, CHUNK), jnp.int32),
            pltpu.VMEM((CHUNK,), jnp.float32),
            pltpu.VMEM((ACC_ROWS // NS,), jnp.float32),
            pltpu.VMEM_SHARED((ACC_ROWS,), jnp.float32),
            pltpu.SemaphoreType.DMA,
        ],
    )
    def k(col_hbm, out_hbm, colbuf, ones, zbuf, hist, ssem):
        cid = lax.axis_index("c")
        sid = lax.axis_index("s")
        stripe = ACC_ROWS // NS
        hbase = pl.multiple_of(sid * stripe, 8)
        wid = cid * NS + sid
        cbase = pl.multiple_of(wid * ncw, 8)

        def zfill(i, c):
            zbuf[pl.ds(i * LANES, LANES)] = jnp.zeros((LANES,), jnp.float32)
            return c

        lax.fori_loop(0, stripe // LANES, zfill, 0)

        def ofill(i, c):
            ones[pl.ds(i * LANES, LANES)] = jnp.ones((LANES,), jnp.float32)
            return c

        lax.fori_loop(0, CHUNK // LANES, ofill, 0)
        pltpu.sync_copy(col_hbm.at[pl.ds(cbase, ncw)], colbuf)
        pltpu.sync_copy(zbuf, hist.at[pl.ds(hbase, stripe)])
        plsc.subcore_barrier()

        def body(j, c):
            pltpu.async_copy(ones, hist.at[colbuf.at[j]], ssem, add=True)
            return c

        lax.fori_loop(0, ncw, body, 0)

        def drain(j, c):
            pltpu.make_async_copy(ones, hist.at[colbuf.at[j]], ssem).wait()
            return c

        lax.fori_loop(0, ncw, drain, 0)
        plsc.subcore_barrier()
        pltpu.sync_copy(hist.at[pl.ds(hbase, stripe)],
                        out_hbm.at[cid, pl.ds(hbase, stripe)])

    return k(col2d)


def _aggregate(u, rc3d, ncw):
    D = u.shape[1]
    ncw0 = 2 * ((2 * ncw * C0_NUM) // (C0_DEN * 2))
    ncw1 = 2 * ncw - ncw0

    @functools.partial(
        pl.kernel,
        out_type=jax.ShapeDtypeStruct((NC, ACC_ROWS, D), jnp.float32),
        mesh=_sc_mesh(),
        scratch_types=[
            pltpu.VMEM((2, 2, CHUNK), jnp.int32),
            pltpu.VMEM((2, CHUNK, D), jnp.float32),
            pltpu.VMEM_SHARED((ACC_ROWS, D), jnp.float32),
            [pltpu.SemaphoreType.DMA] * 2,
            [pltpu.SemaphoreType.DMA] * 2,
        ],
    )
    def k(u_hbm, rc_hbm, out_hbm, rcbuf, gbuf, acc, isems, gsems):
        cid = lax.axis_index("c")
        sid = lax.axis_index("s")
        stripe = ACC_ROWS // NS
        sbase = pl.multiple_of(sid * stripe, 8)
        nch = lax.select(cid == 0, ncw0, ncw1)
        base = lax.select(cid == 0, sid * ncw0, NS * ncw0 + sid * ncw1)

        def zfill(i, c):
            r = i // (D // LANES)
            q = lax.rem(i, D // LANES)
            gbuf[0, r, pl.ds(q * LANES, LANES)] = jnp.zeros(
                (LANES,), jnp.float32)
            return c

        lax.fori_loop(0, CHUNK * D // LANES, zfill, 0)
        for i in range(stripe // CHUNK):
            pltpu.sync_copy(gbuf.at[0],
                            acc.at[pl.ds(sbase + i * CHUNK, CHUNK)])
        plsc.subcore_barrier()

        pltpu.async_copy(rc_hbm.at[base], rcbuf.at[0], isems[0])
        pltpu.async_copy(rc_hbm.at[base + 1], rcbuf.at[1], isems[1])
        pltpu.make_async_copy(rc_hbm.at[base], rcbuf.at[0], isems[0]).wait()
        pltpu.async_copy(u_hbm.at[rcbuf.at[0, 0]], gbuf.at[0], gsems[0])

        def body(t, c):
            for b in range(2):
                j = t * 2 + b
                b2 = 1 - b

                @pl.when(j + 1 < nch)
                def _():
                    pltpu.make_async_copy(
                        rc_hbm.at[base + j + 1], rcbuf.at[b2],
                        isems[b2]).wait()
                    pltpu.async_copy(
                        u_hbm.at[rcbuf.at[b2, 0]], gbuf.at[b2], gsems[b2])

                pltpu.make_async_copy(
                    u_hbm.at[rcbuf.at[b, 0]], gbuf.at[b], gsems[b]).wait()
                pltpu.sync_copy(gbuf.at[b], acc.at[rcbuf.at[b, 1]], add=True)

                @pl.when(j + 2 < nch)
                def _():
                    pltpu.async_copy(
                        rc_hbm.at[base + j + 2], rcbuf.at[b], isems[b])
            return c

        lax.fori_loop(0, nch // 2, body, 0)
        plsc.subcore_barrier()
        pltpu.sync_copy(acc.at[pl.ds(sbase, stripe)],
                        out_hbm.at[cid, pl.ds(sbase, stripe)])

    return k(u, rc3d)


def _tc_dis(hist):
    nr = hist.shape[1]

    def body(h_ref, o_ref):
        h = h_ref[...]
        o_ref[...] = lax.rsqrt(h[0] + h[1] + 1.0)[:, None]

    return pl.pallas_call(
        body,
        out_shape=jax.ShapeDtypeStruct((nr, 1), jnp.float32),
    )(hist)


def _tc_first(x, W, dis):
    n, din = x.shape
    dh = W.shape[1]

    def body(x_ref, w_ref, d_ref, o_ref):
        o_ref[...] = jnp.dot(
            x_ref[...], w_ref[...], preferred_element_type=jnp.float32
        ) * d_ref[...]

    return pl.pallas_call(
        body,
        grid=(n // BLK,),
        in_specs=[
            pl.BlockSpec((BLK, din), lambda i: (i, 0)),
            pl.BlockSpec((din, dh), lambda i: (0, 0)),
            pl.BlockSpec((BLK, 1), lambda i: (i, 0)),
        ],
        out_specs=pl.BlockSpec((BLK, dh), lambda i: (i, 0)),
        out_shape=jax.ShapeDtypeStruct((n, dh), jnp.float32),
    )(x, W, dis)


def _tc_mid(S, u_prev, dis, b, W):
    n, dh = u_prev.shape
    do = W.shape[1]

    def body(s_ref, u_ref, d_ref, b_ref, w_ref, o_ref):
        d = d_ref[...]
        a = jnp.maximum(
            (s_ref[0] + s_ref[1] + u_ref[...]) * d + b_ref[...], 0.0)
        o_ref[...] = jnp.dot(
            a, w_ref[...], preferred_element_type=jnp.float32) * d

    return pl.pallas_call(
        body,
        grid=(n // BLK,),
        in_specs=[
            pl.BlockSpec((NC, BLK, dh), lambda i: (0, i, 0)),
            pl.BlockSpec((BLK, dh), lambda i: (i, 0)),
            pl.BlockSpec((BLK, 1), lambda i: (i, 0)),
            pl.BlockSpec((1, dh), lambda i: (0, 0)),
            pl.BlockSpec((dh, do), lambda i: (0, 0)),
        ],
        out_specs=pl.BlockSpec((BLK, do), lambda i: (i, 0)),
        out_shape=jax.ShapeDtypeStruct((n, do), jnp.float32),
    )(S, u_prev, dis, b, W)


def _tc_last(S, u_prev, dis, b, Wc, bc):
    n, dh = u_prev.shape
    do = Wc.shape[1]

    def body(s_ref, u_ref, d_ref, b_ref, w_ref, bc_ref, o_ref):
        a = jnp.maximum(
            (s_ref[0] + s_ref[1] + u_ref[...]) * d_ref[...] + b_ref[...], 0.0)
        o_ref[...] = jnp.dot(
            a, w_ref[...], preferred_element_type=jnp.float32) + bc_ref[...]

    return pl.pallas_call(
        body,
        grid=(n // BLK,),
        in_specs=[
            pl.BlockSpec((NC, BLK, dh), lambda i: (0, i, 0)),
            pl.BlockSpec((BLK, dh), lambda i: (i, 0)),
            pl.BlockSpec((BLK, 1), lambda i: (i, 0)),
            pl.BlockSpec((1, dh), lambda i: (0, 0)),
            pl.BlockSpec((dh, do), lambda i: (0, 0)),
            pl.BlockSpec((1, do), lambda i: (0, 0)),
        ],
        out_specs=pl.BlockSpec((BLK, do), lambda i: (i, 0)),
        out_shape=jax.ShapeDtypeStruct((n, do), jnp.float32),
    )(S, u_prev, dis, b, Wc, bc)


def kernel(x, edge_index, W1, b1, W2, b2, Wc, bc):
    n, _ = x.shape
    e = edge_index.shape[1]
    row = edge_index[0].astype(jnp.int32)
    col = edge_index[1].astype(jnp.int32)
    block = NW * CHUNK * 8
    epad = ((e + block - 1) // block) * block
    npad = epad - e
    if npad:
        row = jnp.concatenate([row, jnp.zeros((npad,), jnp.int32)])
        col = jnp.concatenate([col, jnp.full((npad,), n, jnp.int32)])
    rc3d = jnp.stack(
        [row.reshape(-1, CHUNK), col.reshape(-1, CHUNK)], axis=1)
    col2d = col.reshape(-1, CHUNK)
    ncw = col2d.shape[0] // NW

    hist = _degree_hist(col2d, ncw)
    dis = _tc_dis(hist)[:n]
    u1 = _tc_first(x, W1, dis)
    s1 = _aggregate(u1, rc3d, ncw)
    u2 = _tc_mid(s1[:, :n], u1, dis, b1.reshape(1, -1), W2)
    s2 = _aggregate(u2, rc3d, ncw)
    return _tc_last(s2[:, :n], u2, dis, b2.reshape(1, -1), Wc,
                    bc.reshape(1, -1))

# --- scband reference (transcript-rebuilt; emitter-appended) ---
"""Pipeline reference for scband-multi-layer-gcn-37417755083137 (READ-ONLY COPY).

The authoritative reference and input builder live on the scoring server;
editing this copy changes nothing except your own understanding.
"""

import jax, jax.numpy as jnp
import numpy as np

N_NODES = 10000
N_EDGES = 320000
D_IN = 128
D_HID = 128
D_OUT = 40


def setup_inputs(seed: int = 0) -> dict:
    key = jax.random.key(seed)
    ks = jax.random.split(key, 8)
    x = jax.random.normal(ks[0], (N_NODES, D_IN), dtype=jnp.float32)
    edge_index = jax.random.randint(ks[1], (2, N_EDGES), 0, N_NODES, dtype=jnp.int64)
    s1 = (6.0 / (D_IN + D_HID)) ** 0.5
    s2 = (6.0 / (D_HID + D_HID)) ** 0.5
    sc = (6.0 / (D_HID + D_OUT)) ** 0.5
    W1 = jax.random.uniform(ks[2], (D_IN, D_HID), jnp.float32, -s1, s1)
    b1 = jnp.zeros((D_HID,), jnp.float32)
    W2 = jax.random.uniform(ks[3], (D_HID, D_HID), jnp.float32, -s2, s2)
    b2 = jnp.zeros((D_HID,), jnp.float32)
    Wc = jax.random.uniform(ks[4], (D_HID, D_OUT), jnp.float32, -sc, sc)
    bc = jnp.zeros((D_OUT,), jnp.float32)
    return {"x": x, "edge_index": edge_index, "W1": W1, "b1": b1, "W2": W2, "b2": b2, "Wc": Wc, "bc": bc}


def _gcn_conv(x, edge_index, W, b):
    # PyG GCNConv semantics: linear transform, add self-loops, symmetric
    # normalization D^-1/2 (A+I) D^-1/2, sum aggregation at dst, add bias.
    n = x.shape[0]
    h = x @ W
    row = edge_index[0]
    col = edge_index[1]
    sl = jnp.arange(n, dtype=edge_index.dtype)
    row = jnp.concatenate([row, sl])
    col = jnp.concatenate([col, sl])
    ones = jnp.ones(row.shape[0], dtype=h.dtype)
    deg = jnp.zeros((n,), dtype=h.dtype).at[col].add(ones)
    deg_inv_sqrt = jnp.where(deg > 0, jax.lax.rsqrt(jnp.maximum(deg, 1e-12)), 0.0)
    norm = deg_inv_sqrt[row] * deg_inv_sqrt[col]
    msg = h[row] * norm[:, None]
    out = jnp.zeros_like(h).at[col].add(msg)
    return out + b


def reference(x, edge_index, W1, b1, W2, b2, Wc, bc):
    # forward in eval mode: dropout(p=0.5, training=False) is identity
    h = jax.nn.relu(_gcn_conv(x, edge_index, W1, b1))
    h = jax.nn.relu(_gcn_conv(h, edge_index, W2, b2))
    return h @ Wc + bc

if __name__ == "__main__":
    import jax
    _d = setup_inputs()
    print(jax.jit(kernel)(*tuple(_d.values())))

</pallas_src>

<mosaic_0001>
#map = affine_map<(d0, d1) -> (0, 0)>
#map1 = affine_map<(d0, d1) -> (0, 0, 0)>
module attributes {stable_mosaic.version = 14 : i64} {
  func.func @k(%arg0: i32, %arg1: i32, %arg2: memref<10000x128xf32, #tpu.memory_space<hbm>>, %arg3: memref<2560x2x128xi32, #tpu.memory_space<hbm>>, %arg4: memref<2x10240x128xf32, #tpu.memory_space<hbm>>, %arg5: memref<2x2x128xi32, #tpu.memory_space<vmem>>, %arg6: memref<2x128x128xf32, #tpu.memory_space<vmem>>, %arg7: memref<10240x128xf32, #tpu.memory_space<vmem_shared>>, %arg8: memref<!tpu.dma_semaphore, #tpu.memory_space<semaphore_mem>>, %arg9: memref<!tpu.dma_semaphore, #tpu.memory_space<semaphore_mem>>, %arg10: memref<!tpu.dma_semaphore, #tpu.memory_space<semaphore_mem>>, %arg11: memref<!tpu.dma_semaphore, #tpu.memory_space<semaphore_mem>>) attributes {dimension_semantics = [#tpu.dimension_semantics<core_parallel>, #tpu.dimension_semantics<subcore_parallel>], iteration_bounds = array<i64: 2, 16>, scalar_prefetch = 0 : i64, scratch_operands = 7 : i64, tpu.core_type = #tpu.core_type<sc_vector_subcore>, window_params = [{transform_indices = #map}, {transform_indices = #map1}, {transform_indices = #map1}]} {
    %mul3A = arith.constant 640 : i32
    %mul3A_0 = arith.muli %arg1, %mul3A : i32
    %multiple_of3A = tpu.assume_multiple %mul3A_0, 8 : i32
    %eq3A = arith.constant 0 : i32
    %eq3A_1 = arith.cmpi eq, %arg0, %eq3A : i32
    %select_n3A = arith.constant 20 : i32
    %select_n3A_2 = arith.constant 140 : i32
    %select_n3A_3 = arith.select %eq3A_1, %select_n3A_2, %select_n3A : i32
    %eq3A_4 = arith.constant 0 : i32
    %eq3A_5 = arith.cmpi eq, %arg0, %eq3A_4 : i32
    %mul3A_6 = arith.constant 140 : i32
    %mul3A_7 = arith.muli %arg1, %mul3A_6 : i32
    %mul3A_8 = arith.constant 20 : i32
    %mul3A_9 = arith.muli %arg1, %mul3A_8 : i32
    %add3A = arith.constant 2240 : i32
    %add3A_10 = arith.addi %add3A, %mul3A_9 : i32
    %select_n3A_11 = arith.select %eq3A_5, %mul3A_7, %add3A_10 : i32
    %scan3A = arith.constant 0 : i32
    %scan3A_12 = arith.constant 0 : i32
    %scan3A_13 = arith.constant 1024 : i32
    %scan3A_14 = arith.addi %scan3A_12, %scan3A_13 : i32
    %scan3A_15 = arith.constant 1 : i32
    scf.for %scan3A_122 = %scan3A_12 to %scan3A_14 step %scan3A_15  : i32 {
      %jit3A_123 = arith.constant 8 : i32
      %div3A_124 = arith.divsi %scan3A_122, %jit3A_123 : i32
      %sign3A_125 = arith.constant 0 : i32
      %sign3A_126 = arith.cmpi sgt, %scan3A_122, %sign3A_125 : i32
      %sign3A_127 = arith.extui %sign3A_126 : i1 to i32
      %sign3A_128 = arith.constant 0 : i32
      %sign3A_129 = arith.cmpi slt, %scan3A_122, %sign3A_128 : i32
      %sign3A_130 = arith.extui %sign3A_129 : i1 to i32
      %sign3A_131 = arith.subi %sign3A_127, %sign3A_130 : i32
      %sign3A_132 = arith.constant 0 : i32
      %sign3A_133 = arith.cmpi sgt, %jit3A_123, %sign3A_132 : i32
      %sign3A_134 = arith.extui %sign3A_133 : i1 to i32
      %sign3A_135 = arith.constant 0 : i32
      %sign3A_136 = arith.cmpi slt, %jit3A_123, %sign3A_135 : i32
      %sign3A_137 = arith.extui %sign3A_136 : i1 to i32
      %sign3A_138 = arith.subi %sign3A_134, %sign3A_137 : i32
      %ne3A_139 = arith.cmpi ne, %sign3A_131, %sign3A_138 : i32
      %rem3A_140 = arith.remsi %scan3A_122, %jit3A_123 : i32
      %ne3A_141 = arith.constant 0 : i32
      %ne3A_142 = arith.cmpi ne, %rem3A_140, %ne3A_141 : i32
      %and3A_143 = arith.andi %ne3A_139, %ne3A_142 : i1
      %sub3A_144 = arith.constant 1 : i32
      %sub3A_145 = arith.subi %div3A_124, %sub3A_144 : i32
      %select_n3A_146 = arith.select %and3A_143, %sub3A_145, %div3A_124 : i32
      %rem3A_147 = arith.constant 8 : i32
      %rem3A_148 = arith.remsi %scan3A_122, %rem3A_147 : i32
      %broadcast_in_dim3A = arith.constant 0.000000e+00 : f32
      %broadcast_in_dim3A_149 = vector.broadcast %broadcast_in_dim3A : f32 to vector<16xf32>
      %mul3A_150 = arith.constant 16 : i32
      %mul3A_151 = arith.muli %rem3A_148, %mul3A_150 : i32
      %swap3A = arith.constant 0 : i32
      %swap3A_152 = arith.index_cast %swap3A : i32 to index
      %swap3A_153 = arith.index_cast %select_n3A_146 : i32 to index
      %swap3A_154 = arith.index_cast %mul3A_151 : i32 to index
      %swap3A_155 = tpu.vector_load %arg6[%swap3A_152, %swap3A_153, %swap3A_154] {strides = array<i32>} : memref<2x128x128xf32, #tpu.memory_space<vmem>>, vector<1x1x16xf32>,
      %swap3A_156 = vector.shape_cast %swap3A_155 : vector<1x1x16xf32> to vector<16xf32>
      %swap3A_157 = vector.shape_cast %broadcast_in_dim3A_149 : vector<16xf32> to vector<1x1x16xf32>
      tpu.vector_store %arg6[%swap3A_152, %swap3A_153, %swap3A_154], %swap3A_157 {strides = array<i32>} : memref<2x128x128xf32, #tpu.memory_space<vmem>>, vector<1x1x16xf32>,
    }
    %scan3A_16 = arith.constant 1024 : i32
    %add3A_17 = arith.constant 0 : i32
    %add3A_18 = arith.addi %multiple_of3A, %add3A_17 : i32
    %run_scoped3A = arith.constant 0 : i32
    "tpu.region"() ({
      %run_scoped3A_122 = tpu.sem_alloc : memref<!tpu.dma_semaphore, #tpu.memory_space<semaphore_mem>>
      %dma_start3A_123 = arith.constant 0 : i32
      %dma_start3A_124 = arith.constant 0 : i32
      %dma_start3A_125 = tpu.memref_slice %arg6[%run_scoped3A, %dma_start3A_123, %dma_start3A_124] : memref<2x128x128xf32, #tpu.memory_space<vmem>> -> memref<1x128x128xf32, #tpu.memory_space<vmem>>
      %dma_start3A_126 = tpu.memref_squeeze %dma_start3A_125 : memref<1x128x128xf32, #tpu.memory_space<vmem>> -> memref<128x128xf32, #tpu.memory_space<vmem>>
      %dma_start3A_127 = arith.constant 0 : i32
      %dma_start3A_128 = tpu.memref_slice %arg7[%add3A_18, %dma_start3A_127] : memref<10240x128xf32, #tpu.memory_space<vmem_shared>> -> memref<128x128xf32, #tpu.memory_space<vmem_shared>>
      %dma_start3A_129 = arith.constant 0 : i32
      %dma_start3A_130 = tpu.memref_slice %arg7[%add3A_18, %dma_start3A_129] : memref<10240x128xf32, #tpu.memory_space<vmem_shared>> -> memref<128x128xf32, #tpu.memory_space<vmem_shared>>
      %dma_start3A_131 = arith.constant 0 : i32
      %dma_start3A_132 = arith.constant 0 : i32
      %dma_start3A_133 = tpu.memref_slice %arg6[%run_scoped3A, %dma_start3A_131, %dma_start3A_132] : memref<2x128x128xf32, #tpu.memory_space<vmem>> -> memref<1x128x128xf32, #tpu.memory_space<vmem>>
      %dma_start3A_134 = tpu.memref_squeeze %dma_start3A_133 : memref<1x128x128xf32, #tpu.memory_space<vmem>> -> memref<128x128xf32, #tpu.memory_space<vmem>>
      tpu.enqueue_dma source(%dma_start3A_134 : memref<128x128xf32, #tpu.memory_space<vmem>>) target(%dma_start3A_130 : memref<128x128xf32, #tpu.memory_space<vmem_shared>>) target_semaphore(%run_scoped3A_122 : memref<!tpu.dma_semaphore, #tpu.memory_space<semaphore_mem>>)
      %dma_wait3A_135 = arith.constant 0 : i32
      %dma_wait3A_136 = arith.constant 0 : i32
      %dma_wait3A_137 = tpu.memref_slice %arg6[%run_scoped3A, %dma_wait3A_135, %dma_wait3A_136] : memref<2x128x128xf32, #tpu.memory_space<vmem>> -> memref<1x128x128xf32, #tpu.memory_space<vmem>>
      %dma_wait3A_138 = tpu.memref_squeeze %dma_wait3A_137 : memref<1x128x128xf32, #tpu.memory_space<vmem>> -> memref<128x128xf32, #tpu.memory_space<vmem>>
      %dma_wait3A_139 = arith.constant 0 : i32
      %dma_wait3A_140 = tpu.memref_slice %arg7[%add3A_18, %dma_wait3A_139] : memref<10240x128xf32, #tpu.memory_space<vmem_shared>> -> memref<128x128xf32, #tpu.memory_space<vmem_shared>>
      %dma_wait3A_141 = arith.constant 0 : i32
      %dma_wait3A_142 = tpu.memref_slice %arg7[%add3A_18, %dma_wait3A_141] : memref<10240x128xf32, #tpu.memory_space<vmem_shared>> -> memref<128x128xf32, #tpu.memory_space<vmem_shared>>
      %dma_wait3A_143 = arith.constant 0 : i32
      %dma_wait3A_144 = arith.constant 0 : i32
      %dma_wait3A_145 = tpu.memref_slice %arg6[%run_scoped3A, %dma_wait3A_143, %dma_wait3A_144] : memref<2x128x128xf32, #tpu.memory_space<vmem>> -> memref<1x128x128xf32, #tpu.memory_space<vmem>>
      %dma_wait3A_146 = tpu.memref_squeeze %dma_wait3A_145 : memref<1x128x128xf32, #tpu.memory_space<vmem>> -> memref<128x128xf32, #tpu.memory_space<vmem>>
      tpu.wait_dma2 semaphore(%run_scoped3A_122 : memref<!tpu.dma_semaphore, #tpu.memory_space<semaphore_mem>>) src(%dma_wait3A_146 : memref<128x128xf32, #tpu.memory_space<vmem>>) dst(%dma_wait3A_142 : memref<128x128xf32, #tpu.memory_space<vmem_shared>>)
      tpu.yield
    }) : () -> ()
    %add3A_19 = arith.constant 128 : i32
    %add3A_20 = arith.addi %multiple_of3A, %add3A_19 : i32
    %run_scoped3A_21 = arith.constant 0 : i32
    "tpu.region"() ({
      %run_scoped3A_122 = tpu.sem_alloc : memref<!tpu.dma_semaphore, #tpu.memory_space<semaphore_mem>>
      %dma_start3A_123 = arith.constant 0 : i32
      %dma_start3A_124 = arith.constant 0 : i32
      %dma_start3A_125 = tpu.memref_slice %arg6[%run_scoped3A_21, %dma_start3A_123, %dma_start3A_124] : memref<2x128x128xf32, #tpu.memory_space<vmem>> -> memref<1x128x128xf32, #tpu.memory_space<vmem>>
      %dma_start3A_126 = tpu.memref_squeeze %dma_start3A_125 : memref<1x128x128xf32, #tpu.memory_space<vmem>> -> memref<128x128xf32, #tpu.memory_space<vmem>>
      %dma_start3A_127 = arith.constant 0 : i32
      %dma_start3A_128 = tpu.memref_slice %arg7[%add3A_20, %dma_start3A_127] : memref<10240x128xf32, #tpu.memory_space<vmem_shared>> -> memref<128x128xf32, #tpu.memory_space<vmem_shared>>
      %dma_start3A_129 = arith.constant 0 : i32
      %dma_start3A_130 = tpu.memref_slice %arg7[%add3A_20, %dma_start3A_129] : memref<10240x128xf32, #tpu.memory_space<vmem_shared>> -> memref<128x128xf32, #tpu.memory_space<vmem_shared>>
      %dma_start3A_131 = arith.constant 0 : i32
      %dma_start3A_132 = arith.constant 0 : i32
      %dma_start3A_133 = tpu.memref_slice %arg6[%run_scoped3A_21, %dma_start3A_131, %dma_start3A_132] : memref<2x128x128xf32, #tpu.memory_space<vmem>> -> memref<1x128x128xf32, #tpu.memory_space<vmem>>
      %dma_start3A_134 = tpu.memref_squeeze %dma_start3A_133 : memref<1x128x128xf32, #tpu.memory_space<vmem>> -> memref<128x128xf32, #tpu.memory_space<vmem>>
      tpu.enqueue_dma source(%dma_start3A_134 : memref<128x128xf32, #tpu.memory_space<vmem>>) target(%dma_start3A_130 : memref<128x128xf32, #tpu.memory_space<vmem_shared>>) target_semaphore(%run_scoped3A_122 : memref<!tpu.dma_semaphore, #tpu.memory_space<semaphore_mem>>)
      %dma_wait3A_135 = arith.constant 0 : i32
      %dma_wait3A_136 = arith.constant 0 : i32
      %dma_wait3A_137 = tpu.memref_slice %arg6[%run_scoped3A_21, %dma_wait3A_135, %dma_wait3A_136] : memref<2x128x128xf32, #tpu.memory_space<vmem>> -> memref<1x128x128xf32, #tpu.memory_space<vmem>>
      %dma_wait3A_138 = tpu.memref_squeeze %dma_wait3A_137 : memref<1x128x128xf32, #tpu.memory_space<vmem>> -> memref<128x128xf32, #tpu.memory_space<vmem>>
      %dma_wait3A_139 = arith.constant 0 : i32
      %dma_wait3A_140 = tpu.memref_slice %arg7[%add3A_20, %dma_wait3A_139] : memref<10240x128xf32, #tpu.memory_space<vmem_shared>> -> memref<128x128xf32, #tpu.memory_space<vmem_shared>>
      %dma_wait3A_141 = arith.constant 0 : i32
      %dma_wait3A_142 = tpu.memref_slice %arg7[%add3A_20, %dma_wait3A_141] : memref<10240x128xf32, #tpu.memory_space<vmem_shared>> -> memref<128x128xf32, #tpu.memory_space<vmem_shared>>
      %dma_wait3A_143 = arith.constant 0 : i32
      %dma_wait3A_144 = arith.constant 0 : i32
      %dma_wait3A_145 = tpu.memref_slice %arg6[%run_scoped3A_21, %dma_wait3A_143, %dma_wait3A_144] : memref<2x128x128xf32, #tpu.memory_space<vmem>> -> memref<1x128x128xf32, #tpu.memory_space<vmem>>
      %dma_wait3A_146 = tpu.memref_squeeze %dma_wait3A_145 : memref<1x128x128xf32, #tpu.memory_space<vmem>> -> memref<128x128xf32, #tpu.memory_space<vmem>>
      tpu.wait_dma2 semaphore(%run_scoped3A_122 : memref<!tpu.dma_semaphore, #tpu.memory_space<semaphore_mem>>) src(%dma_wait3A_146 : memref<128x128xf32, #tpu.memory_space<vmem>>) dst(%dma_wait3A_142 : memref<128x128xf32, #tpu.memory_space<vmem_shared>>)
      tpu.yield
    }) : () -> ()
    %add3A_22 = arith.constant 256 : i32
    %add3A_23 = arith.addi %multiple_of3A, %add3A_22 : i32
    %run_scoped3A_24 = arith.constant 0 : i32
    "tpu.region"() ({
      %run_scoped3A_122 = tpu.sem_alloc : memref<!tpu.dma_semaphore, #tpu.memory_space<semaphore_mem>>
      %dma_start3A_123 = arith.constant 0 : i32
      %dma_start3A_124 = arith.constant 0 : i32
      %dma_start3A_125 = tpu.memref_slice %arg6[%run_scoped3A_24, %dma_start3A_123, %dma_start3A_124] : memref<2x128x128xf32, #tpu.memory_space<vmem>> -> memref<1x128x128xf32, #tpu.memory_space<vmem>>
      %dma_start3A_126 = tpu.memref_squeeze %dma_start3A_125 : memref<1x128x128xf32, #tpu.memory_space<vmem>> -> memref<128x128xf32, #tpu.memory_space<vmem>>
      %dma_start3A_127 = arith.constant 0 : i32
      %dma_start3A_128 = tpu.memref_slice %arg7[%add3A_23, %dma_start3A_127] : memref<10240x128xf32, #tpu.memory_space<vmem_shared>> -> memref<128x128xf32, #tpu.memory_space<vmem_shared>>
      %dma_start3A_129 = arith.constant 0 : i32
      %dma_start3A_130 = tpu.memref_slice %arg7[%add3A_23, %dma_start3A_129] : memref<10240x128xf32, #tpu.memory_space<vmem_shared>> -> memref<128x128xf32, #tpu.memory_space<vmem_shared>>
      %dma_start3A_131 = arith.constant 0 : i32
      %dma_start3A_132 = arith.constant 0 : i32
      %dma_start3A_133 = tpu.memref_slice %arg6[%run_scoped3A_24, %dma_start3A_131, %dma_start3A_132] : memref<2x128x128xf32, #tpu.memory_space<vmem>> -> memref<1x128x128xf32, #tpu.memory_space<vmem>>
      %dma_start3A_134 = tpu.memref_squeeze %dma_start3A_133 : memref<1x128x128xf32, #tpu.memory_space<vmem>> -> memref<128x128xf32, #tpu.memory_space<vmem>>
      tpu.enqueue_dma source(%dma_start3A_134 : memref<128x128xf32, #tpu.memory_space<vmem>>) target(%dma_start3A_130 : memref<128x128xf32, #tpu.memory_space<vmem_shared>>) target_semaphore(%run_scoped3A_122 : memref<!tpu.dma_semaphore, #tpu.memory_space<semaphore_mem>>)
      %dma_wait3A_135 = arith.constant 0 : i32
      %dma_wait3A_136 = arith.constant 0 : i32
      %dma_wait3A_137 = tpu.memref_slice %arg6[%run_scoped3A_24, %dma_wait3A_135, %dma_wait3A_136] : memref<2x128x128xf32, #tpu.memory_space<vmem>> -> memref<1x128x128xf32, #tpu.memory_space<vmem>>
      %dma_wait3A_138 = tpu.memref_squeeze %dma_wait3A_137 : memref<1x128x128xf32, #tpu.memory_space<vmem>> -> memref<128x128xf32, #tpu.memory_space<vmem>>
      %dma_wait3A_139 = arith.constant 0 : i32
      %dma_wait3A_140 = tpu.memref_slice %arg7[%add3A_23, %dma_wait3A_139] : memref<10240x128xf32, #tpu.memory_space<vmem_shared>> -> memref<128x128xf32, #tpu.memory_space<vmem_shared>>
      %dma_wait3A_141 = arith.constant 0 : i32
      %dma_wait3A_142 = tpu.memref_slice %arg7[%add3A_23, %dma_wait3A_141] : memref<10240x128xf32, #tpu.memory_space<vmem_shared>> -> memref<128x128xf32, #tpu.memory_space<vmem_shared>>
      %dma_wait3A_143 = arith.constant 0 : i32
      %dma_wait3A_144 = arith.constant 0 : i32
      %dma_wait3A_145 = tpu.memref_slice %arg6[%run_scoped3A_24, %dma_wait3A_143, %dma_wait3A_144] : memref<2x128x128xf32, #tpu.memory_space<vmem>> -> memref<1x128x128xf32, #tpu.memory_space<vmem>>
      %dma_wait3A_146 = tpu.memref_squeeze %dma_wait3A_145 : memref<1x128x128xf32, #tpu.memory_space<vmem>> -> memref<128x128xf32, #tpu.memory_space<vmem>>
      tpu.wait_dma2 semaphore(%run_scoped3A_122 : memref<!tpu.dma_semaphore, #tpu.memory_space<semaphore_mem>>) src(%dma_wait3A_146 : memref<128x128xf32, #tpu.memory_space<vmem>>) dst(%dma_wait3A_142 : memref<128x128xf32, #tpu.memory_space<vmem_shared>>)
      tpu.yield
    }) : () -> ()
    %add3A_25 = arith.constant 384 : i32
    %add3A_26 = arith.addi %multiple_of3A, %add3A_25 : i32
    %run_scoped3A_27 = arith.constant 0 : i32
    "tpu.region"() ({
      %run_scoped3A_122 = tpu.sem_alloc : memref<!tpu.dma_semaphore, #tpu.memory_space<semaphore_mem>>
      %dma_start3A_123 = arith.constant 0 : i32
      %dma_start3A_124 = arith.constant 0 : i32
      %dma_start3A_125 = tpu.memref_slice %arg6[%run_scoped3A_27, %dma_start3A_123, %dma_start3A_124] : memref<2x128x128xf32, #tpu.memory_space<vmem>> -> memref<1x128x128xf32, #tpu.memory_space<vmem>>
      %dma_start3A_126 = tpu.memref_squeeze %dma_start3A_125 : memref<1x128x128xf32, #tpu.memory_space<vmem>> -> memref<128x128xf32, #tpu.memory_space<vmem>>
      %dma_start3A_127 = arith.constant 0 : i32
      %dma_start3A_128 = tpu.memref_slice %arg7[%add3A_26, %dma_start3A_127] : memref<10240x128xf32, #tpu.memory_space<vmem_shared>> -> memref<128x128xf32, #tpu.memory_space<vmem_shared>>
      %dma_start3A_129 = arith.constant 0 : i32
      %dma_start3A_130 = tpu.memref_slice %arg7[%add3A_26, %dma_start3A_129] : memref<10240x128xf32, #tpu.memory_space<vmem_shared>> -> memref<128x128xf32, #tpu.memory_space<vmem_shared>>
      %dma_start3A_131 = arith.constant 0 : i32
      %dma_start3A_132 = arith.constant 0 : i32
      %dma_start3A_133 = tpu.memref_slice %arg6[%run_scoped3A_27, %dma_start3A_131, %dma_start3A_132] : memref<2x128x128xf32, #tpu.memory_space<vmem>> -> memref<1x128x128xf32, #tpu.memory_space<vmem>>
      %dma_start3A_134 = tpu.memref_squeeze %dma_start3A_133 : memref<1x128x128xf32, #tpu.memory_space<vmem>> -> memref<128x128xf32, #tpu.memory_space<vmem>>
      tpu.enqueue_dma source(%dma_start3A_134 : memref<128x128xf32, #tpu.memory_space<vmem>>) target(%dma_start3A_130 : memref<128x128xf32, #tpu.memory_space<vmem_shared>>) target_semaphore(%run_scoped3A_122 : memref<!tpu.dma_semaphore, #tpu.memory_space<semaphore_mem>>)
      %dma_wait3A_135 = arith.constant 0 : i32
      %dma_wait3A_136 = arith.constant 0 : i32
      %dma_wait3A_137 = tpu.memref_slice %arg6[%run_scoped3A_27, %dma_wait3A_135, %dma_wait3A_136] : memref<2x128x128xf32, #tpu.memory_space<vmem>> -> memref<1x128x128xf32, #tpu.memory_space<vmem>>
      %dma_wait3A_138 = tpu.memref_squeeze %dma_wait3A_137 : memref<1x128x128xf32, #tpu.memory_space<vmem>> -> memref<128x128xf32, #tpu.memory_space<vmem>>
      %dma_wait3A_139 = arith.constant 0 : i32
      %dma_wait3A_140 = tpu.memref_slice %arg7[%add3A_26, %dma_wait3A_139] : memref<10240x128xf32, #tpu.memory_space<vmem_shared>> -> memref<128x128xf32, #tpu.memory_space<vmem_shared>>
      %dma_wait3A_141 = arith.constant 0 : i32
      %dma_wait3A_142 = tpu.memref_slice %arg7[%add3A_26, %dma_wait3A_141] : memref<10240x128xf32, #tpu.memory_space<vmem_shared>> -> memref<128x128xf32, #tpu.memory_space<vmem_shared>>
      %dma_wait3A_143 = arith.constant 0 : i32
      %dma_wait3A_144 = arith.constant 0 : i32
      %dma_wait3A_145 = tpu.memref_slice %arg6[%run_scoped3A_27, %dma_wait3A_143, %dma_wait3A_144] : memref<2x128x128xf32, #tpu.memory_space<vmem>> -> memref<1x128x128xf32, #tpu.memory_space<vmem>>
      %dma_wait3A_146 = tpu.memref_squeeze %dma_wait3A_145 : memref<1x128x128xf32, #tpu.memory_space<vmem>> -> memref<128x128xf32, #tpu.memory_space<vmem>>
      tpu.wait_dma2 semaphore(%run_scoped3A_122 : memref<!tpu.dma_semaphore, #tpu.memory_space<semaphore_mem>>) src(%dma_wait3A_146 : memref<128x128xf32, #tpu.memory_space<vmem>>) dst(%dma_wait3A_142 : memref<128x128xf32, #tpu.memory_space<vmem_shared>>)
      tpu.yield
    }) : () -> ()
    %add3A_28 = arith.constant 512 : i32
    %add3A_29 = arith.addi %multiple_of3A, %add3A_28 : i32
    %run_scoped3A_30 = arith.constant 0 : i32
    "tpu.region"() ({
      %run_scoped3A_122 = tpu.sem_alloc : memref<!tpu.dma_semaphore, #tpu.memory_space<semaphore_mem>>
      %dma_start3A_123 = arith.constant 0 : i32
      %dma_start3A_124 = arith.constant 0 : i32
      %dma_start3A_125 = tpu.memref_slice %arg6[%run_scoped3A_30, %dma_start3A_123, %dma_start3A_124] : memref<2x128x128xf32, #tpu.memory_space<vmem>> -> memref<1x128x128xf32, #tpu.memory_space<vmem>>
      %dma_start3A_126 = tpu.memref_squeeze %dma_start3A_125 : memref<1x128x128xf32, #tpu.memory_space<vmem>> -> memref<128x128xf32, #tpu.memory_space<vmem>>
      %dma_start3A_127 = arith.constant 0 : i32
      %dma_start3A_128 = tpu.memref_slice %arg7[%add3A_29, %dma_start3A_127] : memref<10240x128xf32, #tpu.memory_space<vmem_shared>> -> memref<128x128xf32, #tpu.memory_space<vmem_shared>>
      %dma_start3A_129 = arith.constant 0 : i32
      %dma_start3A_130 = tpu.memref_slice %arg7[%add3A_29, %dma_start3A_129] : memref<10240x128xf32, #tpu.memory_space<vmem_shared>> -> memref<128x128xf32, #tpu.memory_space<vmem_shared>>
      %dma_start3A_131 = arith.constant 0 : i32
      %dma_start3A_132 = arith.constant 0 : i32
      %dma_start3A_133 = tpu.memref_slice %arg6[%run_scoped3A_30, %dma_start3A_131, %dma_start3A_132] : memref<2x128x128xf32, #tpu.memory_space<vmem>> -> memref<1x128x128xf32, #tpu.memory_space<vmem>>
      %dma_start3A_134 = tpu.memref_squeeze %dma_start3A_133 : memref<1x128x128xf32, #tpu.memory_space<vmem>> -> memref<128x128xf32, #tpu.memory_space<vmem>>
      tpu.enqueue_dma source(%dma_start3A_134 : memref<128x128xf32, #tpu.memory_space<vmem>>) target(%dma_start3A_130 : memref<128x128xf32, #tpu.memory_space<vmem_shared>>) target_semaphore(%run_scoped3A_122 : memref<!tpu.dma_semaphore, #tpu.memory_space<semaphore_mem>>)
      %dma_wait3A_135 = arith.constant 0 : i32
      %dma_wait3A_136 = arith.constant 0 : i32
      %dma_wait3A_137 = tpu.memref_slice %arg6[%run_scoped3A_30, %dma_wait3A_135, %dma_wait3A_136] : memref<2x128x128xf32, #tpu.memory_space<vmem>> -> memref<1x128x128xf32, #tpu.memory_space<vmem>>
      %dma_wait3A_138 = tpu.memref_squeeze %dma_wait3A_137 : memref<1x128x128xf32, #tpu.memory_space<vmem>> -> memref<128x128xf32, #tpu.memory_space<vmem>>
      %dma_wait3A_139 = arith.constant 0 : i32
      %dma_wait3A_140 = tpu.memref_slice %arg7[%add3A_29, %dma_wait3A_139] : memref<10240x128xf32, #tpu.memory_space<vmem_shared>> -> memref<128x128xf32, #tpu.memory_space<vmem_shared>>
      %dma_wait3A_141 = arith.constant 0 : i32
      %dma_wait3A_142 = tpu.memref_slice %arg7[%add3A_29, %dma_wait3A_141] : memref<10240x128xf32, #tpu.memory_space<vmem_shared>> -> memref<128x128xf32, #tpu.memory_space<vmem_shared>>
      %dma_wait3A_143 = arith.constant 0 : i32
      %dma_wait3A_144 = arith.constant 0 : i32
      %dma_wait3A_145 = tpu.memref_slice %arg6[%run_scoped3A_30, %dma_wait3A_143, %dma_wait3A_144] : memref<2x128x128xf32, #tpu.memory_space<vmem>> -> memref<1x128x128xf32, #tpu.memory_space<vmem>>
      %dma_wait3A_146 = tpu.memref_squeeze %dma_wait3A_145 : memref<1x128x128xf32, #tpu.memory_space<vmem>> -> memref<128x128xf32, #tpu.memory_space<vmem>>
      tpu.wait_dma2 semaphore(%run_scoped3A_122 : memref<!tpu.dma_semaphore, #tpu.memory_space<semaphore_mem>>) src(%dma_wait3A_146 : memref<128x128xf32, #tpu.memory_space<vmem>>) dst(%dma_wait3A_142 : memref<128x128xf32, #tpu.memory_space<vmem_shared>>)
      tpu.yield
    }) : () -> ()
    %barrier3A = arith.constant 0 : index
    tpu.barrier barrier_id(%barrier3A)
    %dma_start3A = arith.constant 0 : i32
    %dma_start3A_31 = arith.constant 0 : i32
    %dma_start3A_32 = arith.constant 0 : i32
    %dma_start3A_33 = tpu.memref_slice %arg5[%dma_start3A, %dma_start3A_31, %dma_start3A_32] : memref<2x2x128xi32, #tpu.memory_space<vmem>> -> memref<1x2x128xi32, #tpu.memory_space<vmem>>
    %dma_start3A_34 = tpu.memref_squeeze %dma_start3A_33 : memref<1x2x128xi32, #tpu.memory_space<vmem>> -> memref<2x128xi32, #tpu.memory_space<vmem>>
    %dma_start3A_35 = arith.constant 0 : i32
    %dma_start3A_36 = arith.constant 0 : i32
    %dma_start3A_37 = tpu.memref_slice %arg3[%select_n3A_11, %dma_start3A_35, %dma_start3A_36] : memref<2560x2x128xi32, #tpu.memory_space<hbm>> -> memref<1x2x128xi32, #tpu.memory_space<hbm>>
    %dma_start3A_38 = tpu.memref_squeeze %dma_start3A_37 : memref<1x2x128xi32, #tpu.memory_space<hbm>> -> memref<2x128xi32, #tpu.memory_space<hbm>>
    %dma_start3A_39 = arith.constant 0 : i32
    %dma_start3A_40 = arith.constant 0 : i32
    %dma_start3A_41 = tpu.memref_slice %arg5[%dma_start3A, %dma_start3A_39, %dma_start3A_40] : memref<2x2x128xi32, #tpu.memory_space<vmem>> -> memref<1x2x128xi32, #tpu.memory_space<vmem>>
    %dma_start3A_42 = tpu.memref_squeeze %dma_start3A_41 : memref<1x2x128xi32, #tpu.memory_space<vmem>> -> memref<2x128xi32, #tpu.memory_space<vmem>>
    %dma_start3A_43 = arith.constant 0 : i32
    %dma_start3A_44 = arith.constant 0 : i32
    %dma_start3A_45 = tpu.memref_slice %arg3[%select_n3A_11, %dma_start3A_43, %dma_start3A_44] : memref<2560x2x128xi32, #tpu.memory_space<hbm>> -> memref<1x2x128xi32, #tpu.memory_space<hbm>>
    %dma_start3A_46 = tpu.memref_squeeze %dma_start3A_45 : memref<1x2x128xi32, #tpu.memory_space<hbm>> -> memref<2x128xi32, #tpu.memory_space<hbm>>
    tpu.enqueue_dma source(%dma_start3A_46 : memref<2x128xi32, #tpu.memory_space<hbm>>) target(%dma_start3A_42 : memref<2x128xi32, #tpu.memory_space<vmem>>) target_semaphore(%arg8 : memref<!tpu.dma_semaphore, #tpu.memory_space<semaphore_mem>>)
    %add3A_47 = arith.constant 1 : i32
    %add3A_48 = arith.addi %select_n3A_11, %add3A_47 : i32
    %dma_start3A_49 = arith.constant 1 : i32
    %dma_start3A_50 = arith.constant 0 : i32
    %dma_start3A_51 = arith.constant 0 : i32
    %dma_start3A_52 = tpu.memref_slice %arg5[%dma_start3A_49, %dma_start3A_50, %dma_start3A_51] : memref<2x2x128xi32, #tpu.memory_space<vmem>> -> memref<1x2x128xi32, #tpu.memory_space<vmem>>
    %dma_start3A_53 = tpu.memref_squeeze %dma_start3A_52 : memref<1x2x128xi32, #tpu.memory_space<vmem>> -> memref<2x128xi32, #tpu.memory_space<vmem>>
    %dma_start3A_54 = arith.constant 0 : i32
    %dma_start3A_55 = arith.constant 0 : i32
    %dma_start3A_56 = tpu.memref_slice %arg3[%add3A_48, %dma_start3A_54, %dma_start3A_55] : memref<2560x2x128xi32, #tpu.memory_space<hbm>> -> memref<1x2x128xi32, #tpu.memory_space<hbm>>
    %dma_start3A_57 = tpu.memref_squeeze %dma_start3A_56 : memref<1x2x128xi32, #tpu.memory_space<hbm>> -> memref<2x128xi32, #tpu.memory_space<hbm>>
    %dma_start3A_58 = arith.constant 0 : i32
    %dma_start3A_59 = arith.constant 0 : i32
    %dma_start3A_60 = tpu.memref_slice %arg5[%dma_start3A_49, %dma_start3A_58, %dma_start3A_59] : memref<2x2x128xi32, #tpu.memory_space<vmem>> -> memref<1x2x128xi32, #tpu.memory_space<vmem>>
    %dma_start3A_61 = tpu.memref_squeeze %dma_start3A_60 : memref<1x2x128xi32, #tpu.memory_space<vmem>> -> memref<2x128xi32, #tpu.memory_space<vmem>>
    %dma_start3A_62 = arith.constant 0 : i32
    %dma_start3A_63 = arith.constant 0 : i32
    %dma_start3A_64 = tpu.memref_slice %arg3[%add3A_48, %dma_start3A_62, %dma_start3A_63] : memref<2560x2x128xi32, #tpu.memory_space<hbm>> -> memref<1x2x128xi32, #tpu.memory_space<hbm>>
    %dma_start3A_65 = tpu.memref_squeeze %dma_start3A_64 : memref<1x2x128xi32, #tpu.memory_space<hbm>> -> memref<2x128xi32, #tpu.memory_space<hbm>>
    tpu.enqueue_dma source(%dma_start3A_65 : memref<2x128xi32, #tpu.memory_space<hbm>>) target(%dma_start3A_61 : memref<2x128xi32, #tpu.memory_space<vmem>>) target_semaphore(%arg9 : memref<!tpu.dma_semaphore, #tpu.memory_space<semaphore_mem>>)
    %dma_wait3A = arith.constant 0 : i32
    %dma_wait3A_66 = arith.constant 0 : i32
    %dma_wait3A_67 = arith.constant 0 : i32
    %dma_wait3A_68 = tpu.memref_slice %arg5[%dma_wait3A, %dma_wait3A_66, %dma_wait3A_67] : memref<2x2x128xi32, #tpu.memory_space<vmem>> -> memref<1x2x128xi32, #tpu.memory_space<vmem>>
    %dma_wait3A_69 = tpu.memref_squeeze %dma_wait3A_68 : memref<1x2x128xi32, #tpu.memory_space<vmem>> -> memref<2x128xi32, #tpu.memory_space<vmem>>
    %dma_wait3A_70 = arith.constant 0 : i32
    %dma_wait3A_71 = arith.constant 0 : i32
    %dma_wait3A_72 = tpu.memref_slice %arg3[%select_n3A_11, %dma_wait3A_70, %dma_wait3A_71] : memref<2560x2x128xi32, #tpu.memory_space<hbm>> -> memref<1x2x128xi32, #tpu.memory_space<hbm>>
    %dma_wait3A_73 = tpu.memref_squeeze %dma_wait3A_72 : memref<1x2x128xi32, #tpu.memory_space<hbm>> -> memref<2x128xi32, #tpu.memory_space<hbm>>
    %dma_wait3A_74 = arith.constant 0 : i32
    %dma_wait3A_75 = arith.constant 0 : i32
    %dma_wait3A_76 = tpu.memref_slice %arg5[%dma_wait3A, %dma_wait3A_74, %dma_wait3A_75] : memref<2x2x128xi32, #tpu.memory_space<vmem>> -> memref<1x2x128xi32, #tpu.memory_space<vmem>>
    %dma_wait3A_77 = tpu.memref_squeeze %dma_wait3A_76 : memref<1x2x128xi32, #tpu.memory_space<vmem>> -> memref<2x128xi32, #tpu.memory_space<vmem>>
    %dma_wait3A_78 = arith.constant 0 : i32
    %dma_wait3A_79 = arith.constant 0 : i32
    %dma_wait3A_80 = tpu.memref_slice %arg3[%select_n3A_11, %dma_wait3A_78, %dma_wait3A_79] : memref<2560x2x128xi32, #tpu.memory_space<hbm>> -> memref<1x2x128xi32, #tpu.memory_space<hbm>>
    %dma_wait3A_81 = tpu.memref_squeeze %dma_wait3A_80 : memref<1x2x128xi32, #tpu.memory_space<hbm>> -> memref<2x128xi32, #tpu.memory_space<hbm>>
    tpu.wait_dma2 semaphore(%arg8 : memref<!tpu.dma_semaphore, #tpu.memory_space<semaphore_mem>>) src(%dma_wait3A_81 : memref<2x128xi32, #tpu.memory_space<hbm>>) dst(%dma_wait3A_77 : memref<2x128xi32, #tpu.memory_space<vmem>>)
    %dma_start3A_82 = arith.constant 0 : i32
    %dma_start3A_83 = arith.constant 0 : i32
    %dma_start3A_84 = arith.constant 0 : i32
    %dma_start3A_85 = arith.constant 0 : i32
    %dma_start3A_86 = arith.constant 0 : i32
    %dma_start3A_87 = tpu.memref_slice %arg6[%dma_start3A_84, %dma_start3A_85, %dma_start3A_86] : memref<2x128x128xf32, #tpu.memory_space<vmem>> -> memref<1x128x128xf32, #tpu.memory_space<vmem>>
    %dma_start3A_88 = tpu.memref_squeeze %dma_start3A_87 : memref<1x128x128xf32, #tpu.memory_space<vmem>> -> memref<128x128xf32, #tpu.memory_space<vmem>>
    %dma_start3A_89 = arith.constant 0 : i32
    %dma_start3A_90 = tpu.memref_slice %arg5[%dma_start3A_82, %dma_start3A_83, %dma_start3A_89] : memref<2x2x128xi32, #tpu.memory_space<vmem>> -> memref<1x1x128xi32, #tpu.memory_space<vmem>>
    %dma_start3A_91 = tpu.memref_squeeze %dma_start3A_90 : memref<1x1x128xi32, #tpu.memory_space<vmem>> -> memref<128xi32, #tpu.memory_space<vmem>>
    %dma_start3A_92 = arith.constant 0 : i32
    %dma_start3A_93 = arith.constant 0 : i32
    %dma_start3A_94 = tpu.memref_slice %arg2[%dma_start3A_92, %dma_start3A_93] : memref<10000x128xf32, #tpu.memory_space<hbm>> -> memref<10000x128xf32, #tpu.memory_space<hbm>>
    tpu.enqueue_indirect_dma source(%dma_start3A_94 : memref<10000x128xf32, #tpu.memory_space<hbm>>) target(%dma_start3A_88 : memref<128x128xf32, #tpu.memory_space<vmem>>) offsets(%dma_start3A_91 : memref<128xi32, #tpu.memory_space<vmem>>) semaphore(%arg10 : memref<!tpu.dma_semaphore, #tpu.memory_space<semaphore_mem>>)
    %jit3A = arith.constant 2 : i32
    %div3A = arith.divsi %select_n3A_3, %jit3A : i32
    %sign3A = arith.constant 0 : i32
    %sign3A_95 = arith.cmpi sgt, %select_n3A_3, %sign3A : i32
    %sign3A_96 = arith.extui %sign3A_95 : i1 to i32
    %sign3A_97 = arith.constant 0 : i32
    %sign3A_98 = arith.cmpi slt, %select_n3A_3, %sign3A_97 : i32
    %sign3A_99 = arith.extui %sign3A_98 : i1 to i32
    %sign3A_100 = arith.subi %sign3A_96, %sign3A_99 : i32
    %sign3A_101 = arith.constant 0 : i32
    %sign3A_102 = arith.cmpi sgt, %jit3A, %sign3A_101 : i32
    %sign3A_103 = arith.extui %sign3A_102 : i1 to i32
    %sign3A_104 = arith.constant 0 : i32
    %sign3A_105 = arith.cmpi slt, %jit3A, %sign3A_104 : i32
    %sign3A_106 = arith.extui %sign3A_105 : i1 to i32
    %sign3A_107 = arith.subi %sign3A_103, %sign3A_106 : i32
    %ne3A = arith.cmpi ne, %sign3A_100, %sign3A_107 : i32
    %rem3A = arith.remsi %select_n3A_3, %jit3A : i32
    %ne3A_108 = arith.constant 0 : i32
    %ne3A_109 = arith.cmpi ne, %rem3A, %ne3A_108 : i32
    %and3A = arith.andi %ne3A, %ne3A_109 : i1
    %sub3A = arith.constant 1 : i32
    %sub3A_110 = arith.subi %div3A, %sub3A : i32
    %select_n3A_111 = arith.select %and3A, %sub3A_110, %div3A : i32
    %while3A = arith.constant 0 : i32
    %while3A_112 = arith.constant 0 : i32
    %while3A_113 = arith.subi %select_n3A_111, %while3A_112 : i32
    %while3A_114 = arith.addi %while3A_112, %while3A_113 : i32
    %while3A_115 = arith.constant 1 : i32
    %while3A_116 = arith.divsi %while3A_113, %while3A_115 : i32
    %while3A_117 = arith.muli %while3A_116, %while3A_115 : i32
    %while3A_118 = arith.addi %while3A_112, %while3A_117 : i32
    %while3A_119 = arith.constant 1 : i32
    scf.for %while3A_122 = %while3A_112 to %while3A_118 step %while3A_119  : i32 {
      %mul3A_123 = arith.constant 2 : i32
      %mul3A_124 = arith.muli %while3A_122, %mul3A_123 : i32
      %add3A_125 = arith.constant 0 : i32
      %add3A_126 = arith.addi %mul3A_124, %add3A_125 : i32
      %add3A_127 = arith.constant 1 : i32
      %add3A_128 = arith.addi %add3A_126, %add3A_127 : i32
      %lt3A = arith.cmpi slt, %add3A_128, %select_n3A_3 : i32
      %convert_element_type3A = arith.extui %lt3A : i1 to i32
      %cond3A = arith.constant 0 : i32
      %cond3A_129 = arith.cmpi ne, %convert_element_type3A, %cond3A : i32
      scf.if %cond3A_129 {
        %add3A_184 = arith.addi %select_n3A_11, %add3A_126 : i32
        %add3A_185 = arith.constant 1 : i32
        %add3A_186 = arith.addi %add3A_184, %add3A_185 : i32
        %dma_wait3A_187 = arith.constant 1 : i32
        %dma_wait3A_188 = arith.constant 0 : i32
        %dma_wait3A_189 = arith.constant 0 : i32
        %dma_wait3A_190 = tpu.memref_slice %arg5[%dma_wait3A_187, %dma_wait3A_188, %dma_wait3A_189] : memref<2x2x128xi32, #tpu.memory_space<vmem>> -> memref<1x2x128xi32, #tpu.memory_space<vmem>>
        %dma_wait3A_191 = tpu.memref_squeeze %dma_wait3A_190 : memref<1x2x128xi32, #tpu.memory_space<vmem>> -> memref<2x128xi32, #tpu.memory_space<vmem>>
        %dma_wait3A_192 = arith.constant 0 : i32
        %dma_wait3A_193 = arith.constant 0 : i32
        %dma_wait3A_194 = tpu.memref_slice %arg3[%add3A_186, %dma_wait3A_192, %dma_wait3A_193] : memref<2560x2x128xi32, #tpu.memory_space<hbm>> -> memref<1x2x128xi32, #tpu.memory_space<hbm>>
        %dma_wait3A_195 = tpu.memref_squeeze %dma_wait3A_194 : memref<1x2x128xi32, #tpu.memory_space<hbm>> -> memref<2x128xi32, #tpu.memory_space<hbm>>
        %dma_wait3A_196 = arith.constant 0 : i32
        %dma_wait3A_197 = arith.constant 0 : i32
        %dma_wait3A_198 = tpu.memref_slice %arg5[%dma_wait3A_187, %dma_wait3A_196, %dma_wait3A_197] : memref<2x2x128xi32, #tpu.memory_space<vmem>> -> memref<1x2x128xi32, #tpu.memory_space<vmem>>
        %dma_wait3A_199 = tpu.memref_squeeze %dma_wait3A_198 : memref<1x2x128xi32, #tpu.memory_space<vmem>> -> memref<2x128xi32, #tpu.memory_space<vmem>>
        %dma_wait3A_200 = arith.constant 0 : i32
        %dma_wait3A_201 = arith.constant 0 : i32
        %dma_wait3A_202 = tpu.memref_slice %arg3[%add3A_186, %dma_wait3A_200, %dma_wait3A_201] : memref<2560x2x128xi32, #tpu.memory_space<hbm>> -> memref<1x2x128xi32, #tpu.memory_space<hbm>>
        %dma_wait3A_203 = tpu.memref_squeeze %dma_wait3A_202 : memref<1x2x128xi32, #tpu.memory_space<hbm>> -> memref<2x128xi32, #tpu.memory_space<hbm>>
        tpu.wait_dma2 semaphore(%arg9 : memref<!tpu.dma_semaphore, #tpu.memory_space<semaphore_mem>>) src(%dma_wait3A_203 : memref<2x128xi32, #tpu.memory_space<hbm>>) dst(%dma_wait3A_199 : memref<2x128xi32, #tpu.memory_space<vmem>>)
        %dma_start3A_204 = arith.constant 1 : i32
        %dma_start3A_205 = arith.constant 0 : i32
        %dma_start3A_206 = arith.constant 1 : i32
        %dma_start3A_207 = arith.constant 0 : i32
        %dma_start3A_208 = arith.constant 0 : i32
        %dma_start3A_209 = tpu.memref_slice %arg6[%dma_start3A_206, %dma_start3A_207, %dma_start3A_208] : memref<2x128x128xf32, #tpu.memory_space<vmem>> -> memref<1x128x128xf32, #tpu.memory_space<vmem>>
        %dma_start3A_210 = tpu.memref_squeeze %dma_start3A_209 : memref<1x128x128xf32, #tpu.memory_space<vmem>> -> memref<128x128xf32, #tpu.memory_space<vmem>>
        %dma_start3A_211 = arith.constant 0 : i32
        %dma_start3A_212 = tpu.memref_slice %arg5[%dma_start3A_204, %dma_start3A_205, %dma_start3A_211] : memref<2x2x128xi32, #tpu.memory_space<vmem>> -> memref<1x1x128xi32, #tpu.memory_space<vmem>>
        %dma_start3A_213 = tpu.memref_squeeze %dma_start3A_212 : memref<1x1x128xi32, #tpu.memory_space<vmem>> -> memref<128xi32, #tpu.memory_space<vmem>>
        %dma_start3A_214 = arith.constant 0 : i32
        %dma_start3A_215 = arith.constant 0 : i32
        %dma_start3A_216 = tpu.memref_slice %arg2[%dma_start3A_214, %dma_start3A_215] : memref<10000x128xf32, #tpu.memory_space<hbm>> -> memref<10000x128xf32, #tpu.memory_space<hbm>>
        tpu.enqueue_indirect_dma source(%dma_start3A_216 : memref<10000x128xf32, #tpu.memory_space<hbm>>) target(%dma_start3A_210 : memref<128x128xf32, #tpu.memory_space<vmem>>) offsets(%dma_start3A_213 : memref<128xi32, #tpu.memory_space<vmem>>) semaphore(%arg11 : memref<!tpu.dma_semaphore, #tpu.memory_space<semaphore_mem>>)
      } else {
      }
      %dma_wait3A_130 = arith.constant 0 : i32
      %dma_wait3A_131 = arith.constant 0 : i32
      %dma_wait3A_132 = arith.constant 0 : i32
      %dma_wait3A_133 = arith.constant 0 : i32
      %dma_wait3A_134 = arith.constant 0 : i32
      %dma_wait3A_135 = tpu.memref_slice %arg6[%dma_wait3A_132, %dma_wait3A_133, %dma_wait3A_134] : memref<2x128x128xf32, #tpu.memory_space<vmem>> -> memref<1x128x128xf32, #tpu.memory_space<vmem>>
      %dma_wait3A_136 = tpu.memref_squeeze %dma_wait3A_135 : memref<1x128x128xf32, #tpu.memory_space<vmem>> -> memref<128x128xf32, #tpu.memory_space<vmem>>
      %dma_wait3A_137 = arith.constant 0 : i32
      %dma_wait3A_138 = tpu.memref_slice %arg5[%dma_wait3A_130, %dma_wait3A_131, %dma_wait3A_137] : memref<2x2x128xi32, #tpu.memory_space<vmem>> -> memref<1x1x128xi32, #tpu.memory_space<vmem>>
      %dma_wait3A_139 = tpu.memref_squeeze %dma_wait3A_138 : memref<1x1x128xi32, #tpu.memory_space<vmem>> -> memref<128xi32, #tpu.memory_space<vmem>>
      %dma_wait3A_140 = arith.constant 0 : i32
      %dma_wait3A_141 = arith.constant 0 : i32
      %dma_wait3A_142 = tpu.memref_slice %arg2[%dma_wait3A_140, %dma_wait3A_141] : memref<10000x128xf32, #tpu.memory_space<hbm>> -> memref<10000x128xf32, #tpu.memory_space<hbm>>
      tpu.wait_indirect_dma semaphore(%arg10 : memref<!tpu.dma_semaphore, #tpu.memory_space<semaphore_mem>>) src(%dma_wait3A_142 : memref<10000x128xf32, #tpu.memory_space<hbm>>) dst(%dma_wait3A_136 : memref<128x128xf32, #tpu.memory_space<vmem>>)
      %run_scoped3A_143 = arith.constant 0 : i32
      %run_scoped3A_144 = arith.constant 0 : i32
      %run_scoped3A_145 = arith.constant 1 : i32
      "tpu.region"() ({
        %run_scoped3A_184 = tpu.sem_alloc : memref<!tpu.dma_semaphore, #tpu.memory_space<semaphore_mem>>
        %dma_start3A_185 = arith.constant 0 : i32
        %dma_start3A_186 = arith.constant 0 : i32
        %dma_start3A_187 = tpu.memref_slice %arg6[%run_scoped3A_143, %dma_start3A_185, %dma_start3A_186] : memref<2x128x128xf32, #tpu.memory_space<vmem>> -> memref<1x128x128xf32, #tpu.memory_space<vmem>>
        %dma_start3A_188 = tpu.memref_squeeze %dma_start3A_187 : memref<1x128x128xf32, #tpu.memory_space<vmem>> -> memref<128x128xf32, #tpu.memory_space<vmem>>
        %dma_start3A_189 = arith.constant 0 : i32
        %dma_start3A_190 = tpu.memref_slice %arg5[%run_scoped3A_144, %run_scoped3A_145, %dma_start3A_189] : memref<2x2x128xi32, #tpu.memory_space<vmem>> -> memref<1x1x128xi32, #tpu.memory_space<vmem>>
        %dma_start3A_191 = tpu.memref_squeeze %dma_start3A_190 : memref<1x1x128xi32, #tpu.memory_space<vmem>> -> memref<128xi32, #tpu.memory_space<vmem>>
        %dma_start3A_192 = arith.constant 0 : i32
        %dma_start3A_193 = arith.constant 0 : i32
        %dma_start3A_194 = tpu.memref_slice %arg7[%dma_start3A_192, %dma_start3A_193] : memref<10240x128xf32, #tpu.memory_space<vmem_shared>> -> memref<10240x128xf32, #tpu.memory_space<vmem_shared>>
        tpu.enqueue_indirect_dma source(%dma_start3A_188 : memref<128x128xf32, #tpu.memory_space<vmem>>) target(%dma_start3A_194 : memref<10240x128xf32, #tpu.memory_space<vmem_shared>>) offsets(%dma_start3A_191 : memref<128xi32, #tpu.memory_space<vmem>>) semaphore(%run_scoped3A_184 : memref<!tpu.dma_semaphore, #tpu.memory_space<semaphore_mem>>) {add = true}
        %dma_wait3A_195 = arith.constant 0 : i32
        %dma_wait3A_196 = arith.constant 0 : i32
        %dma_wait3A_197 = tpu.memref_slice %arg6[%run_scoped3A_143, %dma_wait3A_195, %dma_wait3A_196] : memref<2x128x128xf32, #tpu.memory_space<vmem>> -> memref<1x128x128xf32, #tpu.memory_space<vmem>>
        %dma_wait3A_198 = tpu.memref_squeeze %dma_wait3A_197 : memref<1x128x128xf32, #tpu.memory_space<vmem>> -> memref<128x128xf32, #tpu.memory_space<vmem>>
        %dma_wait3A_199 = arith.constant 0 : i32
        %dma_wait3A_200 = tpu.memref_slice %arg5[%run_scoped3A_144, %run_scoped3A_145, %dma_wait3A_199] : memref<2x2x128xi32, #tpu.memory_space<vmem>> -> memref<1x1x128xi32, #tpu.memory_space<vmem>>
        %dma_wait3A_201 = tpu.memref_squeeze %dma_wait3A_200 : memref<1x1x128xi32, #tpu.memory_space<vmem>> -> memref<128xi32, #tpu.memory_space<vmem>>
        %dma_wait3A_202 = arith.constant 0 : i32
        %dma_wait3A_203 = arith.constant 0 : i32
        %dma_wait3A_204 = tpu.memref_slice %arg7[%dma_wait3A_202, %dma_wait3A_203] : memref<10240x128xf32, #tpu.memory_space<vmem_shared>> -> memref<10240x128xf32, #tpu.memory_space<vmem_shared>>
        tpu.wait_indirect_dma semaphore(%run_scoped3A_184 : memref<!tpu.dma_semaphore, #tpu.memory_space<semaphore_mem>>) src(%dma_wait3A_198 : memref<128x128xf32, #tpu.memory_space<vmem>>) dst(%dma_wait3A_204 : memref<10240x128xf32, #tpu.memory_space<vmem_shared>>)
        tpu.yield
      }) : () -> ()
      %add3A_146 = arith.constant 2 : i32
      %add3A_147 = arith.addi %add3A_126, %add3A_146 : i32
      %lt3A_148 = arith.cmpi slt, %add3A_147, %select_n3A_3 : i32
      %convert_element_type3A_149 = arith.extui %lt3A_148 : i1 to i32
      %cond3A_150 = arith.constant 0 : i32
      %cond3A_151 = arith.cmpi ne, %convert_element_type3A_149, %cond3A_150 : i32
      scf.if %cond3A_151 {
        %add3A_184 = arith.addi %select_n3A_11, %add3A_126 : i32
        %add3A_185 = arith.constant 2 : i32
        %add3A_186 = arith.addi %add3A_184, %add3A_185 : i32
        %dma_start3A_187 = arith.constant 0 : i32
        %dma_start3A_188 = arith.constant 0 : i32
        %dma_start3A_189 = arith.constant 0 : i32
        %dma_start3A_190 = tpu.memref_slice %arg5[%dma_start3A_187, %dma_start3A_188, %dma_start3A_189] : memref<2x2x128xi32, #tpu.memory_space<vmem>> -> memref<1x2x128xi32, #tpu.memory_space<vmem>>
        %dma_start3A_191 = tpu.memref_squeeze %dma_start3A_190 : memref<1x2x128xi32, #tpu.memory_space<vmem>> -> memref<2x128xi32, #tpu.memory_space<vmem>>
        %dma_start3A_192 = arith.constant 0 : i32
        %dma_start3A_193 = arith.constant 0 : i32
        %dma_start3A_194 = tpu.memref_slice %arg3[%add3A_186, %dma_start3A_192, %dma_start3A_193] : memref<2560x2x128xi32, #tpu.memory_space<hbm>> -> memref<1x2x128xi32, #tpu.memory_space<hbm>>
        %dma_start3A_195 = tpu.memref_squeeze %dma_start3A_194 : memref<1x2x128xi32, #tpu.memory_space<hbm>> -> memref<2x128xi32, #tpu.memory_space<hbm>>
        %dma_start3A_196 = arith.constant 0 : i32
        %dma_start3A_197 = arith.constant 0 : i32
        %dma_start3A_198 = tpu.memref_slice %arg5[%dma_start3A_187, %dma_start3A_196, %dma_start3A_197] : memref<2x2x128xi32, #tpu.memory_space<vmem>> -> memref<1x2x128xi32, #tpu.memory_space<vmem>>
        %dma_start3A_199 = tpu.memref_squeeze %dma_start3A_198 : memref<1x2x128xi32, #tpu.memory_space<vmem>> -> memref<2x128xi32, #tpu.memory_space<vmem>>
        %dma_start3A_200 = arith.constant 0 : i32
        %dma_start3A_201 = arith.constant 0 : i32
        %dma_start3A_202 = tpu.memref_slice %arg3[%add3A_186, %dma_start3A_200, %dma_start3A_201] : memref<2560x2x128xi32, #tpu.memory_space<hbm>> -> memref<1x2x128xi32, #tpu.memory_space<hbm>>
        %dma_start3A_203 = tpu.memref_squeeze %dma_start3A_202 : memref<1x2x128xi32, #tpu.memory_space<hbm>> -> memref<2x128xi32, #tpu.memory_space<hbm>>
        tpu.enqueue_dma source(%dma_start3A_203 : memref<2x128xi32, #tpu.memory_space<hbm>>) target(%dma_start3A_199 : memref<2x128xi32, #tpu.memory_space<vmem>>) target_semaphore(%arg8 : memref<!tpu.dma_semaphore, #tpu.memory_space<semaphore_mem>>)
      } else {
      }
      %mul3A_152 = arith.constant 2 : i32
      %mul3A_153 = arith.muli %while3A_122, %mul3A_152 : i32
      %add3A_154 = arith.constant 1 : i32
      %add3A_155 = arith.addi %mul3A_153, %add3A_154 : i32
      %add3A_156 = arith.constant 1 : i32
      %add3A_157 = arith.addi %add3A_155, %add3A_156 : i32
      %lt3A_158 = arith.cmpi slt, %add3A_157, %select_n3A_3 : i32
      %convert_element_type3A_159 = arith.extui %lt3A_158 : i1 to i32
      %cond3A_160 = arith.constant 0 : i32
      %cond3A_161 = arith.cmpi ne, %convert_element_type3A_159, %cond3A_160 : i32
      scf.if %cond3A_161 {
        %add3A_184 = arith.addi %select_n3A_11, %add3A_155 : i32
        %add3A_185 = arith.constant 1 : i32
        %add3A_186 = arith.addi %add3A_184, %add3A_185 : i32
        %dma_wait3A_187 = arith.constant 0 : i32
        %dma_wait3A_188 = arith.constant 0 : i32
        %dma_wait3A_189 = arith.constant 0 : i32
        %dma_wait3A_190 = tpu.memref_slice %arg5[%dma_wait3A_187, %dma_wait3A_188, %dma_wait3A_189] : memref<2x2x128xi32, #tpu.memory_space<vmem>> -> memref<1x2x128xi32, #tpu.memory_space<vmem>>
        %dma_wait3A_191 = tpu.memref_squeeze %dma_wait3A_190 : memref<1x2x128xi32, #tpu.memory_space<vmem>> -> memref<2x128xi32, #tpu.memory_space<vmem>>
        %dma_wait3A_192 = arith.constant 0 : i32
        %dma_wait3A_193 = arith.constant 0 : i32
        %dma_wait3A_194 = tpu.memref_slice %arg3[%add3A_186, %dma_wait3A_192, %dma_wait3A_193] : memref<2560x2x128xi32, #tpu.memory_space<hbm>> -> memref<1x2x128xi32, #tpu.memory_space<hbm>>
        %dma_wait3A_195 = tpu.memref_squeeze %dma_wait3A_194 : memref<1x2x128xi32, #tpu.memory_space<hbm>> -> memref<2x128xi32, #tpu.memory_space<hbm>>
        %dma_wait3A_196 = arith.constant 0 : i32
        %dma_wait3A_197 = arith.constant 0 : i32
        %dma_wait3A_198 = tpu.memref_slice %arg5[%dma_wait3A_187, %dma_wait3A_196, %dma_wait3A_197] : memref<2x2x128xi32, #tpu.memory_space<vmem>> -> memref<1x2x128xi32, #tpu.memory_space<vmem>>
        %dma_wait3A_199 = tpu.memref_squeeze %dma_wait3A_198 : memref<1x2x128xi32, #tpu.memory_space<vmem>> -> memref<2x128xi32, #tpu.memory_space<vmem>>
        %dma_wait3A_200 = arith.constant 0 : i32
        %dma_wait3A_201 = arith.constant 0 : i32
        %dma_wait3A_202 = tpu.memref_slice %arg3[%add3A_186, %dma_wait3A_200, %dma_wait3A_201] : memref<2560x2x128xi32, #tpu.memory_space<hbm>> -> memref<1x2x128xi32, #tpu.memory_space<hbm>>
        %dma_wait3A_203 = tpu.memref_squeeze %dma_wait3A_202 : memref<1x2x128xi32, #tpu.memory_space<hbm>> -> memref<2x128xi32, #tpu.memory_space<hbm>>
        tpu.wait_dma2 semaphore(%arg8 : memref<!tpu.dma_semaphore, #tpu.memory_space<semaphore_mem>>) src(%dma_wait3A_203 : memref<2x128xi32, #tpu.memory_space<hbm>>) dst(%dma_wait3A_199 : memref<2x128xi32, #tpu.memory_space<vmem>>)
        %dma_start3A_204 = arith.constant 0 : i32
        %dma_start3A_205 = arith.constant 0 : i32
        %dma_start3A_206 = arith.constant 0 : i32
        %dma_start3A_207 = arith.constant 0 : i32
        %dma_start3A_208 = arith.constant 0 : i32
        %dma_start3A_209 = tpu.memref_slice %arg6[%dma_start3A_206, %dma_start3A_207, %dma_start3A_208] : memref<2x128x128xf32, #tpu.memory_space<vmem>> -> memref<1x128x128xf32, #tpu.memory_space<vmem>>
        %dma_start3A_210 = tpu.memref_squeeze %dma_start3A_209 : memref<1x128x128xf32, #tpu.memory_space<vmem>> -> memref<128x128xf32, #tpu.memory_space<vmem>>
        %dma_start3A_211 = arith.constant 0 : i32
        %dma_start3A_212 = tpu.memref_slice %arg5[%dma_start3A_204, %dma_start3A_205, %dma_start3A_211] : memref<2x2x128xi32, #tpu.memory_space<vmem>> -> memref<1x1x128xi32, #tpu.memory_space<vmem>>
        %dma_start3A_213 = tpu.memref_squeeze %dma_start3A_212 : memref<1x1x128xi32, #tpu.memory_space<vmem>> -> memref<128xi32, #tpu.memory_space<vmem>>
        %dma_start3A_214 = arith.constant 0 : i32
        %dma_start3A_215 = arith.constant 0 : i32
        %dma_start3A_216 = tpu.memref_slice %arg2[%dma_start3A_214, %dma_start3A_215] : memref<10000x128xf32, #tpu.memory_space<hbm>> -> memref<10000x128xf32, #tpu.memory_space<hbm>>
        tpu.enqueue_indirect_dma source(%dma_start3A_216 : memref<10000x128xf32, #tpu.memory_space<hbm>>) target(%dma_start3A_210 : memref<128x128xf32, #tpu.memory_space<vmem>>) offsets(%dma_start3A_213 : memref<128xi32, #tpu.memory_space<vmem>>) semaphore(%arg10 : memref<!tpu.dma_semaphore, #tpu.memory_space<semaphore_mem>>)
      } else {
      }
      %dma_wait3A_162 = arith.constant 1 : i32
      %dma_wait3A_163 = arith.constant 0 : i32
      %dma_wait3A_164 = arith.constant 1 : i32
      %dma_wait3A_165 = arith.constant 0 : i32
      %dma_wait3A_166 = arith.constant 0 : i32
      %dma_wait3A_167 = tpu.memref_slice %arg6[%dma_wait3A_164, %dma_wait3A_165, %dma_wait3A_166] : memref<2x128x128xf32, #tpu.memory_space<vmem>> -> memref<1x128x128xf32, #tpu.memory_space<vmem>>
      %dma_wait3A_168 = tpu.memref_squeeze %dma_wait3A_167 : memref<1x128x128xf32, #tpu.memory_space<vmem>> -> memref<128x128xf32, #tpu.memory_space<vmem>>
      %dma_wait3A_169 = arith.constant 0 : i32
      %dma_wait3A_170 = tpu.memref_slice %arg5[%dma_wait3A_162, %dma_wait3A_163, %dma_wait3A_169] : memref<2x2x128xi32, #tpu.memory_space<vmem>> -> memref<1x1x128xi32, #tpu.memory_space<vmem>>
      %dma_wait3A_171 = tpu.memref_squeeze %dma_wait3A_170 : memref<1x1x128xi32, #tpu.memory_space<vmem>> -> memref<128xi32, #tpu.memory_space<vmem>>
      %dma_wait3A_172 = arith.constant 0 : i32
      %dma_wait3A_173 = arith.constant 0 : i32
      %dma_wait3A_174 = tpu.memref_slice %arg2[%dma_wait3A_172, %dma_wait3A_173] : memref<10000x128xf32, #tpu.memory_space<hbm>> -> memref<10000x128xf32, #tpu.memory_space<hbm>>
      tpu.wait_indirect_dma semaphore(%arg11 : memref<!tpu.dma_semaphore, #tpu.memory_space<semaphore_mem>>) src(%dma_wait3A_174 : memref<10000x128xf32, #tpu.memory_space<hbm>>) dst(%dma_wait3A_168 : memref<128x128xf32, #tpu.memory_space<vmem>>)
      %run_scoped3A_175 = arith.constant 1 : i32
      %run_scoped3A_176 = arith.constant 1 : i32
      %run_scoped3A_177 = arith.constant 1 : i32
      "tpu.region"() ({
        %run_scoped3A_184 = tpu.sem_alloc : memref<!tpu.dma_semaphore, #tpu.memory_space<semaphore_mem>>
        %dma_start3A_185 = arith.constant 0 : i32
        %dma_start3A_186 = arith.constant 0 : i32
        %dma_start3A_187 = tpu.memref_slice %arg6[%run_scoped3A_175, %dma_start3A_185, %dma_start3A_186] : memref<2x128x128xf32, #tpu.memory_space<vmem>> -> memref<1x128x128xf32, #tpu.memory_space<vmem>>
        %dma_start3A_188 = tpu.memref_squeeze %dma_start3A_187 : memref<1x128x128xf32, #tpu.memory_space<vmem>> -> memref<128x128xf32, #tpu.memory_space<vmem>>
        %dma_start3A_189 = arith.constant 0 : i32
        %dma_start3A_190 = tpu.memref_slice %arg5[%run_scoped3A_176, %run_scoped3A_177, %dma_start3A_189] : memref<2x2x128xi32, #tpu.memory_space<vmem>> -> memref<1x1x128xi32, #tpu.memory_space<vmem>>
        %dma_start3A_191 = tpu.memref_squeeze %dma_start3A_190 : memref<1x1x128xi32, #tpu.memory_space<vmem>> -> memref<128xi32, #tpu.memory_space<vmem>>
        %dma_start3A_192 = arith.constant 0 : i32
        %dma_start3A_193 = arith.constant 0 : i32
        %dma_start3A_194 = tpu.memref_slice %arg7[%dma_start3A_192, %dma_start3A_193] : memref<10240x128xf32, #tpu.memory_space<vmem_shared>> -> memref<10240x128xf32, #tpu.memory_space<vmem_shared>>
        tpu.enqueue_indirect_dma source(%dma_start3A_188 : memref<128x128xf32, #tpu.memory_space<vmem>>) target(%dma_start3A_194 : memref<10240x128xf32, #tpu.memory_space<vmem_shared>>) offsets(%dma_start3A_191 : memref<128xi32, #tpu.memory_space<vmem>>) semaphore(%run_scoped3A_184 : memref<!tpu.dma_semaphore, #tpu.memory_space<semaphore_mem>>) {add = true}
        %dma_wait3A_195 = arith.constant 0 : i32
        %dma_wait3A_196 = arith.constant 0 : i32
        %dma_wait3A_197 = tpu.memref_slice %arg6[%run_scoped3A_175, %dma_wait3A_195, %dma_wait3A_196] : memref<2x128x128xf32, #tpu.memory_space<vmem>> -> memref<1x128x128xf32, #tpu.memory_space<vmem>>
        %dma_wait3A_198 = tpu.memref_squeeze %dma_wait3A_197 : memref<1x128x128xf32, #tpu.memory_space<vmem>> -> memref<128x128xf32, #tpu.memory_space<vmem>>
        %dma_wait3A_199 = arith.constant 0 : i32
        %dma_wait3A_200 = tpu.memref_slice %arg5[%run_scoped3A_176, %run_scoped3A_177, %dma_wait3A_199] : memref<2x2x128xi32, #tpu.memory_space<vmem>> -> memref<1x1x128xi32, #tpu.memory_space<vmem>>
        %dma_wait3A_201 = tpu.memref_squeeze %dma_wait3A_200 : memref<1x1x128xi32, #tpu.memory_space<vmem>> -> memref<128xi32, #tpu.memory_space<vmem>>
        %dma_wait3A_202 = arith.constant 0 : i32
        %dma_wait3A_203 = arith.constant 0 : i32
        %dma_wait3A_204 = tpu.memref_slice %arg7[%dma_wait3A_202, %dma_wait3A_203] : memref<10240x128xf32, #tpu.memory_space<vmem_shared>> -> memref<10240x128xf32, #tpu.memory_space<vmem_shared>>
        tpu.wait_indirect_dma semaphore(%run_scoped3A_184 : memref<!tpu.dma_semaphore, #tpu.memory_space<semaphore_mem>>) src(%dma_wait3A_198 : memref<128x128xf32, #tpu.memory_space<vmem>>) dst(%dma_wait3A_204 : memref<10240x128xf32, #tpu.memory_space<vmem_shared>>)
        tpu.yield
      }) : () -> ()
      %add3A_178 = arith.constant 2 : i32
      %add3A_179 = arith.addi %add3A_155, %add3A_178 : i32
      %lt3A_180 = arith.cmpi slt, %add3A_179, %select_n3A_3 : i32
      %convert_element_type3A_181 = arith.extui %lt3A_180 : i1 to i32
      %cond3A_182 = arith.constant 0 : i32
      %cond3A_183 = arith.cmpi ne, %convert_element_type3A_181, %cond3A_182 : i32
      scf.if %cond3A_183 {
        %add3A_184 = arith.addi %select_n3A_11, %add3A_155 : i32
        %add3A_185 = arith.constant 2 : i32
        %add3A_186 = arith.addi %add3A_184, %add3A_185 : i32
        %dma_start3A_187 = arith.constant 1 : i32
        %dma_start3A_188 = arith.constant 0 : i32
        %dma_start3A_189 = arith.constant 0 : i32
        %dma_start3A_190 = tpu.memref_slice %arg5[%dma_start3A_187, %dma_start3A_188, %dma_start3A_189] : memref<2x2x128xi32, #tpu.memory_space<vmem>> -> memref<1x2x128xi32, #tpu.memory_space<vmem>>
        %dma_start3A_191 = tpu.memref_squeeze %dma_start3A_190 : memref<1x2x128xi32, #tpu.memory_space<vmem>> -> memref<2x128xi32, #tpu.memory_space<vmem>>
        %dma_start3A_192 = arith.constant 0 : i32
        %dma_start3A_193 = arith.constant 0 : i32
        %dma_start3A_194 = tpu.memref_slice %arg3[%add3A_186, %dma_start3A_192, %dma_start3A_193] : memref<2560x2x128xi32, #tpu.memory_space<hbm>> -> memref<1x2x128xi32, #tpu.memory_space<hbm>>
        %dma_start3A_195 = tpu.memref_squeeze %dma_start3A_194 : memref<1x2x128xi32, #tpu.memory_space<hbm>> -> memref<2x128xi32, #tpu.memory_space<hbm>>
        %dma_start3A_196 = arith.constant 0 : i32
        %dma_start3A_197 = arith.constant 0 : i32
        %dma_start3A_198 = tpu.memref_slice %arg5[%dma_start3A_187, %dma_start3A_196, %dma_start3A_197] : memref<2x2x128xi32, #tpu.memory_space<vmem>> -> memref<1x2x128xi32, #tpu.memory_space<vmem>>
        %dma_start3A_199 = tpu.memref_squeeze %dma_start3A_198 : memref<1x2x128xi32, #tpu.memory_space<vmem>> -> memref<2x128xi32, #tpu.memory_space<vmem>>
        %dma_start3A_200 = arith.constant 0 : i32
        %dma_start3A_201 = arith.constant 0 : i32
        %dma_start3A_202 = tpu.memref_slice %arg3[%add3A_186, %dma_start3A_200, %dma_start3A_201] : memref<2560x2x128xi32, #tpu.memory_space<hbm>> -> memref<1x2x128xi32, #tpu.memory_space<hbm>>
        %dma_start3A_203 = tpu.memref_squeeze %dma_start3A_202 : memref<1x2x128xi32, #tpu.memory_space<hbm>> -> memref<2x128xi32, #tpu.memory_space<hbm>>
        tpu.enqueue_dma source(%dma_start3A_203 : memref<2x128xi32, #tpu.memory_space<hbm>>) target(%dma_start3A_199 : memref<2x128xi32, #tpu.memory_space<vmem>>) target_semaphore(%arg9 : memref<!tpu.dma_semaphore, #tpu.memory_space<semaphore_mem>>)
      } else {
      }
    }
    %while3A_120 = arith.constant 1 : i32
    scf.for %while3A_122 = %while3A_118 to %while3A_114 step %while3A_120  : i32 {
      %mul3A_123 = arith.constant 2 : i32
      %mul3A_124 = arith.muli %while3A_122, %mul3A_123 : i32
      %add3A_125 = arith.constant 0 : i32
      %add3A_126 = arith.addi %mul3A_124, %add3A_125 : i32
      %add3A_127 = arith.constant 1 : i32
      %add3A_128 = arith.addi %add3A_126, %add3A_127 : i32
      %lt3A = arith.cmpi slt, %add3A_128, %select_n3A_3 : i32
      %convert_element_type3A = arith.extui %lt3A : i1 to i32
      %cond3A = arith.constant 0 : i32
      %cond3A_129 = arith.cmpi ne, %convert_element_type3A, %cond3A : i32
      scf.if %cond3A_129 {
        %add3A_184 = arith.addi %select_n3A_11, %add3A_126 : i32
        %add3A_185 = arith.constant 1 : i32
        %add3A_186 = arith.addi %add3A_184, %add3A_185 : i32
        %dma_wait3A_187 = arith.constant 1 : i32
        %dma_wait3A_188 = arith.constant 0 : i32
        %dma_wait3A_189 = arith.constant 0 : i32
        %dma_wait3A_190 = tpu.memref_slice %arg5[%dma_wait3A_187, %dma_wait3A_188, %dma_wait3A_189] : memref<2x2x128xi32, #tpu.memory_space<vmem>> -> memref<1x2x128xi32, #tpu.memory_space<vmem>>
        %dma_wait3A_191 = tpu.memref_squeeze %dma_wait3A_190 : memref<1x2x128xi32, #tpu.memory_space<vmem>> -> memref<2x128xi32, #tpu.memory_space<vmem>>
        %dma_wait3A_192 = arith.constant 0 : i32
        %dma_wait3A_193 = arith.constant 0 : i32
        %dma_wait3A_194 = tpu.memref_slice %arg3[%add3A_186, %dma_wait3A_192, %dma_wait3A_193] : memref<2560x2x128xi32, #tpu.memory_space<hbm>> -> memref<1x2x128xi32, #tpu.memory_space<hbm>>
        %dma_wait3A_195 = tpu.memref_squeeze %dma_wait3A_194 : memref<1x2x128xi32, #tpu.memory_space<hbm>> -> memref<2x128xi32, #tpu.memory_space<hbm>>
        %dma_wait3A_196 = arith.constant 0 : i32
        %dma_wait3A_197 = arith.constant 0 : i32
        %dma_wait3A_198 = tpu.memref_slice %arg5[%dma_wait3A_187, %dma_wait3A_196, %dma_wait3A_197] : memref<2x2x128xi32, #tpu.memory_space<vmem>> -> memref<1x2x128xi32, #tpu.memory_space<vmem>>
        %dma_wait3A_199 = tpu.memref_squeeze %dma_wait3A_198 : memref<1x2x128xi32, #tpu.memory_space<vmem>> -> memref<2x128xi32, #tpu.memory_space<vmem>>
        %dma_wait3A_200 = arith.constant 0 : i32
        %dma_wait3A_201 = arith.constant 0 : i32
        %dma_wait3A_202 = tpu.memref_slice %arg3[%add3A_186, %dma_wait3A_200, %dma_wait3A_201] : memref<2560x2x128xi32, #tpu.memory_space<hbm>> -> memref<1x2x128xi32, #tpu.memory_space<hbm>>
        %dma_wait3A_203 = tpu.memref_squeeze %dma_wait3A_202 : memref<1x2x128xi32, #tpu.memory_space<hbm>> -> memref<2x128xi32, #tpu.memory_space<hbm>>
        tpu.wait_dma2 semaphore(%arg9 : memref<!tpu.dma_semaphore, #tpu.memory_space<semaphore_mem>>) src(%dma_wait3A_203 : memref<2x128xi32, #tpu.memory_space<hbm>>) dst(%dma_wait3A_199 : memref<2x128xi32, #tpu.memory_space<vmem>>)
        %dma_start3A_204 = arith.constant 1 : i32
        %dma_start3A_205 = arith.constant 0 : i32
        %dma_start3A_206 = arith.constant 1 : i32
        %dma_start3A_207 = arith.constant 0 : i32
        %dma_start3A_208 = arith.constant 0 : i32
        %dma_start3A_209 = tpu.memref_slice %arg6[%dma_start3A_206, %dma_start3A_207, %dma_start3A_208] : memref<2x128x128xf32, #tpu.memory_space<vmem>> -> memref<1x128x128xf32, #tpu.memory_space<vmem>>
        %dma_start3A_210 = tpu.memref_squeeze %dma_start3A_209 : memref<1x128x128xf32, #tpu.memory_space<vmem>> -> memref<128x128xf32, #tpu.memory_space<vmem>>
        %dma_start3A_211 = arith.constant 0 : i32
        %dma_start3A_212 = tpu.memref_slice %arg5[%dma_start3A_204, %dma_start3A_205, %dma_start3A_211] : memref<2x2x128xi32, #tpu.memory_space<vmem>> -> memref<1x1x128xi32, #tpu.memory_space<vmem>>
        %dma_start3A_213 = tpu.memref_squeeze %dma_start3A_212 : memref<1x1x128xi32, #tpu.memory_space<vmem>> -> memref<128xi32, #tpu.memory_space<vmem>>
        %dma_start3A_214 = arith.constant 0 : i32
        %dma_start3A_215 = arith.constant 0 : i32
        %dma_start3A_216 = tpu.memref_slice %arg2[%dma_start3A_214, %dma_start3A_215] : memref<10000x128xf32, #tpu.memory_space<hbm>> -> memref<10000x128xf32, #tpu.memory_space<hbm>>
        tpu.enqueue_indirect_dma source(%dma_start3A_216 : memref<10000x128xf32, #tpu.memory_space<hbm>>) target(%dma_start3A_210 : memref<128x128xf32, #tpu.memory_space<vmem>>) offsets(%dma_start3A_213 : memref<128xi32, #tpu.memory_space<vmem>>) semaphore(%arg11 : memref<!tpu.dma_semaphore, #tpu.memory_space<semaphore_mem>>)
      } else {
      }
      %dma_wait3A_130 = arith.constant 0 : i32
      %dma_wait3A_131 = arith.constant 0 : i32
      %dma_wait3A_132 = arith.constant 0 : i32
      %dma_wait3A_133 = arith.constant 0 : i32
      %dma_wait3A_134 = arith.constant 0 : i32
      %dma_wait3A_135 = tpu.memref_slice %arg6[%dma_wait3A_132, %dma_wait3A_133, %dma_wait3A_134] : memref<2x128x128xf32, #tpu.memory_space<vmem>> -> memref<1x128x128xf32, #tpu.memory_space<vmem>>
      %dma_wait3A_136 = tpu.memref_squeeze %dma_wait3A_135 : memref<1x128x128xf32, #tpu.memory_space<vmem>> -> memref<128x128xf32, #tpu.memory_space<vmem>>
      %dma_wait3A_137 = arith.constant 0 : i32
      %dma_wait3A_138 = tpu.memref_slice %arg5[%dma_wait3A_130, %dma_wait3A_131, %dma_wait3A_137] : memref<2x2x128xi32, #tpu.memory_space<vmem>> -> memref<1x1x128xi32, #tpu.memory_space<vmem>>
      %dma_wait3A_139 = tpu.memref_squeeze %dma_wait3A_138 : memref<1x1x128xi32, #tpu.memory_space<vmem>> -> memref<128xi32, #tpu.memory_space<vmem>>
      %dma_wait3A_140 = arith.constant 0 : i32
      %dma_wait3A_141 = arith.constant 0 : i32
      %dma_wait3A_142 = tpu.memref_slice %arg2[%dma_wait3A_140, %dma_wait3A_141] : memref<10000x128xf32, #tpu.memory_space<hbm>> -> memref<10000x128xf32, #tpu.memory_space<hbm>>
      tpu.wait_indirect_dma semaphore(%arg10 : memref<!tpu.dma_semaphore, #tpu.memory_space<semaphore_mem>>) src(%dma_wait3A_142 : memref<10000x128xf32, #tpu.memory_space<hbm>>) dst(%dma_wait3A_136 : memref<128x128xf32, #tpu.memory_space<vmem>>)
      %run_scoped3A_143 = arith.constant 0 : i32
      %run_scoped3A_144 = arith.constant 0 : i32
      %run_scoped3A_145 = arith.constant 1 : i32
      "tpu.region"() ({
        %run_scoped3A_184 = tpu.sem_alloc : memref<!tpu.dma_semaphore, #tpu.memory_space<semaphore_mem>>
        %dma_start3A_185 = arith.constant 0 : i32
        %dma_start3A_186 = arith.constant 0 : i32
        %dma_start3A_187 = tpu.memref_slice %arg6[%run_scoped3A_143, %dma_start3A_185, %dma_start3A_186] : memref<2x128x128xf32, #tpu.memory_space<vmem>> -> memref<1x128x128xf32, #tpu.memory_space<vmem>>
        %dma_start3A_188 = tpu.memref_squeeze %dma_start3A_187 : memref<1x128x128xf32, #tpu.memory_space<vmem>> -> memref<128x128xf32, #tpu.memory_space<vmem>>
        %dma_start3A_189 = arith.constant 0 : i32
        %dma_start3A_190 = tpu.memref_slice %arg5[%run_scoped3A_144, %run_scoped3A_145, %dma_start3A_189] : memref<2x2x128xi32, #tpu.memory_space<vmem>> -> memref<1x1x128xi32, #tpu.memory_space<vmem>>
        %dma_start3A_191 = tpu.memref_squeeze %dma_start3A_190 : memref<1x1x128xi32, #tpu.memory_space<vmem>> -> memref<128xi32, #tpu.memory_space<vmem>>
        %dma_start3A_192 = arith.constant 0 : i32
        %dma_start3A_193 = arith.constant 0 : i32
        %dma_start3A_194 = tpu.memref_slice %arg7[%dma_start3A_192, %dma_start3A_193] : memref<10240x128xf32, #tpu.memory_space<vmem_shared>> -> memref<10240x128xf32, #tpu.memory_space<vmem_shared>>
        tpu.enqueue_indirect_dma source(%dma_start3A_188 : memref<128x128xf32, #tpu.memory_space<vmem>>) target(%dma_start3A_194 : memref<10240x128xf32, #tpu.memory_space<vmem_shared>>) offsets(%dma_start3A_191 : memref<128xi32, #tpu.memory_space<vmem>>) semaphore(%run_scoped3A_184 : memref<!tpu.dma_semaphore, #tpu.memory_space<semaphore_mem>>) {add = true}
        %dma_wait3A_195 = arith.constant 0 : i32
        %dma_wait3A_196 = arith.constant 0 : i32
        %dma_wait3A_197 = tpu.memref_slice %arg6[%run_scoped3A_143, %dma_wait3A_195, %dma_wait3A_196] : memref<2x128x128xf32, #tpu.memory_space<vmem>> -> memref<1x128x128xf32, #tpu.memory_space<vmem>>
        %dma_wait3A_198 = tpu.memref_squeeze %dma_wait3A_197 : memref<1x128x128xf32, #tpu.memory_space<vmem>> -> memref<128x128xf32, #tpu.memory_space<vmem>>
        %dma_wait3A_199 = arith.constant 0 : i32
        %dma_wait3A_200 = tpu.memref_slice %arg5[%run_scoped3A_144, %run_scoped3A_145, %dma_wait3A_199] : memref<2x2x128xi32, #tpu.memory_space<vmem>> -> memref<1x1x128xi32, #tpu.memory_space<vmem>>
        %dma_wait3A_201 = tpu.memref_squeeze %dma_wait3A_200 : memref<1x1x128xi32, #tpu.memory_space<vmem>> -> memref<128xi32, #tpu.memory_space<vmem>>
        %dma_wait3A_202 = arith.constant 0 : i32
        %dma_wait3A_203 = arith.constant 0 : i32
        %dma_wait3A_204 = tpu.memref_slice %arg7[%dma_wait3A_202, %dma_wait3A_203] : memref<10240x128xf32, #tpu.memory_space<vmem_shared>> -> memref<10240x128xf32, #tpu.memory_space<vmem_shared>>
        tpu.wait_indirect_dma semaphore(%run_scoped3A_184 : memref<!tpu.dma_semaphore, #tpu.memory_space<semaphore_mem>>) src(%dma_wait3A_198 : memref<128x128xf32, #tpu.memory_space<vmem>>) dst(%dma_wait3A_204 : memref<10240x128xf32, #tpu.memory_space<vmem_shared>>)
        tpu.yield
      }) : () -> ()
      %add3A_146 = arith.constant 2 : i32
      %add3A_147 = arith.addi %add3A_126, %add3A_146 : i32
      %lt3A_148 = arith.cmpi slt, %add3A_147, %select_n3A_3 : i32
      %convert_element_type3A_149 = arith.extui %lt3A_148 : i1 to i32
      %cond3A_150 = arith.constant 0 : i32
      %cond3A_151 = arith.cmpi ne, %convert_element_type3A_149, %cond3A_150 : i32
      scf.if %cond3A_151 {
        %add3A_184 = arith.addi %select_n3A_11, %add3A_126 : i32
        %add3A_185 = arith.constant 2 : i32
        %add3A_186 = arith.addi %add3A_184, %add3A_185 : i32
        %dma_start3A_187 = arith.constant 0 : i32
        %dma_start3A_188 = arith.constant 0 : i32
        %dma_start3A_189 = arith.constant 0 : i32
        %dma_start3A_190 = tpu.memref_slice %arg5[%dma_start3A_187, %dma_start3A_188, %dma_start3A_189] : memref<2x2x128xi32, #tpu.memory_space<vmem>> -> memref<1x2x128xi32, #tpu.memory_space<vmem>>
        %dma_start3A_191 = tpu.memref_squeeze %dma_start3A_190 : memref<1x2x128xi32, #tpu.memory_space<vmem>> -> memref<2x128xi32, #tpu.memory_space<vmem>>
        %dma_start3A_192 = arith.constant 0 : i32
        %dma_start3A_193 = arith.constant 0 : i32
        %dma_start3A_194 = tpu.memref_slice %arg3[%add3A_186, %dma_start3A_192, %dma_start3A_193] : memref<2560x2x128xi32, #tpu.memory_space<hbm>> -> memref<1x2x128xi32, #tpu.memory_space<hbm>>
        %dma_start3A_195 = tpu.memref_squeeze %dma_start3A_194 : memref<1x2x128xi32, #tpu.memory_space<hbm>> -> memref<2x128xi32, #tpu.memory_space<hbm>>
        %dma_start3A_196 = arith.constant 0 : i32
        %dma_start3A_197 = arith.constant 0 : i32
        %dma_start3A_198 = tpu.memref_slice %arg5[%dma_start3A_187, %dma_start3A_196, %dma_start3A_197] : memref<2x2x128xi32, #tpu.memory_space<vmem>> -> memref<1x2x128xi32, #tpu.memory_space<vmem>>
        %dma_start3A_199 = tpu.memref_squeeze %dma_start3A_198 : memref<1x2x128xi32, #tpu.memory_space<vmem>> -> memref<2x128xi32, #tpu.memory_space<vmem>>
        %dma_start3A_200 = arith.constant 0 : i32
        %dma_start3A_201 = arith.constant 0 : i32
        %dma_start3A_202 = tpu.memref_slice %arg3[%add3A_186, %dma_start3A_200, %dma_start3A_201] : memref<2560x2x128xi32, #tpu.memory_space<hbm>> -> memref<1x2x128xi32, #tpu.memory_space<hbm>>
        %dma_start3A_203 = tpu.memref_squeeze %dma_start3A_202 : memref<1x2x128xi32, #tpu.memory_space<hbm>> -> memref<2x128xi32, #tpu.memory_space<hbm>>
        tpu.enqueue_dma source(%dma_start3A_203 : memref<2x128xi32, #tpu.memory_space<hbm>>) target(%dma_start3A_199 : memref<2x128xi32, #tpu.memory_space<vmem>>) target_semaphore(%arg8 : memref<!tpu.dma_semaphore, #tpu.memory_space<semaphore_mem>>)
      } else {
      }
      %mul3A_152 = arith.constant 2 : i32
      %mul3A_153 = arith.muli %while3A_122, %mul3A_152 : i32
      %add3A_154 = arith.constant 1 : i32
      %add3A_155 = arith.addi %mul3A_153, %add3A_154 : i32
      %add3A_156 = arith.constant 1 : i32
      %add3A_157 = arith.addi %add3A_155, %add3A_156 : i32
      %lt3A_158 = arith.cmpi slt, %add3A_157, %select_n3A_3 : i32
      %convert_element_type3A_159 = arith.extui %lt3A_158 : i1 to i32
      %cond3A_160 = arith.constant 0 : i32
      %cond3A_161 = arith.cmpi ne, %convert_element_type3A_159, %cond3A_160 : i32
      scf.if %cond3A_161 {
        %add3A_184 = arith.addi %select_n3A_11, %add3A_155 : i32
        %add3A_185 = arith.constant 1 : i32
        %add3A_186 = arith.addi %add3A_184, %add3A_185 : i32
        %dma_wait3A_187 = arith.constant 0 : i32
        %dma_wait3A_188 = arith.constant 0 : i32
        %dma_wait3A_189 = arith.constant 0 : i32
        %dma_wait3A_190 = tpu.memref_slice %arg5[%dma_wait3A_187, %dma_wait3A_188, %dma_wait3A_189] : memref<2x2x128xi32, #tpu.memory_space<vmem>> -> memref<1x2x128xi32, #tpu.memory_space<vmem>>
        %dma_wait3A_191 = tpu.memref_squeeze %dma_wait3A_190 : memref<1x2x128xi32, #tpu.memory_space<vmem>> -> memref<2x128xi32, #tpu.memory_space<vmem>>
        %dma_wait3A_192 = arith.constant 0 : i32
        %dma_wait3A_193 = arith.constant 0 : i32
        %dma_wait3A_194 = tpu.memref_slice %arg3[%add3A_186, %dma_wait3A_192, %dma_wait3A_193] : memref<2560x2x128xi32, #tpu.memory_space<hbm>> -> memref<1x2x128xi32, #tpu.memory_space<hbm>>
        %dma_wait3A_195 = tpu.memref_squeeze %dma_wait3A_194 : memref<1x2x128xi32, #tpu.memory_space<hbm>> -> memref<2x128xi32, #tpu.memory_space<hbm>>
        %dma_wait3A_196 = arith.constant 0 : i32
        %dma_wait3A_197 = arith.constant 0 : i32
        %dma_wait3A_198 = tpu.memref_slice %arg5[%dma_wait3A_187, %dma_wait3A_196, %dma_wait3A_197] : memref<2x2x128xi32, #tpu.memory_space<vmem>> -> memref<1x2x128xi32, #tpu.memory_space<vmem>>
        %dma_wait3A_199 = tpu.memref_squeeze %dma_wait3A_198 : memref<1x2x128xi32, #tpu.memory_space<vmem>> -> memref<2x128xi32, #tpu.memory_space<vmem>>
        %dma_wait3A_200 = arith.constant 0 : i32
        %dma_wait3A_201 = arith.constant 0 : i32
        %dma_wait3A_202 = tpu.memref_slice %arg3[%add3A_186, %dma_wait3A_200, %dma_wait3A_201] : memref<2560x2x128xi32, #tpu.memory_space<hbm>> -> memref<1x2x128xi32, #tpu.memory_space<hbm>>
        %dma_wait3A_203 = tpu.memref_squeeze %dma_wait3A_202 : memref<1x2x128xi32, #tpu.memory_space<hbm>> -> memref<2x128xi32, #tpu.memory_space<hbm>>
        tpu.wait_dma2 semaphore(%arg8 : memref<!tpu.dma_semaphore, #tpu.memory_space<semaphore_mem>>) src(%dma_wait3A_203 : memref<2x128xi32, #tpu.memory_space<hbm>>) dst(%dma_wait3A_199 : memref<2x128xi32, #tpu.memory_space<vmem>>)
        %dma_start3A_204 = arith.constant 0 : i32
        %dma_start3A_205 = arith.constant 0 : i32
        %dma_start3A_206 = arith.constant 0 : i32
        %dma_start3A_207 = arith.constant 0 : i32
        %dma_start3A_208 = arith.constant 0 : i32
        %dma_start3A_209 = tpu.memref_slice %arg6[%dma_start3A_206, %dma_start3A_207, %dma_start3A_208] : memref<2x128x128xf32, #tpu.memory_space<vmem>> -> memref<1x128x128xf32, #tpu.memory_space<vmem>>
        %dma_start3A_210 = tpu.memref_squeeze %dma_start3A_209 : memref<1x128x128xf32, #tpu.memory_space<vmem>> -> memref<128x128xf32, #tpu.memory_space<vmem>>
        %dma_start3A_211 = arith.constant 0 : i32
        %dma_start3A_212 = tpu.memref_slice %arg5[%dma_start3A_204, %dma_start3A_205, %dma_start3A_211] : memref<2x2x128xi32, #tpu.memory_space<vmem>> -> memref<1x1x128xi32, #tpu.memory_space<vmem>>
        %dma_start3A_213 = tpu.memref_squeeze %dma_start3A_212 : memref<1x1x128xi32, #tpu.memory_space<vmem>> -> memref<128xi32, #tpu.memory_space<vmem>>
        %dma_start3A_214 = arith.constant 0 : i32
        %dma_start3A_215 = arith.constant 0 : i32
        %dma_start3A_216 = tpu.memref_slice %arg2[%dma_start3A_214, %dma_start3A_215] : memref<10000x128xf32, #tpu.memory_space<hbm>> -> memref<10000x128xf32, #tpu.memory_space<hbm>>
        tpu.enqueue_indirect_dma source(%dma_start3A_216 : memref<10000x128xf32, #tpu.memory_space<hbm>>) target(%dma_start3A_210 : memref<128x128xf32, #tpu.memory_space<vmem>>) offsets(%dma_start3A_213 : memref<128xi32, #tpu.memory_space<vmem>>) semaphore(%arg10 : memref<!tpu.dma_semaphore, #tpu.memory_space<semaphore_mem>>)
      } else {
      }
      %dma_wait3A_162 = arith.constant 1 : i32
      %dma_wait3A_163 = arith.constant 0 : i32
      %dma_wait3A_164 = arith.constant 1 : i32
      %dma_wait3A_165 = arith.constant 0 : i32
      %dma_wait3A_166 = arith.constant 0 : i32
      %dma_wait3A_167 = tpu.memref_slice %arg6[%dma_wait3A_164, %dma_wait3A_165, %dma_wait3A_166] : memref<2x128x128xf32, #tpu.memory_space<vmem>> -> memref<1x128x128xf32, #tpu.memory_space<vmem>>
      %dma_wait3A_168 = tpu.memref_squeeze %dma_wait3A_167 : memref<1x128x128xf32, #tpu.memory_space<vmem>> -> memref<128x128xf32, #tpu.memory_space<vmem>>
      %dma_wait3A_169 = arith.constant 0 : i32
      %dma_wait3A_170 = tpu.memref_slice %arg5[%dma_wait3A_162, %dma_wait3A_163, %dma_wait3A_169] : memref<2x2x128xi32, #tpu.memory_space<vmem>> -> memref<1x1x128xi32, #tpu.memory_space<vmem>>
      %dma_wait3A_171 = tpu.memref_squeeze %dma_wait3A_170 : memref<1x1x128xi32, #tpu.memory_space<vmem>> -> memref<128xi32, #tpu.memory_space<vmem>>
      %dma_wait3A_172 = arith.constant 0 : i32
      %dma_wait3A_173 = arith.constant 0 : i32
      %dma_wait3A_174 = tpu.memref_slice %arg2[%dma_wait3A_172, %dma_wait3A_173] : memref<10000x128xf32, #tpu.memory_space<hbm>> -> memref<10000x128xf32, #tpu.memory_space<hbm>>
      tpu.wait_indirect_dma semaphore(%arg11 : memref<!tpu.dma_semaphore, #tpu.memory_space<semaphore_mem>>) src(%dma_wait3A_174 : memref<10000x128xf32, #tpu.memory_space<hbm>>) dst(%dma_wait3A_168 : memref<128x128xf32, #tpu.memory_space<vmem>>)
      %run_scoped3A_175 = arith.constant 1 : i32
      %run_scoped3A_176 = arith.constant 1 : i32
      %run_scoped3A_177 = arith.constant 1 : i32
      "tpu.region"() ({
        %run_scoped3A_184 = tpu.sem_alloc : memref<!tpu.dma_semaphore, #tpu.memory_space<semaphore_mem>>
        %dma_start3A_185 = arith.constant 0 : i32
        %dma_start3A_186 = arith.constant 0 : i32
        %dma_start3A_187 = tpu.memref_slice %arg6[%run_scoped3A_175, %dma_start3A_185, %dma_start3A_186] : memref<2x128x128xf32, #tpu.memory_space<vmem>> -> memref<1x128x128xf32, #tpu.memory_space<vmem>>
        %dma_start3A_188 = tpu.memref_squeeze %dma_start3A_187 : memref<1x128x128xf32, #tpu.memory_space<vmem>> -> memref<128x128xf32, #tpu.memory_space<vmem>>
        %dma_start3A_189 = arith.constant 0 : i32
        %dma_start3A_190 = tpu.memref_slice %arg5[%run_scoped3A_176, %run_scoped3A_177, %dma_start3A_189] : memref<2x2x128xi32, #tpu.memory_space<vmem>> -> memref<1x1x128xi32, #tpu.memory_space<vmem>>
        %dma_start3A_191 = tpu.memref_squeeze %dma_start3A_190 : memref<1x1x128xi32, #tpu.memory_space<vmem>> -> memref<128xi32, #tpu.memory_space<vmem>>
        %dma_start3A_192 = arith.constant 0 : i32
        %dma_start3A_193 = arith.constant 0 : i32
        %dma_start3A_194 = tpu.memref_slice %arg7[%dma_start3A_192, %dma_start3A_193] : memref<10240x128xf32, #tpu.memory_space<vmem_shared>> -> memref<10240x128xf32, #tpu.memory_space<vmem_shared>>
        tpu.enqueue_indirect_dma source(%dma_start3A_188 : memref<128x128xf32, #tpu.memory_space<vmem>>) target(%dma_start3A_194 : memref<10240x128xf32, #tpu.memory_space<vmem_shared>>) offsets(%dma_start3A_191 : memref<128xi32, #tpu.memory_space<vmem>>) semaphore(%run_scoped3A_184 : memref<!tpu.dma_semaphore, #tpu.memory_space<semaphore_mem>>) {add = true}
        %dma_wait3A_195 = arith.constant 0 : i32
        %dma_wait3A_196 = arith.constant 0 : i32
        %dma_wait3A_197 = tpu.memref_slice %arg6[%run_scoped3A_175, %dma_wait3A_195, %dma_wait3A_196] : memref<2x128x128xf32, #tpu.memory_space<vmem>> -> memref<1x128x128xf32, #tpu.memory_space<vmem>>
        %dma_wait3A_198 = tpu.memref_squeeze %dma_wait3A_197 : memref<1x128x128xf32, #tpu.memory_space<vmem>> -> memref<128x128xf32, #tpu.memory_space<vmem>>
        %dma_wait3A_199 = arith.constant 0 : i32
        %dma_wait3A_200 = tpu.memref_slice %arg5[%run_scoped3A_176, %run_scoped3A_177, %dma_wait3A_199] : memref<2x2x128xi32, #tpu.memory_space<vmem>> -> memref<1x1x128xi32, #tpu.memory_space<vmem>>
        %dma_wait3A_201 = tpu.memref_squeeze %dma_wait3A_200 : memref<1x1x128xi32, #tpu.memory_space<vmem>> -> memref<128xi32, #tpu.memory_space<vmem>>
        %dma_wait3A_202 = arith.constant 0 : i32
        %dma_wait3A_203 = arith.constant 0 : i32
        %dma_wait3A_204 = tpu.memref_slice %arg7[%dma_wait3A_202, %dma_wait3A_203] : memref<10240x128xf32, #tpu.memory_space<vmem_shared>> -> memref<10240x128xf32, #tpu.memory_space<vmem_shared>>
        tpu.wait_indirect_dma semaphore(%run_scoped3A_184 : memref<!tpu.dma_semaphore, #tpu.memory_space<semaphore_mem>>) src(%dma_wait3A_198 : memref<128x128xf32, #tpu.memory_space<vmem>>) dst(%dma_wait3A_204 : memref<10240x128xf32, #tpu.memory_space<vmem_shared>>)
        tpu.yield
      }) : () -> ()
      %add3A_178 = arith.constant 2 : i32
      %add3A_179 = arith.addi %add3A_155, %add3A_178 : i32
      %lt3A_180 = arith.cmpi slt, %add3A_179, %select_n3A_3 : i32
      %convert_element_type3A_181 = arith.extui %lt3A_180 : i1 to i32
      %cond3A_182 = arith.constant 0 : i32
      %cond3A_183 = arith.cmpi ne, %convert_element_type3A_181, %cond3A_182 : i32
      scf.if %cond3A_183 {
        %add3A_184 = arith.addi %select_n3A_11, %add3A_155 : i32
        %add3A_185 = arith.constant 2 : i32
        %add3A_186 = arith.addi %add3A_184, %add3A_185 : i32
        %dma_start3A_187 = arith.constant 1 : i32
        %dma_start3A_188 = arith.constant 0 : i32
        %dma_start3A_189 = arith.constant 0 : i32
        %dma_start3A_190 = tpu.memref_slice %arg5[%dma_start3A_187, %dma_start3A_188, %dma_start3A_189] : memref<2x2x128xi32, #tpu.memory_space<vmem>> -> memref<1x2x128xi32, #tpu.memory_space<vmem>>
        %dma_start3A_191 = tpu.memref_squeeze %dma_start3A_190 : memref<1x2x128xi32, #tpu.memory_space<vmem>> -> memref<2x128xi32, #tpu.memory_space<vmem>>
        %dma_start3A_192 = arith.constant 0 : i32
        %dma_start3A_193 = arith.constant 0 : i32
        %dma_start3A_194 = tpu.memref_slice %arg3[%add3A_186, %dma_start3A_192, %dma_start3A_193] : memref<2560x2x128xi32, #tpu.memory_space<hbm>> -> memref<1x2x128xi32, #tpu.memory_space<hbm>>
        %dma_start3A_195 = tpu.memref_squeeze %dma_start3A_194 : memref<1x2x128xi32, #tpu.memory_space<hbm>> -> memref<2x128xi32, #tpu.memory_space<hbm>>
        %dma_start3A_196 = arith.constant 0 : i32
        %dma_start3A_197 = arith.constant 0 : i32
        %dma_start3A_198 = tpu.memref_slice %arg5[%dma_start3A_187, %dma_start3A_196, %dma_start3A_197] : memref<2x2x128xi32, #tpu.memory_space<vmem>> -> memref<1x2x128xi32, #tpu.memory_space<vmem>>
        %dma_start3A_199 = tpu.memref_squeeze %dma_start3A_198 : memref<1x2x128xi32, #tpu.memory_space<vmem>> -> memref<2x128xi32, #tpu.memory_space<vmem>>
        %dma_start3A_200 = arith.constant 0 : i32
        %dma_start3A_201 = arith.constant 0 : i32
        %dma_start3A_202 = tpu.memref_slice %arg3[%add3A_186, %dma_start3A_200, %dma_start3A_201] : memref<2560x2x128xi32, #tpu.memory_space<hbm>> -> memref<1x2x128xi32, #tpu.memory_space<hbm>>
        %dma_start3A_203 = tpu.memref_squeeze %dma_start3A_202 : memref<1x2x128xi32, #tpu.memory_space<hbm>> -> memref<2x128xi32, #tpu.memory_space<hbm>>
        tpu.enqueue_dma source(%dma_start3A_203 : memref<2x128xi32, #tpu.memory_space<hbm>>) target(%dma_start3A_199 : memref<2x128xi32, #tpu.memory_space<vmem>>) target_semaphore(%arg9 : memref<!tpu.dma_semaphore, #tpu.memory_space<semaphore_mem>>)
      } else {
      }
    }
    %barrier3A_121 = arith.constant 0 : index
    tpu.barrier barrier_id(%barrier3A_121)
    "tpu.region"() ({
      %run_scoped3A_122 = tpu.sem_alloc : memref<!tpu.dma_semaphore, #tpu.memory_space<semaphore_mem>>
      %dma_start3A_123 = arith.constant 0 : i32
      %dma_start3A_124 = tpu.memref_slice %arg4[%arg0, %multiple_of3A, %dma_start3A_123] : memref<2x10240x128xf32, #tpu.memory_space<hbm>> -> memref<1x640x128xf32, #tpu.memory_space<hbm>>
      %dma_start3A_125 = tpu.memref_squeeze %dma_start3A_124 : memref<1x640x128xf32, #tpu.memory_space<hbm>> -> memref<640x128xf32, #tpu.memory_space<hbm>>
      %dma_start3A_126 = arith.constant 0 : i32
      %dma_start3A_127 = tpu.memref_slice %arg7[%multiple_of3A, %dma_start3A_126] : memref<10240x128xf32, #tpu.memory_space<vmem_shared>> -> memref<640x128xf32, #tpu.memory_space<vmem_shared>>
      tpu.enqueue_dma source(%dma_start3A_127 : memref<640x128xf32, #tpu.memory_space<vmem_shared>>) target(%dma_start3A_125 : memref<640x128xf32, #tpu.memory_space<hbm>>) target_semaphore(%run_scoped3A_122 : memref<!tpu.dma_semaphore, #tpu.memory_space<semaphore_mem>>)
      %dma_wait3A_128 = arith.constant 0 : i32
      %dma_wait3A_129 = tpu.memref_slice %arg4[%arg0, %multiple_of3A, %dma_wait3A_128] : memref<2x10240x128xf32, #tpu.memory_space<hbm>> -> memref<1x640x128xf32, #tpu.memory_space<hbm>>
      %dma_wait3A_130 = tpu.memref_squeeze %dma_wait3A_129 : memref<1x640x128xf32, #tpu.memory_space<hbm>> -> memref<640x128xf32, #tpu.memory_space<hbm>>
      %dma_wait3A_131 = arith.constant 0 : i32
      %dma_wait3A_132 = tpu.memref_slice %arg7[%multiple_of3A, %dma_wait3A_131] : memref<10240x128xf32, #tpu.memory_space<vmem_shared>> -> memref<640x128xf32, #tpu.memory_space<vmem_shared>>
      tpu.wait_dma2 semaphore(%run_scoped3A_122 : memref<!tpu.dma_semaphore, #tpu.memory_space<semaphore_mem>>) src(%dma_wait3A_132 : memref<640x128xf32, #tpu.memory_space<vmem_shared>>) dst(%dma_wait3A_130 : memref<640x128xf32, #tpu.memory_space<hbm>>)
      tpu.yield
    }) : () -> ()
    return
  }
}

#map = affine_map<(d0, d1) -> (0, 0)>
module attributes {stable_mosaic.version = 14 : i64} {
  func.func @k(%arg0: i32, %arg1: i32, %arg2: memref<2560x128xi32, #tpu.memory_space<hbm>>, %arg3: memref<2x10240xf32, #tpu.memory_space<hbm>>, %arg4: memref<80x128xi32, #tpu.memory_space<vmem>>, %arg5: memref<128xf32, #tpu.memory_space<vmem>>, %arg6: memref<640xf32, #tpu.memory_space<vmem>>, %arg7: memref<10240xf32, #tpu.memory_space<vmem_shared>>, %arg8: memref<!tpu.dma_semaphore, #tpu.memory_space<semaphore_mem>>) attributes {dimension_semantics = [#tpu.dimension_semantics<core_parallel>, #tpu.dimension_semantics<subcore_parallel>], iteration_bounds = array<i64: 2, 16>, scalar_prefetch = 0 : i64, scratch_operands = 5 : i64, tpu.core_type = #tpu.core_type<sc_vector_subcore>, window_params = [{transform_indices = #map}, {transform_indices = #map}]} {
    %mul3A = arith.constant 640 : i32
    %mul3A_0 = arith.muli %arg1, %mul3A : i32
    %multiple_of3A = tpu.assume_multiple %mul3A_0, 8 : i32
    %mul3A_1 = arith.constant 16 : i32
    %mul3A_2 = arith.muli %arg0, %mul3A_1 : i32
    %add3A = arith.addi %mul3A_2, %arg1 : i32
    %mul3A_3 = arith.constant 80 : i32
    %mul3A_4 = arith.muli %add3A, %mul3A_3 : i32
    %multiple_of3A_5 = tpu.assume_multiple %mul3A_4, 8 : i32
    %scan3A = arith.constant 0 : i32
    %scan3A_6 = arith.constant 0 : i32
    %scan3A_7 = arith.constant 40 : i32
    %scan3A_8 = arith.addi %scan3A_6, %scan3A_7 : i32
    %scan3A_9 = arith.constant 1 : i32
    scf.for %scan3A_30 = %scan3A_6 to %scan3A_8 step %scan3A_9  : i32 {
      %broadcast_in_dim3A = arith.constant 0.000000e+00 : f32
      %broadcast_in_dim3A_31 = vector.broadcast %broadcast_in_dim3A : f32 to vector<16xf32>
      %mul3A_32 = arith.constant 16 : i32
      %mul3A_33 = arith.muli %scan3A_30, %mul3A_32 : i32
      %swap3A = arith.index_cast %mul3A_33 : i32 to index
      %swap3A_34 = tpu.vector_load %arg6[%swap3A] {strides = array<i32>} : memref<640xf32, #tpu.memory_space<vmem>>, vector<16xf32>,
      %swap3A_35 = vector.shape_cast %swap3A_34 : vector<16xf32> to vector<16xf32>
      %swap3A_36 = vector.shape_cast %broadcast_in_dim3A_31 : vector<16xf32> to vector<16xf32>
      tpu.vector_store %arg6[%swap3A], %swap3A_36 {strides = array<i32>} : memref<640xf32, #tpu.memory_space<vmem>>, vector<16xf32>,
    }
    %scan3A_10 = arith.constant 40 : i32
    %scan3A_11 = arith.constant 0 : i32
    %scan3A_12 = arith.constant 0 : i32
    %scan3A_13 = arith.constant 8 : i32
    %scan3A_14 = arith.addi %scan3A_12, %scan3A_13 : i32
    %scan3A_15 = arith.constant 1 : i32
    scf.for %scan3A_30 = %scan3A_12 to %scan3A_14 step %scan3A_15  : i32 {
      %broadcast_in_dim3A = arith.constant 1.000000e+00 : f32
      %broadcast_in_dim3A_31 = vector.broadcast %broadcast_in_dim3A : f32 to vector<16xf32>
      %mul3A_32 = arith.constant 16 : i32
      %mul3A_33 = arith.muli %scan3A_30, %mul3A_32 : i32
      %swap3A = arith.index_cast %mul3A_33 : i32 to index
      %swap3A_34 = tpu.vector_load %arg5[%swap3A] {strides = array<i32>} : memref<128xf32, #tpu.memory_space<vmem>>, vector<16xf32>,
      %swap3A_35 = vector.shape_cast %swap3A_34 : vector<16xf32> to vector<16xf32>
      %swap3A_36 = vector.shape_cast %broadcast_in_dim3A_31 : vector<16xf32> to vector<16xf32>
      tpu.vector_store %arg5[%swap3A], %swap3A_36 {strides = array<i32>} : memref<128xf32, #tpu.memory_space<vmem>>, vector<16xf32>,
    }
    %scan3A_16 = arith.constant 8 : i32
    "tpu.region"() ({
      %run_scoped3A = tpu.sem_alloc : memref<!tpu.dma_semaphore, #tpu.memory_space<semaphore_mem>>
      %dma_start3A = arith.constant 0 : i32
      %dma_start3A_30 = tpu.memref_slice %arg2[%multiple_of3A_5, %dma_start3A] : memref<2560x128xi32, #tpu.memory_space<hbm>> -> memref<80x128xi32, #tpu.memory_space<hbm>>
      %dma_start3A_31 = arith.constant 0 : i32
      %dma_start3A_32 = tpu.memref_slice %arg2[%multiple_of3A_5, %dma_start3A_31] : memref<2560x128xi32, #tpu.memory_space<hbm>> -> memref<80x128xi32, #tpu.memory_space<hbm>>
      tpu.enqueue_dma source(%dma_start3A_32 : memref<80x128xi32, #tpu.memory_space<hbm>>) target(%arg4 : memref<80x128xi32, #tpu.memory_space<vmem>>) target_semaphore(%run_scoped3A : memref<!tpu.dma_semaphore, #tpu.memory_space<semaphore_mem>>)
      %dma_wait3A = arith.constant 0 : i32
      %dma_wait3A_33 = tpu.memref_slice %arg2[%multiple_of3A_5, %dma_wait3A] : memref<2560x128xi32, #tpu.memory_space<hbm>> -> memref<80x128xi32, #tpu.memory_space<hbm>>
      %dma_wait3A_34 = arith.constant 0 : i32
      %dma_wait3A_35 = tpu.memref_slice %arg2[%multiple_of3A_5, %dma_wait3A_34] : memref<2560x128xi32, #tpu.memory_space<hbm>> -> memref<80x128xi32, #tpu.memory_space<hbm>>
      tpu.wait_dma2 semaphore(%run_scoped3A : memref<!tpu.dma_semaphore, #tpu.memory_space<semaphore_mem>>) src(%dma_wait3A_35 : memref<80x128xi32, #tpu.memory_space<hbm>>) dst(%arg4 : memref<80x128xi32, #tpu.memory_space<vmem>>)
      tpu.yield
    }) : () -> ()
    "tpu.region"() ({
      %run_scoped3A = tpu.sem_alloc : memref<!tpu.dma_semaphore, #tpu.memory_space<semaphore_mem>>
      %dma_start3A = tpu.memref_slice %arg7[%multiple_of3A] : memref<10240xf32, #tpu.memory_space<vmem_shared>> -> memref<640xf32, #tpu.memory_space<vmem_shared>>
      %dma_start3A_30 = tpu.memref_slice %arg7[%multiple_of3A] : memref<10240xf32, #tpu.memory_space<vmem_shared>> -> memref<640xf32, #tpu.memory_space<vmem_shared>>
      tpu.enqueue_dma source(%arg6 : memref<640xf32, #tpu.memory_space<vmem>>) target(%dma_start3A_30 : memref<640xf32, #tpu.memory_space<vmem_shared>>) target_semaphore(%run_scoped3A : memref<!tpu.dma_semaphore, #tpu.memory_space<semaphore_mem>>)
      %dma_wait3A = tpu.memref_slice %arg7[%multiple_of3A] : memref<10240xf32, #tpu.memory_space<vmem_shared>> -> memref<640xf32, #tpu.memory_space<vmem_shared>>
      %dma_wait3A_31 = tpu.memref_slice %arg7[%multiple_of3A] : memref<10240xf32, #tpu.memory_space<vmem_shared>> -> memref<640xf32, #tpu.memory_space<vmem_shared>>
      tpu.wait_dma2 semaphore(%run_scoped3A : memref<!tpu.dma_semaphore, #tpu.memory_space<semaphore_mem>>) src(%arg6 : memref<640xf32, #tpu.memory_space<vmem>>) dst(%dma_wait3A_31 : memref<640xf32, #tpu.memory_space<vmem_shared>>)
      tpu.yield
    }) : () -> ()
    %barrier3A = arith.constant 0 : index
    tpu.barrier barrier_id(%barrier3A)
    %scan3A_17 = arith.constant 0 : i32
    %scan3A_18 = arith.constant 0 : i32
    %scan3A_19 = arith.constant 80 : i32
    %scan3A_20 = arith.addi %scan3A_18, %scan3A_19 : i32
    %scan3A_21 = arith.constant 1 : i32
    scf.for %scan3A_30 = %scan3A_18 to %scan3A_20 step %scan3A_21  : i32 {
      %dma_start3A = arith.constant 0 : i32
      %dma_start3A_31 = tpu.memref_slice %arg4[%scan3A_30, %dma_start3A] : memref<80x128xi32, #tpu.memory_space<vmem>> -> memref<1x128xi32, #tpu.memory_space<vmem>>
      %dma_start3A_32 = tpu.memref_squeeze %dma_start3A_31 : memref<1x128xi32, #tpu.memory_space<vmem>> -> memref<128xi32, #tpu.memory_space<vmem>>
      %dma_start3A_33 = arith.constant 0 : i32
      %dma_start3A_34 = tpu.memref_slice %arg7[%dma_start3A_33] : memref<10240xf32, #tpu.memory_space<vmem_shared>> -> memref<10240xf32, #tpu.memory_space<vmem_shared>>
      tpu.enqueue_indirect_dma source(%arg5 : memref<128xf32, #tpu.memory_space<vmem>>) target(%dma_start3A_34 : memref<10240xf32, #tpu.memory_space<vmem_shared>>) offsets(%dma_start3A_32 : memref<128xi32, #tpu.memory_space<vmem>>) semaphore(%arg8 : memref<!tpu.dma_semaphore, #tpu.memory_space<semaphore_mem>>) {add = true}
    }
    %scan3A_22 = arith.constant 80 : i32
    %scan3A_23 = arith.constant 0 : i32
    %scan3A_24 = arith.constant 0 : i32
    %scan3A_25 = arith.constant 80 : i32
    %scan3A_26 = arith.addi %scan3A_24, %scan3A_25 : i32
    %scan3A_27 = arith.constant 1 : i32
    scf.for %scan3A_30 = %scan3A_24 to %scan3A_26 step %scan3A_27  : i32 {
      %dma_wait3A = arith.constant 0 : i32
      %dma_wait3A_31 = tpu.memref_slice %arg4[%scan3A_30, %dma_wait3A] : memref<80x128xi32, #tpu.memory_space<vmem>> -> memref<1x128xi32, #tpu.memory_space<vmem>>
      %dma_wait3A_32 = tpu.memref_squeeze %dma_wait3A_31 : memref<1x128xi32, #tpu.memory_space<vmem>> -> memref<128xi32, #tpu.memory_space<vmem>>
      %dma_wait3A_33 = arith.constant 0 : i32
      %dma_wait3A_34 = tpu.memref_slice %arg7[%dma_wait3A_33] : memref<10240xf32, #tpu.memory_space<vmem_shared>> -> memref<10240xf32, #tpu.memory_space<vmem_shared>>
      tpu.wait_indirect_dma semaphore(%arg8 : memref<!tpu.dma_semaphore, #tpu.memory_space<semaphore_mem>>) src(%arg5 : memref<128xf32, #tpu.memory_space<vmem>>) dst(%dma_wait3A_34 : memref<10240xf32, #tpu.memory_space<vmem_shared>>)
    }
    %scan3A_28 = arith.constant 80 : i32
    %barrier3A_29 = arith.constant 0 : index
    tpu.barrier barrier_id(%barrier3A_29)
    "tpu.region"() ({
      %run_scoped3A = tpu.sem_alloc : memref<!tpu.dma_semaphore, #tpu.memory_space<semaphore_mem>>
      %dma_start3A = tpu.memref_slice %arg3[%arg0, %multiple_of3A] : memref<2x10240xf32, #tpu.memory_space<hbm>> -> memref<1x640xf32, #tpu.memory_space<hbm>>
      %dma_start3A_30 = tpu.memref_squeeze %dma_start3A : memref<1x640xf32, #tpu.memory_space<hbm>> -> memref<640xf32, #tpu.memory_space<hbm>>
      %dma_start3A_31 = tpu.memref_slice %arg7[%multiple_of3A] : memref<10240xf32, #tpu.memory_space<vmem_shared>> -> memref<640xf32, #tpu.memory_space<vmem_shared>>
      tpu.enqueue_dma source(%dma_start3A_31 : memref<640xf32, #tpu.memory_space<vmem_shared>>) target(%dma_start3A_30 : memref<640xf32, #tpu.memory_space<hbm>>) target_semaphore(%run_scoped3A : memref<!tpu.dma_semaphore, #tpu.memory_space<semaphore_mem>>)
      %dma_wait3A = tpu.memref_slice %arg3[%arg0, %multiple_of3A] : memref<2x10240xf32, #tpu.memory_space<hbm>> -> memref<1x640xf32, #tpu.memory_space<hbm>>
      %dma_wait3A_32 = tpu.memref_squeeze %dma_wait3A : memref<1x640xf32, #tpu.memory_space<hbm>> -> memref<640xf32, #tpu.memory_space<hbm>>
      %dma_wait3A_33 = tpu.memref_slice %arg7[%multiple_of3A] : memref<10240xf32, #tpu.memory_space<vmem_shared>> -> memref<640xf32, #tpu.memory_space<vmem_shared>>
      tpu.wait_dma2 semaphore(%run_scoped3A : memref<!tpu.dma_semaphore, #tpu.memory_space<semaphore_mem>>) src(%dma_wait3A_33 : memref<640xf32, #tpu.memory_space<vmem_shared>>) dst(%dma_wait3A_32 : memref<640xf32, #tpu.memory_space<hbm>>)
      tpu.yield
    }) : () -> ()
    return
  }
}

#map = affine_map<(d0, d1) -> (0, 0)>
#map1 = affine_map<(d0, d1) -> (0, 0, 0)>
module attributes {stable_mosaic.version = 14 : i64} {
  func.func @k(%arg0: i32, %arg1: i32, %arg2: memref<10000x128xf32, #tpu.memory_space<hbm>>, %arg3: memref<2560x2x128xi32, #tpu.memory_space<hbm>>, %arg4: memref<2x10240x128xf32, #tpu.memory_space<hbm>>, %arg5: memref<2x2x128xi32, #tpu.memory_space<vmem>>, %arg6: memref<2x128x128xf32, #tpu.memory_space<vmem>>, %arg7: memref<10240x128xf32, #tpu.memory_space<vmem_shared>>, %arg8: memref<!tpu.dma_semaphore, #tpu.memory_space<semaphore_mem>>, %arg9: memref<!tpu.dma_semaphore, #tpu.memory_space<semaphore_mem>>, %arg10: memref<!tpu.dma_semaphore, #tpu.memory_space<semaphore_mem>>, %arg11: memref<!tpu.dma_semaphore, #tpu.memory_space<semaphore_mem>>) attributes {dimension_semantics = [#tpu.dimension_semantics<core_parallel>, #tpu.dimension_semantics<subcore_parallel>], iteration_bounds = array<i64: 2, 16>, scalar_prefetch = 0 : i64, scratch_operands = 7 : i64, tpu.core_type = #tpu.core_type<sc_vector_subcore>, window_params = [{transform_indices = #map}, {transform_indices = #map1}, {transform_indices = #map1}]} {
    %mul3A = arith.constant 640 : i32
    %mul3A_0 = arith.muli %arg1, %mul3A : i32
    %multiple_of3A = tpu.assume_multiple %mul3A_0, 8 : i32
    %eq3A = arith.constant 0 : i32
    %eq3A_1 = arith.cmpi eq, %arg0, %eq3A : i32
    %select_n3A = arith.constant 20 : i32
    %select_n3A_2 = arith.constant 140 : i32
    %select_n3A_3 = arith.select %eq3A_1, %select_n3A_2, %select_n3A : i32
    %eq3A_4 = arith.constant 0 : i32
    %eq3A_5 = arith.cmpi eq, %arg0, %eq3A_4 : i32
    %mul3A_6 = arith.constant 140 : i32
    %mul3A_7 = arith.muli %arg1, %mul3A_6 : i32
    %mul3A_8 = arith.constant 20 : i32
    %mul3A_9 = arith.muli %arg1, %mul3A_8 : i32
    %add3A = arith.constant 2240 : i32
    %add3A_10 = arith.addi %add3A, %mul3A_9 : i32
    %select_n3A_11 = arith.select %eq3A_5, %mul3A_7, %add3A_10 : i32
    %scan3A = arith.constant 0 : i32
    %scan3A_12 = arith.constant 0 : i32
    %scan3A_13 = arith.constant 1024 : i32
    %scan3A_14 = arith.addi %scan3A_12, %scan3A_13 : i32
    %scan3A_15 = arith.constant 1 : i32
    scf.for %scan3A_122 = %scan3A_12 to %scan3A_14 step %scan3A_15  : i32 {
      %jit3A_123 = arith.constant 8 : i32
      %div3A_124 = arith.divsi %scan3A_122, %jit3A_123 : i32
      %sign3A_125 = arith.constant 0 : i32
      %sign3A_126 = arith.cmpi sgt, %scan3A_122, %sign3A_125 : i32
      %sign3A_127 = arith.extui %sign3A_126 : i1 to i32
      %sign3A_128 = arith.constant 0 : i32
      %sign3A_129 = arith.cmpi slt, %scan3A_122, %sign3A_128 : i32
      %sign3A_130 = arith.extui %sign3A_129 : i1 to i32
      %sign3A_131 = arith.subi %sign3A_127, %sign3A_130 : i32
      %sign3A_132 = arith.constant 0 : i32
      %sign3A_133 = arith.cmpi sgt, %jit3A_123, %sign3A_132 : i32
      %sign3A_134 = arith.extui %sign3A_133 : i1 to i32
      %sign3A_135 = arith.constant 0 : i32
      %sign3A_136 = arith.cmpi slt, %jit3A_123, %sign3A_135 : i32
      %sign3A_137 = arith.extui %sign3A_136 : i1 to i32
      %sign3A_138 = arith.subi %sign3A_134, %sign3A_137 : i32
      %ne3A_139 = arith.cmpi ne, %sign3A_131, %sign3A_138 : i32
      %rem3A_140 = arith.remsi %scan3A_122, %jit3A_123 : i32
      %ne3A_141 = arith.constant 0 : i32
      %ne3A_142 = arith.cmpi ne, %rem3A_140, %ne3A_141 : i32
      %and3A_143 = arith.andi %ne3A_139, %ne3A_142 : i1
      %sub3A_144 = arith.constant 1 : i32
      %sub3A_145 = arith.subi %div3A_124, %sub3A_144 : i32
      %select_n3A_146 = arith.select %and3A_143, %sub3A_145, %div3A_124 : i32
      %rem3A_147 = arith.constant 8 : i32
      %rem3A_148 = arith.remsi %scan3A_122, %rem3A_147 : i32
      %broadcast_in_dim3A = arith.constant 0.000000e+00 : f32
      %broadcast_in_dim3A_149 = vector.broadcast %broadcast_in_dim3A : f32 to vector<16xf32>
      %mul3A_150 = arith.constant 16 : i32
      %mul3A_151 = arith.muli %rem3A_148, %mul3A_150 : i32
      %swap3A = arith.constant 0 : i32
      %swap3A_152 = arith.index_cast %swap3A : i32 to index
      %swap3A_153 = arith.index_cast %select_n3A_146 : i32 to index
      %swap3A_154 = arith.index_cast %mul3A_151 : i32 to index
      %swap3A_155 = tpu.vector_load %arg6[%swap3A_152, %swap3A_153, %swap3A_154] {strides = array<i32>} : memref<2x128x128xf32, #tpu.memory_space<vmem>>, vector<1x1x16xf32>,
      %swap3A_156 = vector.shape_cast %swap3A_155 : vector<1x1x16xf32> to vector<16xf32>
      %swap3A_157 = vector.shape_cast %broadcast_in_dim3A_149 : vector<16xf32> to vector<1x1x16xf32>
      tpu.vector_store %arg6[%swap3A_152, %swap3A_153, %swap3A_154], %swap3A_157 {strides = array<i32>} : memref<2x128x128xf32, #tpu.memory_space<vmem>>, vector<1x1x16xf32>,
    }
    %scan3A_16 = arith.constant 1024 : i32
    %add3A_17 = arith.constant 0 : i32
    %add3A_18 = arith.addi %multiple_of3A, %add3A_17 : i32
    %run_scoped3A = arith.constant 0 : i32
    "tpu.region"() ({
      %run_scoped3A_122 = tpu.sem_alloc : memref<!tpu.dma_semaphore, #tpu.memory_space<semaphore_mem>>
      %dma_start3A_123 = arith.constant 0 : i32
      %dma_start3A_124 = arith.constant 0 : i32
      %dma_start3A_125 = tpu.memref_slice %arg6[%run_scoped3A, %dma_start3A_123, %dma_start3A_124] : memref<2x128x128xf32, #tpu.memory_space<vmem>> -> memref<1x128x128xf32, #tpu.memory_space<vmem>>
      %dma_start3A_126 = tpu.memref_squeeze %dma_start3A_125 : memref<1x128x128xf32, #tpu.memory_space<vmem>> -> memref<128x128xf32, #tpu.memory_space<vmem>>
      %dma_start3A_127 = arith.constant 0 : i32
      %dma_start3A_128 = tpu.memref_slice %arg7[%add3A_18, %dma_start3A_127] : memref<10240x128xf32, #tpu.memory_space<vmem_shared>> -> memref<128x128xf32, #tpu.memory_space<vmem_shared>>
      %dma_start3A_129 = arith.constant 0 : i32
      %dma_start3A_130 = tpu.memref_slice %arg7[%add3A_18, %dma_start3A_129] : memref<10240x128xf32, #tpu.memory_space<vmem_shared>> -> memref<128x128xf32, #tpu.memory_space<vmem_shared>>
      %dma_start3A_131 = arith.constant 0 : i32
      %dma_start3A_132 = arith.constant 0 : i32
      %dma_start3A_133 = tpu.memref_slice %arg6[%run_scoped3A, %dma_start3A_131, %dma_start3A_132] : memref<2x128x128xf32, #tpu.memory_space<vmem>> -> memref<1x128x128xf32, #tpu.memory_space<vmem>>
      %dma_start3A_134 = tpu.memref_squeeze %dma_start3A_133 : memref<1x128x128xf32, #tpu.memory_space<vmem>> -> memref<128x128xf32, #tpu.memory_space<vmem>>
      tpu.enqueue_dma source(%dma_start3A_134 : memref<128x128xf32, #tpu.memory_space<vmem>>) target(%dma_start3A_130 : memref<128x128xf32, #tpu.memory_space<vmem_shared>>) target_semaphore(%run_scoped3A_122 : memref<!tpu.dma_semaphore, #tpu.memory_space<semaphore_mem>>)
      %dma_wait3A_135 = arith.constant 0 : i32
      %dma_wait3A_136 = arith.constant 0 : i32
      %dma_wait3A_137 = tpu.memref_slice %arg6[%run_scoped3A, %dma_wait3A_135, %dma_wait3A_136] : memref<2x128x128xf32, #tpu.memory_space<vmem>> -> memref<1x128x128xf32, #tpu.memory_space<vmem>>
      %dma_wait3A_138 = tpu.memref_squeeze %dma_wait3A_137 : memref<1x128x128xf32, #tpu.memory_space<vmem>> -> memref<128x128xf32, #tpu.memory_space<vmem>>
      %dma_wait3A_139 = arith.constant 0 : i32
      %dma_wait3A_140 = tpu.memref_slice %arg7[%add3A_18, %dma_wait3A_139] : memref<10240x128xf32, #tpu.memory_space<vmem_shared>> -> memref<128x128xf32, #tpu.memory_space<vmem_shared>>
      %dma_wait3A_141 = arith.constant 0 : i32
      %dma_wait3A_142 = tpu.memref_slice %arg7[%add3A_18, %dma_wait3A_141] : memref<10240x128xf32, #tpu.memory_space<vmem_shared>> -> memref<128x128xf32, #tpu.memory_space<vmem_shared>>
      %dma_wait3A_143 = arith.constant 0 : i32
      %dma_wait3A_144 = arith.constant 0 : i32
      %dma_wait3A_145 = tpu.memref_slice %arg6[%run_scoped3A, %dma_wait3A_143, %dma_wait3A_144] : memref<2x128x128xf32, #tpu.memory_space<vmem>> -> memref<1x128x128xf32, #tpu.memory_space<vmem>>
      %dma_wait3A_146 = tpu.memref_squeeze %dma_wait3A_145 : memref<1x128x128xf32, #tpu.memory_space<vmem>> -> memref<128x128xf32, #tpu.memory_space<vmem>>
      tpu.wait_dma2 semaphore(%run_scoped3A_122 : memref<!tpu.dma_semaphore, #tpu.memory_space<semaphore_mem>>) src(%dma_wait3A_146 : memref<128x128xf32, #tpu.memory_space<vmem>>) dst(%dma_wait3A_142 : memref<128x128xf32, #tpu.memory_space<vmem_shared>>)
      tpu.yield
    }) : () -> ()
    %add3A_19 = arith.constant 128 : i32
    %add3A_20 = arith.addi %multiple_of3A, %add3A_19 : i32
    %run_scoped3A_21 = arith.constant 0 : i32
    "tpu.region"() ({
      %run_scoped3A_122 = tpu.sem_alloc : memref<!tpu.dma_semaphore, #tpu.memory_space<semaphore_mem>>
      %dma_start3A_123 = arith.constant 0 : i32
      %dma_start3A_124 = arith.constant 0 : i32
      %dma_start3A_125 = tpu.memref_slice %arg6[%run_scoped3A_21, %dma_start3A_123, %dma_start3A_124] : memref<2x128x128xf32, #tpu.memory_space<vmem>> -> memref<1x128x128xf32, #tpu.memory_space<vmem>>
      %dma_start3A_126 = tpu.memref_squeeze %dma_start3A_125 : memref<1x128x128xf32, #tpu.memory_space<vmem>> -> memref<128x128xf32, #tpu.memory_space<vmem>>
      %dma_start3A_127 = arith.constant 0 : i32
      %dma_start3A_128 = tpu.memref_slice %arg7[%add3A_20, %dma_start3A_127] : memref<10240x128xf32, #tpu.memory_space<vmem_shared>> -> memref<128x128xf32, #tpu.memory_space<vmem_shared>>
      %dma_start3A_129 = arith.constant 0 : i32
      %dma_start3A_130 = tpu.memref_slice %arg7[%add3A_20, %dma_start3A_129] : memref<10240x128xf32, #tpu.memory_space<vmem_shared>> -> memref<128x128xf32, #tpu.memory_space<vmem_shared>>
      %dma_start3A_131 = arith.constant 0 : i32
      %dma_start3A_132 = arith.constant 0 : i32
      %dma_start3A_133 = tpu.memref_slice %arg6[%run_scoped3A_21, %dma_start3A_131, %dma_start3A_132] : memref<2x128x128xf32, #tpu.memory_space<vmem>> -> memref<1x128x128xf32, #tpu.memory_space<vmem>>
      %dma_start3A_134 = tpu.memref_squeeze %dma_start3A_133 : memref<1x128x128xf32, #tpu.memory_space<vmem>> -> memref<128x128xf32, #tpu.memory_space<vmem>>
      tpu.enqueue_dma source(%dma_start3A_134 : memref<128x128xf32, #tpu.memory_space<vmem>>) target(%dma_start3A_130 : memref<128x128xf32, #tpu.memory_space<vmem_shared>>) target_semaphore(%run_scoped3A_122 : memref<!tpu.dma_semaphore, #tpu.memory_space<semaphore_mem>>)
      %dma_wait3A_135 = arith.constant 0 : i32
      %dma_wait3A_136 = arith.constant 0 : i32
      %dma_wait3A_137 = tpu.memref_slice %arg6[%run_scoped3A_21, %dma_wait3A_135, %dma_wait3A_136] : memref<2x128x128xf32, #tpu.memory_space<vmem>> -> memref<1x128x128xf32, #tpu.memory_space<vmem>>
      %dma_wait3A_138 = tpu.memref_squeeze %dma_wait3A_137 : memref<1x128x128xf32, #tpu.memory_space<vmem>> -> memref<128x128xf32, #tpu.memory_space<vmem>>
      %dma_wait3A_139 = arith.constant 0 : i32
      %dma_wait3A_140 = tpu.memref_slice %arg7[%add3A_20, %dma_wait3A_139] : memref<10240x128xf32, #tpu.memory_space<vmem_shared>> -> memref<128x128xf32, #tpu.memory_space<vmem_shared>>
      %dma_wait3A_141 = arith.constant 0 : i32
      %dma_wait3A_142 = tpu.memref_slice %arg7[%add3A_20, %dma_wait3A_141] : memref<10240x128xf32, #tpu.memory_space<vmem_shared>> -> memref<128x128xf32, #tpu.memory_space<vmem_shared>>
      %dma_wait3A_143 = arith.constant 0 : i32
      %dma_wait3A_144 = arith.constant 0 : i32
      %dma_wait3A_145 = tpu.memref_slice %arg6[%run_scoped3A_21, %dma_wait3A_143, %dma_wait3A_144] : memref<2x128x128xf32, #tpu.memory_space<vmem>> -> memref<1x128x128xf32, #tpu.memory_space<vmem>>
      %dma_wait3A_146 = tpu.memref_squeeze %dma_wait3A_145 : memref<1x128x128xf32, #tpu.memory_space<vmem>> -> memref<128x128xf32, #tpu.memory_space<vmem>>
      tpu.wait_dma2 semaphore(%run_scoped3A_122 : memref<!tpu.dma_semaphore, #tpu.memory_space<semaphore_mem>>) src(%dma_wait3A_146 : memref<128x128xf32, #tpu.memory_space<vmem>>) dst(%dma_wait3A_142 : memref<128x128xf32, #tpu.memory_space<vmem_shared>>)
      tpu.yield
    }) : () -> ()
    %add3A_22 = arith.constant 256 : i32
    %add3A_23 = arith.addi %multiple_of3A, %add3A_22 : i32
    %run_scoped3A_24 = arith.constant 0 : i32
    "tpu.region"() ({
      %run_scoped3A_122 = tpu.sem_alloc : memref<!tpu.dma_semaphore, #tpu.memory_space<semaphore_mem>>
      %dma_start3A_123 = arith.constant 0 : i32
      %dma_start3A_124 = arith.constant 0 : i32
      %dma_start3A_125 = tpu.memref_slice %arg6[%run_scoped3A_24, %dma_start3A_123, %dma_start3A_124] : memref<2x128x128xf32, #tpu.memory_space<vmem>> -> memref<1x128x128xf32, #tpu.memory_space<vmem>>
      %dma_start3A_126 = tpu.memref_squeeze %dma_start3A_125 : memref<1x128x128xf32, #tpu.memory_space<vmem>> -> memref<128x128xf32, #tpu.memory_space<vmem>>
      %dma_start3A_127 = arith.constant 0 : i32
      %dma_start3A_128 = tpu.memref_slice %arg7[%add3A_23, %dma_start3A_127] : memref<10240x128xf32, #tpu.memory_space<vmem_shared>> -> memref<128x128xf32, #tpu.memory_space<vmem_shared>>
      %dma_start3A_129 = arith.constant 0 : i32
      %dma_start3A_130 = tpu.memref_slice %arg7[%add3A_23, %dma_start3A_129] : memref<10240x128xf32, #tpu.memory_space<vmem_shared>> -> memref<128x128xf32, #tpu.memory_space<vmem_shared>>
      %dma_start3A_131 = arith.constant 0 : i32
      %dma_start3A_132 = arith.constant 0 : i32
      %dma_start3A_133 = tpu.memref_slice %arg6[%run_scoped3A_24, %dma_start3A_131, %dma_start3A_132] : memref<2x128x128xf32, #tpu.memory_space<vmem>> -> memref<1x128x128xf32, #tpu.memory_space<vmem>>
      %dma_start3A_134 = tpu.memref_squeeze %dma_start3A_133 : memref<1x128x128xf32, #tpu.memory_space<vmem>> -> memref<128x128xf32, #tpu.memory_space<vmem>>
      tpu.enqueue_dma source(%dma_start3A_134 : memref<128x128xf32, #tpu.memory_space<vmem>>) target(%dma_start3A_130 : memref<128x128xf32, #tpu.memory_space<vmem_shared>>) target_semaphore(%run_scoped3A_122 : memref<!tpu.dma_semaphore, #tpu.memory_space<semaphore_mem>>)
      %dma_wait3A_135 = arith.constant 0 : i32
      %dma_wait3A_136 = arith.constant 0 : i32
      %dma_wait3A_137 = tpu.memref_slice %arg6[%run_scoped3A_24, %dma_wait3A_135, %dma_wait3A_136] : memref<2x128x128xf32, #tpu.memory_space<vmem>> -> memref<1x128x128xf32, #tpu.memory_space<vmem>>
      %dma_wait3A_138 = tpu.memref_squeeze %dma_wait3A_137 : memref<1x128x128xf32, #tpu.memory_space<vmem>> -> memref<128x128xf32, #tpu.memory_space<vmem>>
      %dma_wait3A_139 = arith.constant 0 : i32
      %dma_wait3A_140 = tpu.memref_slice %arg7[%add3A_23, %dma_wait3A_139] : memref<10240x128xf32, #tpu.memory_space<vmem_shared>> -> memref<128x128xf32, #tpu.memory_space<vmem_shared>>
      %dma_wait3A_141 = arith.constant 0 : i32
      %dma_wait3A_142 = tpu.memref_slice %arg7[%add3A_23, %dma_wait3A_141] : memref<10240x128xf32, #tpu.memory_space<vmem_shared>> -> memref<128x128xf32, #tpu.memory_space<vmem_shared>>
      %dma_wait3A_143 = arith.constant 0 : i32
      %dma_wait3A_144 = arith.constant 0 : i32
      %dma_wait3A_145 = tpu.memref_slice %arg6[%run_scoped3A_24, %dma_wait3A_143, %dma_wait3A_144] : memref<2x128x128xf32, #tpu.memory_space<vmem>> -> memref<1x128x128xf32, #tpu.memory_space<vmem>>
      %dma_wait3A_146 = tpu.memref_squeeze %dma_wait3A_145 : memref<1x128x128xf32, #tpu.memory_space<vmem>> -> memref<128x128xf32, #tpu.memory_space<vmem>>
      tpu.wait_dma2 semaphore(%run_scoped3A_122 : memref<!tpu.dma_semaphore, #tpu.memory_space<semaphore_mem>>) src(%dma_wait3A_146 : memref<128x128xf32, #tpu.memory_space<vmem>>) dst(%dma_wait3A_142 : memref<128x128xf32, #tpu.memory_space<vmem_shared>>)
      tpu.yield
    }) : () -> ()
    %add3A_25 = arith.constant 384 : i32
    %add3A_26 = arith.addi %multiple_of3A, %add3A_25 : i32
    %run_scoped3A_27 = arith.constant 0 : i32
    "tpu.region"() ({
      %run_scoped3A_122 = tpu.sem_alloc : memref<!tpu.dma_semaphore, #tpu.memory_space<semaphore_mem>>
      %dma_start3A_123 = arith.constant 0 : i32
      %dma_start3A_124 = arith.constant 0 : i32
      %dma_start3A_125 = tpu.memref_slice %arg6[%run_scoped3A_27, %dma_start3A_123, %dma_start3A_124] : memref<2x128x128xf32, #tpu.memory_space<vmem>> -> memref<1x128x128xf32, #tpu.memory_space<vmem>>
      %dma_start3A_126 = tpu.memref_squeeze %dma_start3A_125 : memref<1x128x128xf32, #tpu.memory_space<vmem>> -> memref<128x128xf32, #tpu.memory_space<vmem>>
      %dma_start3A_127 = arith.constant 0 : i32
      %dma_start3A_128 = tpu.memref_slice %arg7[%add3A_26, %dma_start3A_127] : memref<10240x128xf32, #tpu.memory_space<vmem_shared>> -> memref<128x128xf32, #tpu.memory_space<vmem_shared>>
      %dma_start3A_129 = arith.constant 0 : i32
      %dma_start3A_130 = tpu.memref_slice %arg7[%add3A_26, %dma_start3A_129] : memref<10240x128xf32, #tpu.memory_space<vmem_shared>> -> memref<128x128xf32, #tpu.memory_space<vmem_shared>>
      %dma_start3A_131 = arith.constant 0 : i32
      %dma_start3A_132 = arith.constant 0 : i32
      %dma_start3A_133 = tpu.memref_slice %arg6[%run_scoped3A_27, %dma_start3A_131, %dma_start3A_132] : memref<2x128x128xf32, #tpu.memory_space<vmem>> -> memref<1x128x128xf32, #tpu.memory_space<vmem>>
      %dma_start3A_134 = tpu.memref_squeeze %dma_start3A_133 : memref<1x128x128xf32, #tpu.memory_space<vmem>> -> memref<128x128xf32, #tpu.memory_space<vmem>>
      tpu.enqueue_dma source(%dma_start3A_134 : memref<128x128xf32, #tpu.memory_space<vmem>>) target(%dma_start3A_130 : memref<128x128xf32, #tpu.memory_space<vmem_shared>>) target_semaphore(%run_scoped3A_122 : memref<!tpu.dma_semaphore, #tpu.memory_space<semaphore_mem>>)
      %dma_wait3A_135 = arith.constant 0 : i32
      %dma_wait3A_136 = arith.constant 0 : i32
      %dma_wait3A_137 = tpu.memref_slice %arg6[%run_scoped3A_27, %dma_wait3A_135, %dma_wait3A_136] : memref<2x128x128xf32, #tpu.memory_space<vmem>> -> memref<1x128x128xf32, #tpu.memory_space<vmem>>
      %dma_wait3A_138 = tpu.memref_squeeze %dma_wait3A_137 : memref<1x128x128xf32, #tpu.memory_space<vmem>> -> memref<128x128xf32, #tpu.memory_space<vmem>>
      %dma_wait3A_139 = arith.constant 0 : i32
      %dma_wait3A_140 = tpu.memref_slice %arg7[%add3A_26, %dma_wait3A_139] : memref<10240x128xf32, #tpu.memory_space<vmem_shared>> -> memref<128x128xf32, #tpu.memory_space<vmem_shared>>
      %dma_wait3A_141 = arith.constant 0 : i32
      %dma_wait3A_142 = tpu.memref_slice %arg7[%add3A_26, %dma_wait3A_141] : memref<10240x128xf32, #tpu.memory_space<vmem_shared>> -> memref<128x128xf32, #tpu.memory_space<vmem_shared>>
      %dma_wait3A_143 = arith.constant 0 : i32
      %dma_wait3A_144 = arith.constant 0 : i32
      %dma_wait3A_145 = tpu.memref_slice %arg6[%run_scoped3A_27, %dma_wait3A_143, %dma_wait3A_144] : memref<2x128x128xf32, #tpu.memory_space<vmem>> -> memref<1x128x128xf32, #tpu.memory_space<vmem>>
      %dma_wait3A_146 = tpu.memref_squeeze %dma_wait3A_145 : memref<1x128x128xf32, #tpu.memory_space<vmem>> -> memref<128x128xf32, #tpu.memory_space<vmem>>
      tpu.wait_dma2 semaphore(%run_scoped3A_122 : memref<!tpu.dma_semaphore, #tpu.memory_space<semaphore_mem>>) src(%dma_wait3A_146 : memref<128x128xf32, #tpu.memory_space<vmem>>) dst(%dma_wait3A_142 : memref<128x128xf32, #tpu.memory_space<vmem_shared>>)
      tpu.yield
    }) : () -> ()
    %add3A_28 = arith.constant 512 : i32
    %add3A_29 = arith.addi %multiple_of3A, %add3A_28 : i32
    %run_scoped3A_30 = arith.constant 0 : i32
    "tpu.region"() ({
      %run_scoped3A_122 = tpu.sem_alloc : memref<!tpu.dma_semaphore, #tpu.memory_space<semaphore_mem>>
      %dma_start3A_123 = arith.constant 0 : i32
      %dma_start3A_124 = arith.constant 0 : i32
      %dma_start3A_125 = tpu.memref_slice %arg6[%run_scoped3A_30, %dma_start3A_123, %dma_start3A_124] : memref<2x128x128xf32, #tpu.memory_space<vmem>> -> memref<1x128x128xf32, #tpu.memory_space<vmem>>
      %dma_start3A_126 = tpu.memref_squeeze %dma_start3A_125 : memref<1x128x128xf32, #tpu.memory_space<vmem>> -> memref<128x128xf32, #tpu.memory_space<vmem>>
      %dma_start3A_127 = arith.constant 0 : i32
      %dma_start3A_128 = tpu.memref_slice %arg7[%add3A_29, %dma_start3A_127] : memref<10240x128xf32, #tpu.memory_space<vmem_shared>> -> memref<128x128xf32, #tpu.memory_space<vmem_shared>>
      %dma_start3A_129 = arith.constant 0 : i32
      %dma_start3A_130 = tpu.memref_slice %arg7[%add3A_29, %dma_start3A_129] : memref<10240x128xf32, #tpu.memory_space<vmem_shared>> -> memref<128x128xf32, #tpu.memory_space<vmem_shared>>
      %dma_start3A_131 = arith.constant 0 : i32
      %dma_start3A_132 = arith.constant 0 : i32
      %dma_start3A_133 = tpu.memref_slice %arg6[%run_scoped3A_30, %dma_start3A_131, %dma_start3A_132] : memref<2x128x128xf32, #tpu.memory_space<vmem>> -> memref<1x128x128xf32, #tpu.memory_space<vmem>>
      %dma_start3A_134 = tpu.memref_squeeze %dma_start3A_133 : memref<1x128x128xf32, #tpu.memory_space<vmem>> -> memref<128x128xf32, #tpu.memory_space<vmem>>
      tpu.enqueue_dma source(%dma_start3A_134 : memref<128x128xf32, #tpu.memory_space<vmem>>) target(%dma_start3A_130 : memref<128x128xf32, #tpu.memory_space<vmem_shared>>) target_semaphore(%run_scoped3A_122 : memref<!tpu.dma_semaphore, #tpu.memory_space<semaphore_mem>>)
      %dma_wait3A_135 = arith.constant 0 : i32
      %dma_wait3A_136 = arith.constant 0 : i32
      %dma_wait3A_137 = tpu.memref_slice %arg6[%run_scoped3A_30, %dma_wait3A_135, %dma_wait3A_136] : memref<2x128x128xf32, #tpu.memory_space<vmem>> -> memref<1x128x128xf32, #tpu.memory_space<vmem>>
      %dma_wait3A_138 = tpu.memref_squeeze %dma_wait3A_137 : memref<1x128x128xf32, #tpu.memory_space<vmem>> -> memref<128x128xf32, #tpu.memory_space<vmem>>
      %dma_wait3A_139 = arith.constant 0 : i32
      %dma_wait3A_140 = tpu.memref_slice %arg7[%add3A_29, %dma_wait3A_139] : memref<10240x128xf32, #tpu.memory_space<vmem_shared>> -> memref<128x128xf32, #tpu.memory_space<vmem_shared>>
      %dma_wait3A_141 = arith.constant 0 : i32
      %dma_wait3A_142 = tpu.memref_slice %arg7[%add3A_29, %dma_wait3A_141] : memref<10240x128xf32, #tpu.memory_space<vmem_shared>> -> memref<128x128xf32, #tpu.memory_space<vmem_shared>>
      %dma_wait3A_143 = arith.constant 0 : i32
      %dma_wait3A_144 = arith.constant 0 : i32
      %dma_wait3A_145 = tpu.memref_slice %arg6[%run_scoped3A_30, %dma_wait3A_143, %dma_wait3A_144] : memref<2x128x128xf32, #tpu.memory_space<vmem>> -> memref<1x128x128xf32, #tpu.memory_space<vmem>>
      %dma_wait3A_146 = tpu.memref_squeeze %dma_wait3A_145 : memref<1x128x128xf32, #tpu.memory_space<vmem>> -> memref<128x128xf32, #tpu.memory_space<vmem>>
      tpu.wait_dma2 semaphore(%run_scoped3A_122 : memref<!tpu.dma_semaphore, #tpu.memory_space<semaphore_mem>>) src(%dma_wait3A_146 : memref<128x128xf32, #tpu.memory_space<vmem>>) dst(%dma_wait3A_142 : memref<128x128xf32, #tpu.memory_space<vmem_shared>>)
      tpu.yield
    }) : () -> ()
    %barrier3A = arith.constant 0 : index
    tpu.barrier barrier_id(%barrier3A)
    %dma_start3A = arith.constant 0 : i32
    %dma_start3A_31 = arith.constant 0 : i32
    %dma_start3A_32 = arith.constant 0 : i32
    %dma_start3A_33 = tpu.memref_slice %arg5[%dma_start3A, %dma_start3A_31, %dma_start3A_32] : memref<2x2x128xi32, #tpu.memory_space<vmem>> -> memref<1x2x128xi32, #tpu.memory_space<vmem>>
    %dma_start3A_34 = tpu.memref_squeeze %dma_start3A_33 : memref<1x2x128xi32, #tpu.memory_space<vmem>> -> memref<2x128xi32, #tpu.memory_space<vmem>>
    %dma_start3A_35 = arith.constant 0 : i32
    %dma_start3A_36 = arith.constant 0 : i32
    %dma_start3A_37 = tpu.memref_slice %arg3[%select_n3A_11, %dma_start3A_35, %dma_start3A_36] : memref<2560x2x128xi32, #tpu.memory_space<hbm>> -> memref<1x2x128xi32, #tpu.memory_space<hbm>>
    %dma_start3A_38 = tpu.memref_squeeze %dma_start3A_37 : memref<1x2x128xi32, #tpu.memory_space<hbm>> -> memref<2x128xi32, #tpu.memory_space<hbm>>
    %dma_start3A_39 = arith.constant 0 : i32
    %dma_start3A_40 = arith.constant 0 : i32
    %dma_start3A_41 = tpu.memref_slice %arg5[%dma_start3A, %dma_start3A_39, %dma_start3A_40] : memref<2x2x128xi32, #tpu.memory_space<vmem>> -> memref<1x2x128xi32, #tpu.memory_space<vmem>>
    %dma_start3A_42 = tpu.memref_squeeze %dma_start3A_41 : memref<1x2x128xi32, #tpu.memory_space<vmem>> -> memref<2x128xi32, #tpu.memory_space<vmem>>
    %dma_start3A_43 = arith.constant 0 : i32
    %dma_start3A_44 = arith.constant 0 : i32
    %dma_start3A_45 = tpu.memref_slice %arg3[%select_n3A_11, %dma_start3A_43, %dma_start3A_44] : memref<2560x2x128xi32, #tpu.memory_space<hbm>> -> memref<1x2x128xi32, #tpu.memory_space<hbm>>
    %dma_start3A_46 = tpu.memref_squeeze %dma_start3A_45 : memref<1x2x128xi32, #tpu.memory_space<hbm>> -> memref<2x128xi32, #tpu.memory_space<hbm>>
    tpu.enqueue_dma source(%dma_start3A_46 : memref<2x128xi32, #tpu.memory_space<hbm>>) target(%dma_start3A_42 : memref<2x128xi32, #tpu.memory_space<vmem>>) target_semaphore(%arg8 : memref<!tpu.dma_semaphore, #tpu.memory_space<semaphore_mem>>)
    %add3A_47 = arith.constant 1 : i32
    %add3A_48 = arith.addi %select_n3A_11, %add3A_47 : i32
    %dma_start3A_49 = arith.constant 1 : i32
    %dma_start3A_50 = arith.constant 0 : i32
    %dma_start3A_51 = arith.constant 0 : i32
    %dma_start3A_52 = tpu.memref_slice %arg5[%dma_start3A_49, %dma_start3A_50, %dma_start3A_51] : memref<2x2x128xi32, #tpu.memory_space<vmem>> -> memref<1x2x128xi32, #tpu.memory_space<vmem>>
    %dma_start3A_53 = tpu.memref_squeeze %dma_start3A_52 : memref<1x2x128xi32, #tpu.memory_space<vmem>> -> memref<2x128xi32, #tpu.memory_space<vmem>>
    %dma_start3A_54 = arith.constant 0 : i32
    %dma_start3A_55 = arith.constant 0 : i32
    %dma_start3A_56 = tpu.memref_slice %arg3[%add3A_48, %dma_start3A_54, %dma_start3A_55] : memref<2560x2x128xi32, #tpu.memory_space<hbm>> -> memref<1x2x128xi32, #tpu.memory_space<hbm>>
    %dma_start3A_57 = tpu.memref_squeeze %dma_start3A_56 : memref<1x2x128xi32, #tpu.memory_space<hbm>> -> memref<2x128xi32, #tpu.memory_space<hbm>>
    %dma_start3A_58 = arith.constant 0 : i32
    %dma_start3A_59 = arith.constant 0 : i32
    %dma_start3A_60 = tpu.memref_slice %arg5[%dma_start3A_49, %dma_start3A_58, %dma_start3A_59] : memref<2x2x128xi32, #tpu.memory_space<vmem>> -> memref<1x2x128xi32, #tpu.memory_space<vmem>>
    %dma_start3A_61 = tpu.memref_squeeze %dma_start3A_60 : memref<1x2x128xi32, #tpu.memory_space<vmem>> -> memref<2x128xi32, #tpu.memory_space<vmem>>
    %dma_start3A_62 = arith.constant 0 : i32
    %dma_start3A_63 = arith.constant 0 : i32
    %dma_start3A_64 = tpu.memref_slice %arg3[%add3A_48, %dma_start3A_62, %dma_start3A_63] : memref<2560x2x128xi32, #tpu.memory_space<hbm>> -> memref<1x2x128xi32, #tpu.memory_space<hbm>>
    %dma_start3A_65 = tpu.memref_squeeze %dma_start3A_64 : memref<1x2x128xi32, #tpu.memory_space<hbm>> -> memref<2x128xi32, #tpu.memory_space<hbm>>
    tpu.enqueue_dma source(%dma_start3A_65 : memref<2x128xi32, #tpu.memory_space<hbm>>) target(%dma_start3A_61 : memref<2x128xi32, #tpu.memory_space<vmem>>) target_semaphore(%arg9 : memref<!tpu.dma_semaphore, #tpu.memory_space<semaphore_mem>>)
    %dma_wait3A = arith.constant 0 : i32
    %dma_wait3A_66 = arith.constant 0 : i32
    %dma_wait3A_67 = arith.constant 0 : i32
    %dma_wait3A_68 = tpu.memref_slice %arg5[%dma_wait3A, %dma_wait3A_66, %dma_wait3A_67] : memref<2x2x128xi32, #tpu.memory_space<vmem>> -> memref<1x2x128xi32, #tpu.memory_space<vmem>>
    %dma_wait3A_69 = tpu.memref_squeeze %dma_wait3A_68 : memref<1x2x128xi32, #tpu.memory_space<vmem>> -> memref<2x128xi32, #tpu.memory_space<vmem>>
    %dma_wait3A_70 = arith.constant 0 : i32
    %dma_wait3A_71 = arith.constant 0 : i32
    %dma_wait3A_72 = tpu.memref_slice %arg3[%select_n3A_11, %dma_wait3A_70, %dma_wait3A_71] : memref<2560x2x128xi32, #tpu.memory_space<hbm>> -> memref<1x2x128xi32, #tpu.memory_space<hbm>>
    %dma_wait3A_73 = tpu.memref_squeeze %dma_wait3A_72 : memref<1x2x128xi32, #tpu.memory_space<hbm>> -> memref<2x128xi32, #tpu.memory_space<hbm>>
    %dma_wait3A_74 = arith.constant 0 : i32
    %dma_wait3A_75 = arith.constant 0 : i32
    %dma_wait3A_76 = tpu.memref_slice %arg5[%dma_wait3A, %dma_wait3A_74, %dma_wait3A_75] : memref<2x2x128xi32, #tpu.memory_space<vmem>> -> memref<1x2x128xi32, #tpu.memory_space<vmem>>
    %dma_wait3A_77 = tpu.memref_squeeze %dma_wait3A_76 : memref<1x2x128xi32, #tpu.memory_space<vmem>> -> memref<2x128xi32, #tpu.memory_space<vmem>>
    %dma_wait3A_78 = arith.constant 0 : i32
    %dma_wait3A_79 = arith.constant 0 : i32
    %dma_wait3A_80 = tpu.memref_slice %arg3[%select_n3A_11, %dma_wait3A_78, %dma_wait3A_79] : memref<2560x2x128xi32, #tpu.memory_space<hbm>> -> memref<1x2x128xi32, #tpu.memory_space<hbm>>
    %dma_wait3A_81 = tpu.memref_squeeze %dma_wait3A_80 : memref<1x2x128xi32, #tpu.memory_space<hbm>> -> memref<2x128xi32, #tpu.memory_space<hbm>>
    tpu.wait_dma2 semaphore(%arg8 : memref<!tpu.dma_semaphore, #tpu.memory_space<semaphore_mem>>) src(%dma_wait3A_81 : memref<2x128xi32, #tpu.memory_space<hbm>>) dst(%dma_wait3A_77 : memref<2x128xi32, #tpu.memory_space<vmem>>)
    %dma_start3A_82 = arith.constant 0 : i32
    %dma_start3A_83 = arith.constant 0 : i32
    %dma_start3A_84 = arith.constant 0 : i32
    %dma_start3A_85 = arith.constant 0 : i32
    %dma_start3A_86 = arith.constant 0 : i32
    %dma_start3A_87 = tpu.memref_slice %arg6[%dma_start3A_84, %dma_start3A_85, %dma_start3A_86] : memref<2x128x128xf32, #tpu.memory_space<vmem>> -> memref<1x128x128xf32, #tpu.memory_space<vmem>>
    %dma_start3A_88 = tpu.memref_squeeze %dma_start3A_87 : memref<1x128x128xf32, #tpu.memory_space<vmem>> -> memref<128x128xf32, #tpu.memory_space<vmem>>
    %dma_start3A_89 = arith.constant 0 : i32
    %dma_start3A_90 = tpu.memref_slice %arg5[%dma_start3A_82, %dma_start3A_83, %dma_start3A_89] : memref<2x2x128xi32, #tpu.memory_space<vmem>> -> memref<1x1x128xi32, #tpu.memory_space<vmem>>
    %dma_start3A_91 = tpu.memref_squeeze %dma_start3A_90 : memref<1x1x128xi32, #tpu.memory_space<vmem>> -> memref<128xi32, #tpu.memory_space<vmem>>
    %dma_start3A_92 = arith.constant 0 : i32
    %dma_start3A_93 = arith.constant 0 : i32
    %dma_start3A_94 = tpu.memref_slice %arg2[%dma_start3A_92, %dma_start3A_93] : memref<10000x128xf32, #tpu.memory_space<hbm>> -> memref<10000x128xf32, #tpu.memory_space<hbm>>
    tpu.enqueue_indirect_dma source(%dma_start3A_94 : memref<10000x128xf32, #tpu.memory_space<hbm>>) target(%dma_start3A_88 : memref<128x128xf32, #tpu.memory_space<vmem>>) offsets(%dma_start3A_91 : memref<128xi32, #tpu.memory_space<vmem>>) semaphore(%arg10 : memref<!tpu.dma_semaphore, #tpu.memory_space<semaphore_mem>>)
    %jit3A = arith.constant 2 : i32
    %div3A = arith.divsi %select_n3A_3, %jit3A : i32
    %sign3A = arith.constant 0 : i32
    %sign3A_95 = arith.cmpi sgt, %select_n3A_3, %sign3A : i32
    %sign3A_96 = arith.extui %sign3A_95 : i1 to i32
    %sign3A_97 = arith.constant 0 : i32
    %sign3A_98 = arith.cmpi slt, %select_n3A_3, %sign3A_97 : i32
    %sign3A_99 = arith.extui %sign3A_98 : i1 to i32
    %sign3A_100 = arith.subi %sign3A_96, %sign3A_99 : i32
    %sign3A_101 = arith.constant 0 : i32
    %sign3A_102 = arith.cmpi sgt, %jit3A, %sign3A_101 : i32
    %sign3A_103 = arith.extui %sign3A_102 : i1 to i32
    %sign3A_104 = arith.constant 0 : i32
    %sign3A_105 = arith.cmpi slt, %jit3A, %sign3A_104 : i32
    %sign3A_106 = arith.extui %sign3A_105 : i1 to i32
    %sign3A_107 = arith.subi %sign3A_103, %sign3A_106 : i32
    %ne3A = arith.cmpi ne, %sign3A_100, %sign3A_107 : i32
    %rem3A = arith.remsi %select_n3A_3, %jit3A : i32
    %ne3A_108 = arith.constant 0 : i32
    %ne3A_109 = arith.cmpi ne, %rem3A, %ne3A_108 : i32
    %and3A = arith.andi %ne3A, %ne3A_109 : i1
    %sub3A = arith.constant 1 : i32
    %sub3A_110 = arith.subi %div3A, %sub3A : i32
    %select_n3A_111 = arith.select %and3A, %sub3A_110, %div3A : i32
    %while3A = arith.constant 0 : i32
    %while3A_112 = arith.constant 0 : i32
    %while3A_113 = arith.subi %select_n3A_111, %while3A_112 : i32
    %while3A_114 = arith.addi %while3A_112, %while3A_113 : i32
    %while3A_115 = arith.constant 1 : i32
    %while3A_116 = arith.divsi %while3A_113, %while3A_115 : i32
    %while3A_117 = arith.muli %while3A_116, %while3A_115 : i32
    %while3A_118 = arith.addi %while3A_112, %while3A_117 : i32
    %while3A_119 = arith.constant 1 : i32
    scf.for %while3A_122 = %while3A_112 to %while3A_118 step %while3A_119  : i32 {
      %mul3A_123 = arith.constant 2 : i32
      %mul3A_124 = arith.muli %while3A_122, %mul3A_123 : i32
      %add3A_125 = arith.constant 0 : i32
      %add3A_126 = arith.addi %mul3A_124, %add3A_125 : i32
      %add3A_127 = arith.constant 1 : i32
      %add3A_128 = arith.addi %add3A_126, %add3A_127 : i32
      %lt3A = arith.cmpi slt, %add3A_128, %select_n3A_3 : i32
      %convert_element_type3A = arith.extui %lt3A : i1 to i32
      %cond3A = arith.constant 0 : i32
      %cond3A_129 = arith.cmpi ne, %convert_element_type3A, %cond3A : i32
      scf.if %cond3A_129 {
        %add3A_184 = arith.addi %select_n3A_11, %add3A_126 : i32
        %add3A_185 = arith.constant 1 : i32
        %add3A_186 = arith.addi %add3A_184, %add3A_185 : i32
        %dma_wait3A_187 = arith.constant 1 : i32
        %dma_wait3A_188 = arith.constant 0 : i32
        %dma_wait3A_189 = arith.constant 0 : i32
        %dma_wait3A_190 = tpu.memref_slice %arg5[%dma_wait3A_187, %dma_wait3A_188, %dma_wait3A_189] : memref<2x2x128xi32, #tpu.memory_space<vmem>> -> memref<1x2x128xi32, #tpu.memory_space<vmem>>
        %dma_wait3A_191 = tpu.memref_squeeze %dma_wait3A_190 : memref<1x2x128xi32, #tpu.memory_space<vmem>> -> memref<2x128xi32, #tpu.memory_space<vmem>>
        %dma_wait3A_192 = arith.constant 0 : i32
        %dma_wait3A_193 = arith.constant 0 : i32
        %dma_wait3A_194 = tpu.memref_slice %arg3[%add3A_186, %dma_wait3A_192, %dma_wait3A_193] : memref<2560x2x128xi32, #tpu.memory_space<hbm>> -> memref<1x2x128xi32, #tpu.memory_space<hbm>>
        %dma_wait3A_195 = tpu.memref_squeeze %dma_wait3A_194 : memref<1x2x128xi32, #tpu.memory_space<hbm>> -> memref<2x128xi32, #tpu.memory_space<hbm>>
        %dma_wait3A_196 = arith.constant 0 : i32
        %dma_wait3A_197 = arith.constant 0 : i32
        %dma_wait3A_198 = tpu.memref_slice %arg5[%dma_wait3A_187, %dma_wait3A_196, %dma_wait3A_197] : memref<2x2x128xi32, #tpu.memory_space<vmem>> -> memref<1x2x128xi32, #tpu.memory_space<vmem>>
        %dma_wait3A_199 = tpu.memref_squeeze %dma_wait3A_198 : memref<1x2x128xi32, #tpu.memory_space<vmem>> -> memref<2x128xi32, #tpu.memory_space<vmem>>
        %dma_wait3A_200 = arith.constant 0 : i32
        %dma_wait3A_201 = arith.constant 0 : i32
        %dma_wait3A_202 = tpu.memref_slice %arg3[%add3A_186, %dma_wait3A_200, %dma_wait3A_201] : memref<2560x2x128xi32, #tpu.memory_space<hbm>> -> memref<1x2x128xi32, #tpu.memory_space<hbm>>
        %dma_wait3A_203 = tpu.memref_squeeze %dma_wait3A_202 : memref<1x2x128xi32, #tpu.memory_space<hbm>> -> memref<2x128xi32, #tpu.memory_space<hbm>>
        tpu.wait_dma2 semaphore(%arg9 : memref<!tpu.dma_semaphore, #tpu.memory_space<semaphore_mem>>) src(%dma_wait3A_203 : memref<2x128xi32, #tpu.memory_space<hbm>>) dst(%dma_wait3A_199 : memref<2x128xi32, #tpu.memory_space<vmem>>)
        %dma_start3A_204 = arith.constant 1 : i32
        %dma_start3A_205 = arith.constant 0 : i32
        %dma_start3A_206 = arith.constant 1 : i32
        %dma_start3A_207 = arith.constant 0 : i32
        %dma_start3A_208 = arith.constant 0 : i32
        %dma_start3A_209 = tpu.memref_slice %arg6[%dma_start3A_206, %dma_start3A_207, %dma_start3A_208] : memref<2x128x128xf32, #tpu.memory_space<vmem>> -> memref<1x128x128xf32, #tpu.memory_space<vmem>>
        %dma_start3A_210 = tpu.memref_squeeze %dma_start3A_209 : memref<1x128x128xf32, #tpu.memory_space<vmem>> -> memref<128x128xf32, #tpu.memory_space<vmem>>
        %dma_start3A_211 = arith.constant 0 : i32
        %dma_start3A_212 = tpu.memref_slice %arg5[%dma_start3A_204, %dma_start3A_205, %dma_start3A_211] : memref<2x2x128xi32, #tpu.memory_space<vmem>> -> memref<1x1x128xi32, #tpu.memory_space<vmem>>
        %dma_start3A_213 = tpu.memref_squeeze %dma_start3A_212 : memref<1x1x128xi32, #tpu.memory_space<vmem>> -> memref<128xi32, #tpu.memory_space<vmem>>
        %dma_start3A_214 = arith.constant 0 : i32
        %dma_start3A_215 = arith.constant 0 : i32
        %dma_start3A_216 = tpu.memref_slice %arg2[%dma_start3A_214, %dma_start3A_215] : memref<10000x128xf32, #tpu.memory_space<hbm>> -> memref<10000x128xf32, #tpu.memory_space<hbm>>
        tpu.enqueue_indirect_dma source(%dma_start3A_216 : memref<10000x128xf32, #tpu.memory_space<hbm>>) target(%dma_start3A_210 : memref<128x128xf32, #tpu.memory_space<vmem>>) offsets(%dma_start3A_213 : memref<128xi32, #tpu.memory_space<vmem>>) semaphore(%arg11 : memref<!tpu.dma_semaphore, #tpu.memory_space<semaphore_mem>>)
      } else {
      }
      %dma_wait3A_130 = arith.constant 0 : i32
      %dma_wait3A_131 = arith.constant 0 : i32
      %dma_wait3A_132 = arith.constant 0 : i32
      %dma_wait3A_133 = arith.constant 0 : i32
      %dma_wait3A_134 = arith.constant 0 : i32
      %dma_wait3A_135 = tpu.memref_slice %arg6[%dma_wait3A_132, %dma_wait3A_133, %dma_wait3A_134] : memref<2x128x128xf32, #tpu.memory_space<vmem>> -> memref<1x128x128xf32, #tpu.memory_space<vmem>>
      %dma_wait3A_136 = tpu.memref_squeeze %dma_wait3A_135 : memref<1x128x128xf32, #tpu.memory_space<vmem>> -> memref<128x128xf32, #tpu.memory_space<vmem>>
      %dma_wait3A_137 = arith.constant 0 : i32
      %dma_wait3A_138 = tpu.memref_slice %arg5[%dma_wait3A_130, %dma_wait3A_131, %dma_wait3A_137] : memref<2x2x128xi32, #tpu.memory_space<vmem>> -> memref<1x1x128xi32, #tpu.memory_space<vmem>>
      %dma_wait3A_139 = tpu.memref_squeeze %dma_wait3A_138 : memref<1x1x128xi32, #tpu.memory_space<vmem>> -> memref<128xi32, #tpu.memory_space<vmem>>
      %dma_wait3A_140 = arith.constant 0 : i32
      %dma_wait3A_141 = arith.constant 0 : i32
      %dma_wait3A_142 = tpu.memref_slice %arg2[%dma_wait3A_140, %dma_wait3A_141] : memref<10000x128xf32, #tpu.memory_space<hbm>> -> memref<10000x128xf32, #tpu.memory_space<hbm>>
      tpu.wait_indirect_dma semaphore(%arg10 : memref<!tpu.dma_semaphore, #tpu.memory_space<semaphore_mem>>) src(%dma_wait3A_142 : memref<10000x128xf32, #tpu.memory_space<hbm>>) dst(%dma_wait3A_136 : memref<128x128xf32, #tpu.memory_space<vmem>>)
      %run_scoped3A_143 = arith.constant 0 : i32
      %run_scoped3A_144 = arith.constant 0 : i32
      %run_scoped3A_145 = arith.constant 1 : i32
      "tpu.region"() ({
        %run_scoped3A_184 = tpu.sem_alloc : memref<!tpu.dma_semaphore, #tpu.memory_space<semaphore_mem>>
        %dma_start3A_185 = arith.constant 0 : i32
        %dma_start3A_186 = arith.constant 0 : i32
        %dma_start3A_187 = tpu.memref_slice %arg6[%run_scoped3A_143, %dma_start3A_185, %dma_start3A_186] : memref<2x128x128xf32, #tpu.memory_space<vmem>> -> memref<1x128x128xf32, #tpu.memory_space<vmem>>
        %dma_start3A_188 = tpu.memref_squeeze %dma_start3A_187 : memref<1x128x128xf32, #tpu.memory_space<vmem>> -> memref<128x128xf32, #tpu.memory_space<vmem>>
        %dma_start3A_189 = arith.constant 0 : i32
        %dma_start3A_190 = tpu.memref_slice %arg5[%run_scoped3A_144, %run_scoped3A_145, %dma_start3A_189] : memref<2x2x128xi32, #tpu.memory_space<vmem>> -> memref<1x1x128xi32, #tpu.memory_space<vmem>>
        %dma_start3A_191 = tpu.memref_squeeze %dma_start3A_190 : memref<1x1x128xi32, #tpu.memory_space<vmem>> -> memref<128xi32, #tpu.memory_space<vmem>>
        %dma_start3A_192 = arith.constant 0 : i32
        %dma_start3A_193 = arith.constant 0 : i32
        %dma_start3A_194 = tpu.memref_slice %arg7[%dma_start3A_192, %dma_start3A_193] : memref<10240x128xf32, #tpu.memory_space<vmem_shared>> -> memref<10240x128xf32, #tpu.memory_space<vmem_shared>>
        tpu.enqueue_indirect_dma source(%dma_start3A_188 : memref<128x128xf32, #tpu.memory_space<vmem>>) target(%dma_start3A_194 : memref<10240x128xf32, #tpu.memory_space<vmem_shared>>) offsets(%dma_start3A_191 : memref<128xi32, #tpu.memory_space<vmem>>) semaphore(%run_scoped3A_184 : memref<!tpu.dma_semaphore, #tpu.memory_space<semaphore_mem>>) {add = true}
        %dma_wait3A_195 = arith.constant 0 : i32
        %dma_wait3A_196 = arith.constant 0 : i32
        %dma_wait3A_197 = tpu.memref_slice %arg6[%run_scoped3A_143, %dma_wait3A_195, %dma_wait3A_196] : memref<2x128x128xf32, #tpu.memory_space<vmem>> -> memref<1x128x128xf32, #tpu.memory_space<vmem>>
        %dma_wait3A_198 = tpu.memref_squeeze %dma_wait3A_197 : memref<1x128x128xf32, #tpu.memory_space<vmem>> -> memref<128x128xf32, #tpu.memory_space<vmem>>
        %dma_wait3A_199 = arith.constant 0 : i32
        %dma_wait3A_200 = tpu.memref_slice %arg5[%run_scoped3A_144, %run_scoped3A_145, %dma_wait3A_199] : memref<2x2x128xi32, #tpu.memory_space<vmem>> -> memref<1x1x128xi32, #tpu.memory_space<vmem>>
        %dma_wait3A_201 = tpu.memref_squeeze %dma_wait3A_200 : memref<1x1x128xi32, #tpu.memory_space<vmem>> -> memref<128xi32, #tpu.memory_space<vmem>>
        %dma_wait3A_202 = arith.constant 0 : i32
        %dma_wait3A_203 = arith.constant 0 : i32
        %dma_wait3A_204 = tpu.memref_slice %arg7[%dma_wait3A_202, %dma_wait3A_203] : memref<10240x128xf32, #tpu.memory_space<vmem_shared>> -> memref<10240x128xf32, #tpu.memory_space<vmem_shared>>
        tpu.wait_indirect_dma semaphore(%run_scoped3A_184 : memref<!tpu.dma_semaphore, #tpu.memory_space<semaphore_mem>>) src(%dma_wait3A_198 : memref<128x128xf32, #tpu.memory_space<vmem>>) dst(%dma_wait3A_204 : memref<10240x128xf32, #tpu.memory_space<vmem_shared>>)
        tpu.yield
      }) : () -> ()
      %add3A_146 = arith.constant 2 : i32
      %add3A_147 = arith.addi %add3A_126, %add3A_146 : i32
      %lt3A_148 = arith.cmpi slt, %add3A_147, %select_n3A_3 : i32
      %convert_element_type3A_149 = arith.extui %lt3A_148 : i1 to i32
      %cond3A_150 = arith.constant 0 : i32
      %cond3A_151 = arith.cmpi ne, %convert_element_type3A_149, %cond3A_150 : i32
      scf.if %cond3A_151 {
        %add3A_184 = arith.addi %select_n3A_11, %add3A_126 : i32
        %add3A_185 = arith.constant 2 : i32
        %add3A_186 = arith.addi %add3A_184, %add3A_185 : i32
        %dma_start3A_187 = arith.constant 0 : i32
        %dma_start3A_188 = arith.constant 0 : i32
        %dma_start3A_189 = arith.constant 0 : i32
        %dma_start3A_190 = tpu.memref_slice %arg5[%dma_start3A_187, %dma_start3A_188, %dma_start3A_189] : memref<2x2x128xi32, #tpu.memory_space<vmem>> -> memref<1x2x128xi32, #tpu.memory_space<vmem>>
        %dma_start3A_191 = tpu.memref_squeeze %dma_start3A_190 : memref<1x2x128xi32, #tpu.memory_space<vmem>> -> memref<2x128xi32, #tpu.memory_space<vmem>>
        %dma_start3A_192 = arith.constant 0 : i32
        %dma_start3A_193 = arith.constant 0 : i32
        %dma_start3A_194 = tpu.memref_slice %arg3[%add3A_186, %dma_start3A_192, %dma_start3A_193] : memref<2560x2x128xi32, #tpu.memory_space<hbm>> -> memref<1x2x128xi32, #tpu.memory_space<hbm>>
        %dma_start3A_195 = tpu.memref_squeeze %dma_start3A_194 : memref<1x2x128xi32, #tpu.memory_space<hbm>> -> memref<2x128xi32, #tpu.memory_space<hbm>>
        %dma_start3A_196 = arith.constant 0 : i32
        %dma_start3A_197 = arith.constant 0 : i32
        %dma_start3A_198 = tpu.memref_slice %arg5[%dma_start3A_187, %dma_start3A_196, %dma_start3A_197] : memref<2x2x128xi32, #tpu.memory_space<vmem>> -> memref<1x2x128xi32, #tpu.memory_space<vmem>>
        %dma_start3A_199 = tpu.memref_squeeze %dma_start3A_198 : memref<1x2x128xi32, #tpu.memory_space<vmem>> -> memref<2x128xi32, #tpu.memory_space<vmem>>
        %dma_start3A_200 = arith.constant 0 : i32
        %dma_start3A_201 = arith.constant 0 : i32
        %dma_start3A_202 = tpu.memref_slice %arg3[%add3A_186, %dma_start3A_200, %dma_start3A_201] : memref<2560x2x128xi32, #tpu.memory_space<hbm>> -> memref<1x2x128xi32, #tpu.memory_space<hbm>>
        %dma_start3A_203 = tpu.memref_squeeze %dma_start3A_202 : memref<1x2x128xi32, #tpu.memory_space<hbm>> -> memref<2x128xi32, #tpu.memory_space<hbm>>
        tpu.enqueue_dma source(%dma_start3A_203 : memref<2x128xi32, #tpu.memory_space<hbm>>) target(%dma_start3A_199 : memref<2x128xi32, #tpu.memory_space<vmem>>) target_semaphore(%arg8 : memref<!tpu.dma_semaphore, #tpu.memory_space<semaphore_mem>>)
      } else {
      }
      %mul3A_152 = arith.constant 2 : i32
      %mul3A_153 = arith.muli %while3A_122, %mul3A_152 : i32
      %add3A_154 = arith.constant 1 : i32
      %add3A_155 = arith.addi %mul3A_153, %add3A_154 : i32
      %add3A_156 = arith.constant 1 : i32
      %add3A_157 = arith.addi %add3A_155, %add3A_156 : i32
      %lt3A_158 = arith.cmpi slt, %add3A_157, %select_n3A_3 : i32
      %convert_element_type3A_159 = arith.extui %lt3A_158 : i1 to i32
      %cond3A_160 = arith.constant 0 : i32
      %cond3A_161 = arith.cmpi ne, %convert_element_type3A_159, %cond3A_160 : i32
      scf.if %cond3A_161 {
        %add3A_184 = arith.addi %select_n3A_11, %add3A_155 : i32
        %add3A_185 = arith.constant 1 : i32
        %add3A_186 = arith.addi %add3A_184, %add3A_185 : i32
        %dma_wait3A_187 = arith.constant 0 : i32
        %dma_wait3A_188 = arith.constant 0 : i32
        %dma_wait3A_189 = arith.constant 0 : i32
        %dma_wait3A_190 = tpu.memref_slice %arg5[%dma_wait3A_187, %dma_wait3A_188, %dma_wait3A_189] : memref<2x2x128xi32, #tpu.memory_space<vmem>> -> memref<1x2x128xi32, #tpu.memory_space<vmem>>
        %dma_wait3A_191 = tpu.memref_squeeze %dma_wait3A_190 : memref<1x2x128xi32, #tpu.memory_space<vmem>> -> memref<2x128xi32, #tpu.memory_space<vmem>>
        %dma_wait3A_192 = arith.constant 0 : i32
        %dma_wait3A_193 = arith.constant 0 : i32
        %dma_wait3A_194 = tpu.memref_slice %arg3[%add3A_186, %dma_wait3A_192, %dma_wait3A_193] : memref<2560x2x128xi32, #tpu.memory_space<hbm>> -> memref<1x2x128xi32, #tpu.memory_space<hbm>>
        %dma_wait3A_195 = tpu.memref_squeeze %dma_wait3A_194 : memref<1x2x128xi32, #tpu.memory_space<hbm>> -> memref<2x128xi32, #tpu.memory_space<hbm>>
        %dma_wait3A_196 = arith.constant 0 : i32
        %dma_wait3A_197 = arith.constant 0 : i32
        %dma_wait3A_198 = tpu.memref_slice %arg5[%dma_wait3A_187, %dma_wait3A_196, %dma_wait3A_197] : memref<2x2x128xi32, #tpu.memory_space<vmem>> -> memref<1x2x128xi32, #tpu.memory_space<vmem>>
        %dma_wait3A_199 = tpu.memref_squeeze %dma_wait3A_198 : memref<1x2x128xi32, #tpu.memory_space<vmem>> -> memref<2x128xi32, #tpu.memory_space<vmem>>
        %dma_wait3A_200 = arith.constant 0 : i32
        %dma_wait3A_201 = arith.constant 0 : i32
        %dma_wait3A_202 = tpu.memref_slice %arg3[%add3A_186, %dma_wait3A_200, %dma_wait3A_201] : memref<2560x2x128xi32, #tpu.memory_space<hbm>> -> memref<1x2x128xi32, #tpu.memory_space<hbm>>
        %dma_wait3A_203 = tpu.memref_squeeze %dma_wait3A_202 : memref<1x2x128xi32, #tpu.memory_space<hbm>> -> memref<2x128xi32, #tpu.memory_space<hbm>>
        tpu.wait_dma2 semaphore(%arg8 : memref<!tpu.dma_semaphore, #tpu.memory_space<semaphore_mem>>) src(%dma_wait3A_203 : memref<2x128xi32, #tpu.memory_space<hbm>>) dst(%dma_wait3A_199 : memref<2x128xi32, #tpu.memory_space<vmem>>)
        %dma_start3A_204 = arith.constant 0 : i32
        %dma_start3A_205 = arith.constant 0 : i32
        %dma_start3A_206 = arith.constant 0 : i32
        %dma_start3A_207 = arith.constant 0 : i32
        %dma_start3A_208 = arith.constant 0 : i32
        %dma_start3A_209 = tpu.memref_slice %arg6[%dma_start3A_206, %dma_start3A_207, %dma_start3A_208] : memref<2x128x128xf32, #tpu.memory_space<vmem>> -> memref<1x128x128xf32, #tpu.memory_space<vmem>>
        %dma_start3A_210 = tpu.memref_squeeze %dma_start3A_209 : memref<1x128x128xf32, #tpu.memory_space<vmem>> -> memref<128x128xf32, #tpu.memory_space<vmem>>
        %dma_start3A_211 = arith.constant 0 : i32
        %dma_start3A_212 = tpu.memref_slice %arg5[%dma_start3A_204, %dma_start3A_205, %dma_start3A_211] : memref<2x2x128xi32, #tpu.memory_space<vmem>> -> memref<1x1x128xi32, #tpu.memory_space<vmem>>
        %dma_start3A_213 = tpu.memref_squeeze %dma_start3A_212 : memref<1x1x128xi32, #tpu.memory_space<vmem>> -> memref<128xi32, #tpu.memory_space<vmem>>
        %dma_start3A_214 = arith.constant 0 : i32
        %dma_start3A_215 = arith.constant 0 : i32
        %dma_start3A_216 = tpu.memref_slice %arg2[%dma_start3A_214, %dma_start3A_215] : memref<10000x128xf32, #tpu.memory_space<hbm>> -> memref<10000x128xf32, #tpu.memory_space<hbm>>
        tpu.enqueue_indirect_dma source(%dma_start3A_216 : memref<10000x128xf32, #tpu.memory_space<hbm>>) target(%dma_start3A_210 : memref<128x128xf32, #tpu.memory_space<vmem>>) offsets(%dma_start3A_213 : memref<128xi32, #tpu.memory_space<vmem>>) semaphore(%arg10 : memref<!tpu.dma_semaphore, #tpu.memory_space<semaphore_mem>>)
      } else {
      }
      %dma_wait3A_162 = arith.constant 1 : i32
      %dma_wait3A_163 = arith.constant 0 : i32
      %dma_wait3A_164 = arith.constant 1 : i32
      %dma_wait3A_165 = arith.constant 0 : i32
      %dma_wait3A_166 = arith.constant 0 : i32
      %dma_wait3A_167 = tpu.memref_slice %arg6[%dma_wait3A_164, %dma_wait3A_165, %dma_wait3A_166] : memref<2x128x128xf32, #tpu.memory_space<vmem>> -> memref<1x128x128xf32, #tpu.memory_space<vmem>>
      %dma_wait3A_168 = tpu.memref_squeeze %dma_wait3A_167 : memref<1x128x128xf32, #tpu.memory_space<vmem>> -> memref<128x128xf32, #tpu.memory_space<vmem>>
      %dma_wait3A_169 = arith.constant 0 : i32
      %dma_wait3A_170 = tpu.memref_slice %arg5[%dma_wait3A_162, %dma_wait3A_163, %dma_wait3A_169] : memref<2x2x128xi32, #tpu.memory_space<vmem>> -> memref<1x1x128xi32, #tpu.memory_space<vmem>>
      %dma_wait3A_171 = tpu.memref_squeeze %dma_wait3A_170 : memref<1x1x128xi32, #tpu.memory_space<vmem>> -> memref<128xi32, #tpu.memory_space<vmem>>
      %dma_wait3A_172 = arith.constant 0 : i32
      %dma_wait3A_173 = arith.constant 0 : i32
      %dma_wait3A_174 = tpu.memref_slice %arg2[%dma_wait3A_172, %dma_wait3A_173] : memref<10000x128xf32, #tpu.memory_space<hbm>> -> memref<10000x128xf32, #tpu.memory_space<hbm>>
      tpu.wait_indirect_dma semaphore(%arg11 : memref<!tpu.dma_semaphore, #tpu.memory_space<semaphore_mem>>) src(%dma_wait3A_174 : memref<10000x128xf32, #tpu.memory_space<hbm>>) dst(%dma_wait3A_168 : memref<128x128xf32, #tpu.memory_space<vmem>>)
      %run_scoped3A_175 = arith.constant 1 : i32
      %run_scoped3A_176 = arith.constant 1 : i32
      %run_scoped3A_177 = arith.constant 1 : i32
      "tpu.region"() ({
        %run_scoped3A_184 = tpu.sem_alloc : memref<!tpu.dma_semaphore, #tpu.memory_space<semaphore_mem>>
        %dma_start3A_185 = arith.constant 0 : i32
        %dma_start3A_186 = arith.constant 0 : i32
        %dma_start3A_187 = tpu.memref_slice %arg6[%run_scoped3A_175, %dma_start3A_185, %dma_start3A_186] : memref<2x128x128xf32, #tpu.memory_space<vmem>> -> memref<1x128x128xf32, #tpu.memory_space<vmem>>
        %dma_start3A_188 = tpu.memref_squeeze %dma_start3A_187 : memref<1x128x128xf32, #tpu.memory_space<vmem>> -> memref<128x128xf32, #tpu.memory_space<vmem>>
        %dma_start3A_189 = arith.constant 0 : i32
        %dma_start3A_190 = tpu.memref_slice %arg5[%run_scoped3A_176, %run_scoped3A_177, %dma_start3A_189] : memref<2x2x128xi32, #tpu.memory_space<vmem>> -> memref<1x1x128xi32, #tpu.memory_space<vmem>>
        %dma_start3A_191 = tpu.memref_squeeze %dma_start3A_190 : memref<1x1x128xi32, #tpu.memory_space<vmem>> -> memref<128xi32, #tpu.memory_space<vmem>>
        %dma_start3A_192 = arith.constant 0 : i32
        %dma_start3A_193 = arith.constant 0 : i32
        %dma_start3A_194 = tpu.memref_slice %arg7[%dma_start3A_192, %dma_start3A_193] : memref<10240x128xf32, #tpu.memory_space<vmem_shared>> -> memref<10240x128xf32, #tpu.memory_space<vmem_shared>>
        tpu.enqueue_indirect_dma source(%dma_start3A_188 : memref<128x128xf32, #tpu.memory_space<vmem>>) target(%dma_start3A_194 : memref<10240x128xf32, #tpu.memory_space<vmem_shared>>) offsets(%dma_start3A_191 : memref<128xi32, #tpu.memory_space<vmem>>) semaphore(%run_scoped3A_184 : memref<!tpu.dma_semaphore, #tpu.memory_space<semaphore_mem>>) {add = true}
        %dma_wait3A_195 = arith.constant 0 : i32
        %dma_wait3A_196 = arith.constant 0 : i32
        %dma_wait3A_197 = tpu.memref_slice %arg6[%run_scoped3A_175, %dma_wait3A_195, %dma_wait3A_196] : memref<2x128x128xf32, #tpu.memory_space<vmem>> -> memref<1x128x128xf32, #tpu.memory_space<vmem>>
        %dma_wait3A_198 = tpu.memref_squeeze %dma_wait3A_197 : memref<1x128x128xf32, #tpu.memory_space<vmem>> -> memref<128x128xf32, #tpu.memory_space<vmem>>
        %dma_wait3A_199 = arith.constant 0 : i32
        %dma_wait3A_200 = tpu.memref_slice %arg5[%run_scoped3A_176, %run_scoped3A_177, %dma_wait3A_199] : memref<2x2x128xi32, #tpu.memory_space<vmem>> -> memref<1x1x128xi32, #tpu.memory_space<vmem>>
        %dma_wait3A_201 = tpu.memref_squeeze %dma_wait3A_200 : memref<1x1x128xi32, #tpu.memory_space<vmem>> -> memref<128xi32, #tpu.memory_space<vmem>>
        %dma_wait3A_202 = arith.constant 0 : i32
        %dma_wait3A_203 = arith.constant 0 : i32
        %dma_wait3A_204 = tpu.memref_slice %arg7[%dma_wait3A_202, %dma_wait3A_203] : memref<10240x128xf32, #tpu.memory_space<vmem_shared>> -> memref<10240x128xf32, #tpu.memory_space<vmem_shared>>
        tpu.wait_indirect_dma semaphore(%run_scoped3A_184 : memref<!tpu.dma_semaphore, #tpu.memory_space<semaphore_mem>>) src(%dma_wait3A_198 : memref<128x128xf32, #tpu.memory_space<vmem>>) dst(%dma_wait3A_204 : memref<10240x128xf32, #tpu.memory_space<vmem_shared>>)
        tpu.yield
      }) : () -> ()
      %add3A_178 = arith.constant 2 : i32
      %add3A_179 = arith.addi %add3A_155, %add3A_178 : i32
      %lt3A_180 = arith.cmpi slt, %add3A_179, %select_n3A_3 : i32
      %convert_element_type3A_181 = arith.extui %lt3A_180 : i1 to i32
      %cond3A_182 = arith.constant 0 : i32
      %cond3A_183 = arith.cmpi ne, %convert_element_type3A_181, %cond3A_182 : i32
      scf.if %cond3A_183 {
        %add3A_184 = arith.addi %select_n3A_11, %add3A_155 : i32
        %add3A_185 = arith.constant 2 : i32
        %add3A_186 = arith.addi %add3A_184, %add3A_185 : i32
        %dma_start3A_187 = arith.constant 1 : i32
        %dma_start3A_188 = arith.constant 0 : i32
        %dma_start3A_189 = arith.constant 0 : i32
        %dma_start3A_190 = tpu.memref_slice %arg5[%dma_start3A_187, %dma_start3A_188, %dma_start3A_189] : memref<2x2x128xi32, #tpu.memory_space<vmem>> -> memref<1x2x128xi32, #tpu.memory_space<vmem>>
        %dma_start3A_191 = tpu.memref_squeeze %dma_start3A_190 : memref<1x2x128xi32, #tpu.memory_space<vmem>> -> memref<2x128xi32, #tpu.memory_space<vmem>>
        %dma_start3A_192 = arith.constant 0 : i32
        %dma_start3A_193 = arith.constant 0 : i32
        %dma_start3A_194 = tpu.memref_slice %arg3[%add3A_186, %dma_start3A_192, %dma_start3A_193] : memref<2560x2x128xi32, #tpu.memory_space<hbm>> -> memref<1x2x128xi32, #tpu.memory_space<hbm>>
        %dma_start3A_195 = tpu.memref_squeeze %dma_start3A_194 : memref<1x2x128xi32, #tpu.memory_space<hbm>> -> memref<2x128xi32, #tpu.memory_space<hbm>>
        %dma_start3A_196 = arith.constant 0 : i32
        %dma_start3A_197 = arith.constant 0 : i32
        %dma_start3A_198 = tpu.memref_slice %arg5[%dma_start3A_187, %dma_start3A_196, %dma_start3A_197] : memref<2x2x128xi32, #tpu.memory_space<vmem>> -> memref<1x2x128xi32, #tpu.memory_space<vmem>>
        %dma_start3A_199 = tpu.memref_squeeze %dma_start3A_198 : memref<1x2x128xi32, #tpu.memory_space<vmem>> -> memref<2x128xi32, #tpu.memory_space<vmem>>
        %dma_start3A_200 = arith.constant 0 : i32
        %dma_start3A_201 = arith.constant 0 : i32
        %dma_start3A_202 = tpu.memref_slice %arg3[%add3A_186, %dma_start3A_200, %dma_start3A_201] : memref<2560x2x128xi32, #tpu.memory_space<hbm>> -> memref<1x2x128xi32, #tpu.memory_space<hbm>>
        %dma_start3A_203 = tpu.memref_squeeze %dma_start3A_202 : memref<1x2x128xi32, #tpu.memory_space<hbm>> -> memref<2x128xi32, #tpu.memory_space<hbm>>
        tpu.enqueue_dma source(%dma_start3A_203 : memref<2x128xi32, #tpu.memory_space<hbm>>) target(%dma_start3A_199 : memref<2x128xi32, #tpu.memory_space<vmem>>) target_semaphore(%arg9 : memref<!tpu.dma_semaphore, #tpu.memory_space<semaphore_mem>>)
      } else {
      }
    }
    %while3A_120 = arith.constant 1 : i32
    scf.for %while3A_122 = %while3A_118 to %while3A_114 step %while3A_120  : i32 {
      %mul3A_123 = arith.constant 2 : i32
      %mul3A_124 = arith.muli %while3A_122, %mul3A_123 : i32
      %add3A_125 = arith.constant 0 : i32
      %add3A_126 = arith.addi %mul3A_124, %add3A_125 : i32
      %add3A_127 = arith.constant 1 : i32
      %add3A_128 = arith.addi %add3A_126, %add3A_127 : i32
      %lt3A = arith.cmpi slt, %add3A_128, %select_n3A_3 : i32
      %convert_element_type3A = arith.extui %lt3A : i1 to i32
      %cond3A = arith.constant 0 : i32
      %cond3A_129 = arith.cmpi ne, %convert_element_type3A, %cond3A : i32
      scf.if %cond3A_129 {
        %add3A_184 = arith.addi %select_n3A_11, %add3A_126 : i32
        %add3A_185 = arith.constant 1 : i32
        %add3A_186 = arith.addi %add3A_184, %add3A_185 : i32
        %dma_wait3A_187 = arith.constant 1 : i32
        %dma_wait3A_188 = arith.constant 0 : i32
        %dma_wait3A_189 = arith.constant 0 : i32
        %dma_wait3A_190 = tpu.memref_slice %arg5[%dma_wait3A_187, %dma_wait3A_188, %dma_wait3A_189] : memref<2x2x128xi32, #tpu.memory_space<vmem>> -> memref<1x2x128xi32, #tpu.memory_space<vmem>>
        %dma_wait3A_191 = tpu.memref_squeeze %dma_wait3A_190 : memref<1x2x128xi32, #tpu.memory_space<vmem>> -> memref<2x128xi32, #tpu.memory_space<vmem>>
        %dma_wait3A_192 = arith.constant 0 : i32
        %dma_wait3A_193 = arith.constant 0 : i32
        %dma_wait3A_194 = tpu.memref_slice %arg3[%add3A_186, %dma_wait3A_192, %dma_wait3A_193] : memref<2560x2x128xi32, #tpu.memory_space<hbm>> -> memref<1x2x128xi32, #tpu.memory_space<hbm>>
        %dma_wait3A_195 = tpu.memref_squeeze %dma_wait3A_194 : memref<1x2x128xi32, #tpu.memory_space<hbm>> -> memref<2x128xi32, #tpu.memory_space<hbm>>
        %dma_wait3A_196 = arith.constant 0 : i32
        %dma_wait3A_197 = arith.constant 0 : i32
        %dma_wait3A_198 = tpu.memref_slice %arg5[%dma_wait3A_187, %dma_wait3A_196, %dma_wait3A_197] : memref<2x2x128xi32, #tpu.memory_space<vmem>> -> memref<1x2x128xi32, #tpu.memory_space<vmem>>
        %dma_wait3A_199 = tpu.memref_squeeze %dma_wait3A_198 : memref<1x2x128xi32, #tpu.memory_space<vmem>> -> memref<2x128xi32, #tpu.memory_space<vmem>>
        %dma_wait3A_200 = arith.constant 0 : i32
        %dma_wait3A_201 = arith.constant 0 : i32
        %dma_wait3A_202 = tpu.memref_slice %arg3[%add3A_186, %dma_wait3A_200, %dma_wait3A_201] : memref<2560x2x128xi32, #tpu.memory_space<hbm>> -> memref<1x2x128xi32, #tpu.memory_space<hbm>>
        %dma_wait3A_203 = tpu.memref_squeeze %dma_wait3A_202 : memref<1x2x128xi32, #tpu.memory_space<hbm>> -> memref<2x128xi32, #tpu.memory_space<hbm>>
        tpu.wait_dma2 semaphore(%arg9 : memref<!tpu.dma_semaphore, #tpu.memory_space<semaphore_mem>>) src(%dma_wait3A_203 : memref<2x128xi32, #tpu.memory_space<hbm>>) dst(%dma_wait3A_199 : memref<2x128xi32, #tpu.memory_space<vmem>>)
        %dma_start3A_204 = arith.constant 1 : i32
        %dma_start3A_205 = arith.constant 0 : i32
        %dma_start3A_206 = arith.constant 1 : i32
        %dma_start3A_207 = arith.constant 0 : i32
        %dma_start3A_208 = arith.constant 0 : i32
        %dma_start3A_209 = tpu.memref_slice %arg6[%dma_start3A_206, %dma_start3A_207, %dma_start3A_208] : memref<2x128x128xf32, #tpu.memory_space<vmem>> -> memref<1x128x128xf32, #tpu.memory_space<vmem>>
        %dma_start3A_210 = tpu.memref_squeeze %dma_start3A_209 : memref<1x128x128xf32, #tpu.memory_space<vmem>> -> memref<128x128xf32, #tpu.memory_space<vmem>>
        %dma_start3A_211 = arith.constant 0 : i32
        %dma_start3A_212 = tpu.memref_slice %arg5[%dma_start3A_204, %dma_start3A_205, %dma_start3A_211] : memref<2x2x128xi32, #tpu.memory_space<vmem>> -> memref<1x1x128xi32, #tpu.memory_space<vmem>>
        %dma_start3A_213 = tpu.memref_squeeze %dma_start3A_212 : memref<1x1x128xi32, #tpu.memory_space<vmem>> -> memref<128xi32, #tpu.memory_space<vmem>>
        %dma_start3A_214 = arith.constant 0 : i32
        %dma_start3A_215 = arith.constant 0 : i32
        %dma_start3A_216 = tpu.memref_slice %arg2[%dma_start3A_214, %dma_start3A_215] : memref<10000x128xf32, #tpu.memory_space<hbm>> -> memref<10000x128xf32, #tpu.memory_space<hbm>>
        tpu.enqueue_indirect_dma source(%dma_start3A_216 : memref<10000x128xf32, #tpu.memory_space<hbm>>) target(%dma_start3A_210 : memref<128x128xf32, #tpu.memory_space<vmem>>) offsets(%dma_start3A_213 : memref<128xi32, #tpu.memory_space<vmem>>) semaphore(%arg11 : memref<!tpu.dma_semaphore, #tpu.memory_space<semaphore_mem>>)
      } else {
      }
      %dma_wait3A_130 = arith.constant 0 : i32
      %dma_wait3A_131 = arith.constant 0 : i32
      %dma_wait3A_132 = arith.constant 0 : i32
      %dma_wait3A_133 = arith.constant 0 : i32
      %dma_wait3A_134 = arith.constant 0 : i32
      %dma_wait3A_135 = tpu.memref_slice %arg6[%dma_wait3A_132, %dma_wait3A_133, %dma_wait3A_134] : memref<2x128x128xf32, #tpu.memory_space<vmem>> -> memref<1x128x128xf32, #tpu.memory_space<vmem>>
      %dma_wait3A_136 = tpu.memref_squeeze %dma_wait3A_135 : memref<1x128x128xf32, #tpu.memory_space<vmem>> -> memref<128x128xf32, #tpu.memory_space<vmem>>
      %dma_wait3A_137 = arith.constant 0 : i32
      %dma_wait3A_138 = tpu.memref_slice %arg5[%dma_wait3A_130, %dma_wait3A_131, %dma_wait3A_137] : memref<2x2x128xi32, #tpu.memory_space<vmem>> -> memref<1x1x128xi32, #tpu.memory_space<vmem>>
      %dma_wait3A_139 = tpu.memref_squeeze %dma_wait3A_138 : memref<1x1x128xi32, #tpu.memory_space<vmem>> -> memref<128xi32, #tpu.memory_space<vmem>>
      %dma_wait3A_140 = arith.constant 0 : i32
      %dma_wait3A_141 = arith.constant 0 : i32
      %dma_wait3A_142 = tpu.memref_slice %arg2[%dma_wait3A_140, %dma_wait3A_141] : memref<10000x128xf32, #tpu.memory_space<hbm>> -> memref<10000x128xf32, #tpu.memory_space<hbm>>
      tpu.wait_indirect_dma semaphore(%arg10 : memref<!tpu.dma_semaphore, #tpu.memory_space<semaphore_mem>>) src(%dma_wait3A_142 : memref<10000x128xf32, #tpu.memory_space<hbm>>) dst(%dma_wait3A_136 : memref<128x128xf32, #tpu.memory_space<vmem>>)
      %run_scoped3A_143 = arith.constant 0 : i32
      %run_scoped3A_144 = arith.constant 0 : i32
      %run_scoped3A_145 = arith.constant 1 : i32
      "tpu.region"() ({
        %run_scoped3A_184 = tpu.sem_alloc : memref<!tpu.dma_semaphore, #tpu.memory_space<semaphore_mem>>
        %dma_start3A_185 = arith.constant 0 : i32
        %dma_start3A_186 = arith.constant 0 : i32
        %dma_start3A_187 = tpu.memref_slice %arg6[%run_scoped3A_143, %dma_start3A_185, %dma_start3A_186] : memref<2x128x128xf32, #tpu.memory_space<vmem>> -> memref<1x128x128xf32, #tpu.memory_space<vmem>>
        %dma_start3A_188 = tpu.memref_squeeze %dma_start3A_187 : memref<1x128x128xf32, #tpu.memory_space<vmem>> -> memref<128x128xf32, #tpu.memory_space<vmem>>
        %dma_start3A_189 = arith.constant 0 : i32
        %dma_start3A_190 = tpu.memref_slice %arg5[%run_scoped3A_144, %run_scoped3A_145, %dma_start3A_189] : memref<2x2x128xi32, #tpu.memory_space<vmem>> -> memref<1x1x128xi32, #tpu.memory_space<vmem>>
        %dma_start3A_191 = tpu.memref_squeeze %dma_start3A_190 : memref<1x1x128xi32, #tpu.memory_space<vmem>> -> memref<128xi32, #tpu.memory_space<vmem>>
        %dma_start3A_192 = arith.constant 0 : i32
        %dma_start3A_193 = arith.constant 0 : i32
        %dma_start3A_194 = tpu.memref_slice %arg7[%dma_start3A_192, %dma_start3A_193] : memref<10240x128xf32, #tpu.memory_space<vmem_shared>> -> memref<10240x128xf32, #tpu.memory_space<vmem_shared>>
        tpu.enqueue_indirect_dma source(%dma_start3A_188 : memref<128x128xf32, #tpu.memory_space<vmem>>) target(%dma_start3A_194 : memref<10240x128xf32, #tpu.memory_space<vmem_shared>>) offsets(%dma_start3A_191 : memref<128xi32, #tpu.memory_space<vmem>>) semaphore(%run_scoped3A_184 : memref<!tpu.dma_semaphore, #tpu.memory_space<semaphore_mem>>) {add = true}
        %dma_wait3A_195 = arith.constant 0 : i32
        %dma_wait3A_196 = arith.constant 0 : i32
        %dma_wait3A_197 = tpu.memref_slice %arg6[%run_scoped3A_143, %dma_wait3A_195, %dma_wait3A_196] : memref<2x128x128xf32, #tpu.memory_space<vmem>> -> memref<1x128x128xf32, #tpu.memory_space<vmem>>
        %dma_wait3A_198 = tpu.memref_squeeze %dma_wait3A_197 : memref<1x128x128xf32, #tpu.memory_space<vmem>> -> memref<128x128xf32, #tpu.memory_space<vmem>>
        %dma_wait3A_199 = arith.constant 0 : i32
        %dma_wait3A_200 = tpu.memref_slice %arg5[%run_scoped3A_144, %run_scoped3A_145, %dma_wait3A_199] : memref<2x2x128xi32, #tpu.memory_space<vmem>> -> memref<1x1x128xi32, #tpu.memory_space<vmem>>
        %dma_wait3A_201 = tpu.memref_squeeze %dma_wait3A_200 : memref<1x1x128xi32, #tpu.memory_space<vmem>> -> memref<128xi32, #tpu.memory_space<vmem>>
        %dma_wait3A_202 = arith.constant 0 : i32
        %dma_wait3A_203 = arith.constant 0 : i32
        %dma_wait3A_204 = tpu.memref_slice %arg7[%dma_wait3A_202, %dma_wait3A_203] : memref<10240x128xf32, #tpu.memory_space<vmem_shared>> -> memref<10240x128xf32, #tpu.memory_space<vmem_shared>>
        tpu.wait_indirect_dma semaphore(%run_scoped3A_184 : memref<!tpu.dma_semaphore, #tpu.memory_space<semaphore_mem>>) src(%dma_wait3A_198 : memref<128x128xf32, #tpu.memory_space<vmem>>) dst(%dma_wait3A_204 : memref<10240x128xf32, #tpu.memory_space<vmem_shared>>)
        tpu.yield
      }) : () -> ()
      %add3A_146 = arith.constant 2 : i32
      %add3A_147 = arith.addi %add3A_126, %add3A_146 : i32
      %lt3A_148 = arith.cmpi slt, %add3A_147, %select_n3A_3 : i32
      %convert_element_type3A_149 = arith.extui %lt3A_148 : i1 to i32
      %cond3A_150 = arith.constant 0 : i32
      %cond3A_151 = arith.cmpi ne, %convert_element_type3A_149, %cond3A_150 : i32
      scf.if %cond3A_151 {
        %add3A_184 = arith.addi %select_n3A_11, %add3A_126 : i32
        %add3A_185 = arith.constant 2 : i32
        %add3A_186 = arith.addi %add3A_184, %add3A_185 : i32
        %dma_start3A_187 = arith.constant 0 : i32
        %dma_start3A_188 = arith.constant 0 : i32
        %dma_start3A_189 = arith.constant 0 : i32
        %dma_start3A_190 = tpu.memref_slice %arg5[%dma_start3A_187, %dma_start3A_188, %dma_start3A_189] : memref<2x2x128xi32, #tpu.memory_space<vmem>> -> memref<1x2x128xi32, #tpu.memory_space<vmem>>
        %dma_start3A_191 = tpu.memref_squeeze %dma_start3A_190 : memref<1x2x128xi32, #tpu.memory_space<vmem>> -> memref<2x128xi32, #tpu.memory_space<vmem>>
        %dma_start3A_192 = arith.constant 0 : i32
        %dma_start3A_193 = arith.constant 0 : i32
        %dma_start3A_194 = tpu.memref_slice %arg3[%add3A_186, %dma_start3A_192, %dma_start3A_193] : memref<2560x2x128xi32, #tpu.memory_space<hbm>> -> memref<1x2x128xi32, #tpu.memory_space<hbm>>
        %dma_start3A_195 = tpu.memref_squeeze %dma_start3A_194 : memref<1x2x128xi32, #tpu.memory_space<hbm>> -> memref<2x128xi32, #tpu.memory_space<hbm>>
        %dma_start3A_196 = arith.constant 0 : i32
        %dma_start3A_197 = arith.constant 0 : i32
        %dma_start3A_198 = tpu.memref_slice %arg5[%dma_start3A_187, %dma_start3A_196, %dma_start3A_197] : memref<2x2x128xi32, #tpu.memory_space<vmem>> -> memref<1x2x128xi32, #tpu.memory_space<vmem>>
        %dma_start3A_199 = tpu.memref_squeeze %dma_start3A_198 : memref<1x2x128xi32, #tpu.memory_space<vmem>> -> memref<2x128xi32, #tpu.memory_space<vmem>>
        %dma_start3A_200 = arith.constant 0 : i32
        %dma_start3A_201 = arith.constant 0 : i32
        %dma_start3A_202 = tpu.memref_slice %arg3[%add3A_186, %dma_start3A_200, %dma_start3A_201] : memref<2560x2x128xi32, #tpu.memory_space<hbm>> -> memref<1x2x128xi32, #tpu.memory_space<hbm>>
        %dma_start3A_203 = tpu.memref_squeeze %dma_start3A_202 : memref<1x2x128xi32, #tpu.memory_space<hbm>> -> memref<2x128xi32, #tpu.memory_space<hbm>>
        tpu.enqueue_dma source(%dma_start3A_203 : memref<2x128xi32, #tpu.memory_space<hbm>>) target(%dma_start3A_199 : memref<2x128xi32, #tpu.memory_space<vmem>>) target_semaphore(%arg8 : memref<!tpu.dma_semaphore, #tpu.memory_space<semaphore_mem>>)
      } else {
      }
      %mul3A_152 = arith.constant 2 : i32
      %mul3A_153 = arith.muli %while3A_122, %mul3A_152 : i32
      %add3A_154 = arith.constant 1 : i32
      %add3A_155 = arith.addi %mul3A_153, %add3A_154 : i32
      %add3A_156 = arith.constant 1 : i32
      %add3A_157 = arith.addi %add3A_155, %add3A_156 : i32
      %lt3A_158 = arith.cmpi slt, %add3A_157, %select_n3A_3 : i32
      %convert_element_type3A_159 = arith.extui %lt3A_158 : i1 to i32
      %cond3A_160 = arith.constant 0 : i32
      %cond3A_161 = arith.cmpi ne, %convert_element_type3A_159, %cond3A_160 : i32
      scf.if %cond3A_161 {
        %add3A_184 = arith.addi %select_n3A_11, %add3A_155 : i32
        %add3A_185 = arith.constant 1 : i32
        %add3A_186 = arith.addi %add3A_184, %add3A_185 : i32
        %dma_wait3A_187 = arith.constant 0 : i32
        %dma_wait3A_188 = arith.constant 0 : i32
        %dma_wait3A_189 = arith.constant 0 : i32
        %dma_wait3A_190 = tpu.memref_slice %arg5[%dma_wait3A_187, %dma_wait3A_188, %dma_wait3A_189] : memref<2x2x128xi32, #tpu.memory_space<vmem>> -> memref<1x2x128xi32, #tpu.memory_space<vmem>>
        %dma_wait3A_191 = tpu.memref_squeeze %dma_wait3A_190 : memref<1x2x128xi32, #tpu.memory_space<vmem>> -> memref<2x128xi32, #tpu.memory_space<vmem>>
        %dma_wait3A_192 = arith.constant 0 : i32
        %dma_wait3A_193 = arith.constant 0 : i32
        %dma_wait3A_194 = tpu.memref_slice %arg3[%add3A_186, %dma_wait3A_192, %dma_wait3A_193] : memref<2560x2x128xi32, #tpu.memory_space<hbm>> -> memref<1x2x128xi32, #tpu.memory_space<hbm>>
        %dma_wait3A_195 = tpu.memref_squeeze %dma_wait3A_194 : memref<1x2x128xi32, #tpu.memory_space<hbm>> -> memref<2x128xi32, #tpu.memory_space<hbm>>
        %dma_wait3A_196 = arith.constant 0 : i32
        %dma_wait3A_197 = arith.constant 0 : i32
        %dma_wait3A_198 = tpu.memref_slice %arg5[%dma_wait3A_187, %dma_wait3A_196, %dma_wait3A_197] : memref<2x2x128xi32, #tpu.memory_space<vmem>> -> memref<1x2x128xi32, #tpu.memory_space<vmem>>
        %dma_wait3A_199 = tpu.memref_squeeze %dma_wait3A_198 : memref<1x2x128xi32, #tpu.memory_space<vmem>> -> memref<2x128xi32, #tpu.memory_space<vmem>>
        %dma_wait3A_200 = arith.constant 0 : i32
        %dma_wait3A_201 = arith.constant 0 : i32
        %dma_wait3A_202 = tpu.memref_slice %arg3[%add3A_186, %dma_wait3A_200, %dma_wait3A_201] : memref<2560x2x128xi32, #tpu.memory_space<hbm>> -> memref<1x2x128xi32, #tpu.memory_space<hbm>>
        %dma_wait3A_203 = tpu.memref_squeeze %dma_wait3A_202 : memref<1x2x128xi32, #tpu.memory_space<hbm>> -> memref<2x128xi32, #tpu.memory_space<hbm>>
        tpu.wait_dma2 semaphore(%arg8 : memref<!tpu.dma_semaphore, #tpu.memory_space<semaphore_mem>>) src(%dma_wait3A_203 : memref<2x128xi32, #tpu.memory_space<hbm>>) dst(%dma_wait3A_199 : memref<2x128xi32, #tpu.memory_space<vmem>>)
        %dma_start3A_204 = arith.constant 0 : i32
        %dma_start3A_205 = arith.constant 0 : i32
        %dma_start3A_206 = arith.constant 0 : i32
        %dma_start3A_207 = arith.constant 0 : i32
        %dma_start3A_208 = arith.constant 0 : i32
        %dma_start3A_209 = tpu.memref_slice %arg6[%dma_start3A_206, %dma_start3A_207, %dma_start3A_208] : memref<2x128x128xf32, #tpu.memory_space<vmem>> -> memref<1x128x128xf32, #tpu.memory_space<vmem>>
        %dma_start3A_210 = tpu.memref_squeeze %dma_start3A_209 : memref<1x128x128xf32, #tpu.memory_space<vmem>> -> memref<128x128xf32, #tpu.memory_space<vmem>>
        %dma_start3A_211 = arith.constant 0 : i32
        %dma_start3A_212 = tpu.memref_slice %arg5[%dma_start3A_204, %dma_start3A_205, %dma_start3A_211] : memref<2x2x128xi32, #tpu.memory_space<vmem>> -> memref<1x1x128xi32, #tpu.memory_space<vmem>>
        %dma_start3A_213 = tpu.memref_squeeze %dma_start3A_212 : memref<1x1x128xi32, #tpu.memory_space<vmem>> -> memref<128xi32, #tpu.memory_space<vmem>>
        %dma_start3A_214 = arith.constant 0 : i32
        %dma_start3A_215 = arith.constant 0 : i32
        %dma_start3A_216 = tpu.memref_slice %arg2[%dma_start3A_214, %dma_start3A_215] : memref<10000x128xf32, #tpu.memory_space<hbm>> -> memref<10000x128xf32, #tpu.memory_space<hbm>>
        tpu.enqueue_indirect_dma source(%dma_start3A_216 : memref<10000x128xf32, #tpu.memory_space<hbm>>) target(%dma_start3A_210 : memref<128x128xf32, #tpu.memory_space<vmem>>) offsets(%dma_start3A_213 : memref<128xi32, #tpu.memory_space<vmem>>) semaphore(%arg10 : memref<!tpu.dma_semaphore, #tpu.memory_space<semaphore_mem>>)
      } else {
      }
      %dma_wait3A_162 = arith.constant 1 : i32
      %dma_wait3A_163 = arith.constant 0 : i32
      %dma_wait3A_164 = arith.constant 1 : i32
      %dma_wait3A_165 = arith.constant 0 : i32
      %dma_wait3A_166 = arith.constant 0 : i32
      %dma_wait3A_167 = tpu.memref_slice %arg6[%dma_wait3A_164, %dma_wait3A_165, %dma_wait3A_166] : memref<2x128x128xf32, #tpu.memory_space<vmem>> -> memref<1x128x128xf32, #tpu.memory_space<vmem>>
      %dma_wait3A_168 = tpu.memref_squeeze %dma_wait3A_167 : memref<1x128x128xf32, #tpu.memory_space<vmem>> -> memref<128x128xf32, #tpu.memory_space<vmem>>
      %dma_wait3A_169 = arith.constant 0 : i32
      %dma_wait3A_170 = tpu.memref_slice %arg5[%dma_wait3A_162, %dma_wait3A_163, %dma_wait3A_169] : memref<2x2x128xi32, #tpu.memory_space<vmem>> -> memref<1x1x128xi32, #tpu.memory_space<vmem>>
      %dma_wait3A_171 = tpu.memref_squeeze %dma_wait3A_170 : memref<1x1x128xi32, #tpu.memory_space<vmem>> -> memref<128xi32, #tpu.memory_space<vmem>>
      %dma_wait3A_172 = arith.constant 0 : i32
      %dma_wait3A_173 = arith.constant 0 : i32
      %dma_wait3A_174 = tpu.memref_slice %arg2[%dma_wait3A_172, %dma_wait3A_173] : memref<10000x128xf32, #tpu.memory_space<hbm>> -> memref<10000x128xf32, #tpu.memory_space<hbm>>
      tpu.wait_indirect_dma semaphore(%arg11 : memref<!tpu.dma_semaphore, #tpu.memory_space<semaphore_mem>>) src(%dma_wait3A_174 : memref<10000x128xf32, #tpu.memory_space<hbm>>) dst(%dma_wait3A_168 : memref<128x128xf32, #tpu.memory_space<vmem>>)
      %run_scoped3A_175 = arith.constant 1 : i32
      %run_scoped3A_176 = arith.constant 1 : i32
      %run_scoped3A_177 = arith.constant 1 : i32
      "tpu.region"() ({
        %run_scoped3A_184 = tpu.sem_alloc : memref<!tpu.dma_semaphore, #tpu.memory_space<semaphore_mem>>
        %dma_start3A_185 = arith.constant 0 : i32
        %dma_start3A_186 = arith.constant 0 : i32
        %dma_start3A_187 = tpu.memref_slice %arg6[%run_scoped3A_175, %dma_start3A_185, %dma_start3A_186] : memref<2x128x128xf32, #tpu.memory_space<vmem>> -> memref<1x128x128xf32, #tpu.memory_space<vmem>>
        %dma_start3A_188 = tpu.memref_squeeze %dma_start3A_187 : memref<1x128x128xf32, #tpu.memory_space<vmem>> -> memref<128x128xf32, #tpu.memory_space<vmem>>
        %dma_start3A_189 = arith.constant 0 : i32
        %dma_start3A_190 = tpu.memref_slice %arg5[%run_scoped3A_176, %run_scoped3A_177, %dma_start3A_189] : memref<2x2x128xi32, #tpu.memory_space<vmem>> -> memref<1x1x128xi32, #tpu.memory_space<vmem>>
        %dma_start3A_191 = tpu.memref_squeeze %dma_start3A_190 : memref<1x1x128xi32, #tpu.memory_space<vmem>> -> memref<128xi32, #tpu.memory_space<vmem>>
        %dma_start3A_192 = arith.constant 0 : i32
        %dma_start3A_193 = arith.constant 0 : i32
        %dma_start3A_194 = tpu.memref_slice %arg7[%dma_start3A_192, %dma_start3A_193] : memref<10240x128xf32, #tpu.memory_space<vmem_shared>> -> memref<10240x128xf32, #tpu.memory_space<vmem_shared>>
        tpu.enqueue_indirect_dma source(%dma_start3A_188 : memref<128x128xf32, #tpu.memory_space<vmem>>) target(%dma_start3A_194 : memref<10240x128xf32, #tpu.memory_space<vmem_shared>>) offsets(%dma_start3A_191 : memref<128xi32, #tpu.memory_space<vmem>>) semaphore(%run_scoped3A_184 : memref<!tpu.dma_semaphore, #tpu.memory_space<semaphore_mem>>) {add = true}
        %dma_wait3A_195 = arith.constant 0 : i32
        %dma_wait3A_196 = arith.constant 0 : i32
        %dma_wait3A_197 = tpu.memref_slice %arg6[%run_scoped3A_175, %dma_wait3A_195, %dma_wait3A_196] : memref<2x128x128xf32, #tpu.memory_space<vmem>> -> memref<1x128x128xf32, #tpu.memory_space<vmem>>
        %dma_wait3A_198 = tpu.memref_squeeze %dma_wait3A_197 : memref<1x128x128xf32, #tpu.memory_space<vmem>> -> memref<128x128xf32, #tpu.memory_space<vmem>>
        %dma_wait3A_199 = arith.constant 0 : i32
        %dma_wait3A_200 = tpu.memref_slice %arg5[%run_scoped3A_176, %run_scoped3A_177, %dma_wait3A_199] : memref<2x2x128xi32, #tpu.memory_space<vmem>> -> memref<1x1x128xi32, #tpu.memory_space<vmem>>
        %dma_wait3A_201 = tpu.memref_squeeze %dma_wait3A_200 : memref<1x1x128xi32, #tpu.memory_space<vmem>> -> memref<128xi32, #tpu.memory_space<vmem>>
        %dma_wait3A_202 = arith.constant 0 : i32
        %dma_wait3A_203 = arith.constant 0 : i32
        %dma_wait3A_204 = tpu.memref_slice %arg7[%dma_wait3A_202, %dma_wait3A_203] : memref<10240x128xf32, #tpu.memory_space<vmem_shared>> -> memref<10240x128xf32, #tpu.memory_space<vmem_shared>>
        tpu.wait_indirect_dma semaphore(%run_scoped3A_184 : memref<!tpu.dma_semaphore, #tpu.memory_space<semaphore_mem>>) src(%dma_wait3A_198 : memref<128x128xf32, #tpu.memory_space<vmem>>) dst(%dma_wait3A_204 : memref<10240x128xf32, #tpu.memory_space<vmem_shared>>)
        tpu.yield
      }) : () -> ()
      %add3A_178 = arith.constant 2 : i32
      %add3A_179 = arith.addi %add3A_155, %add3A_178 : i32
      %lt3A_180 = arith.cmpi slt, %add3A_179, %select_n3A_3 : i32
      %convert_element_type3A_181 = arith.extui %lt3A_180 : i1 to i32
      %cond3A_182 = arith.constant 0 : i32
      %cond3A_183 = arith.cmpi ne, %convert_element_type3A_181, %cond3A_182 : i32
      scf.if %cond3A_183 {
        %add3A_184 = arith.addi %select_n3A_11, %add3A_155 : i32
        %add3A_185 = arith.constant 2 : i32
        %add3A_186 = arith.addi %add3A_184, %add3A_185 : i32
        %dma_start3A_187 = arith.constant 1 : i32
        %dma_start3A_188 = arith.constant 0 : i32
        %dma_start3A_189 = arith.constant 0 : i32
        %dma_start3A_190 = tpu.memref_slice %arg5[%dma_start3A_187, %dma_start3A_188, %dma_start3A_189] : memref<2x2x128xi32, #tpu.memory_space<vmem>> -> memref<1x2x128xi32, #tpu.memory_space<vmem>>
        %dma_start3A_191 = tpu.memref_squeeze %dma_start3A_190 : memref<1x2x128xi32, #tpu.memory_space<vmem>> -> memref<2x128xi32, #tpu.memory_space<vmem>>
        %dma_start3A_192 = arith.constant 0 : i32
        %dma_start3A_193 = arith.constant 0 : i32
        %dma_start3A_194 = tpu.memref_slice %arg3[%add3A_186, %dma_start3A_192, %dma_start3A_193] : memref<2560x2x128xi32, #tpu.memory_space<hbm>> -> memref<1x2x128xi32, #tpu.memory_space<hbm>>
        %dma_start3A_195 = tpu.memref_squeeze %dma_start3A_194 : memref<1x2x128xi32, #tpu.memory_space<hbm>> -> memref<2x128xi32, #tpu.memory_space<hbm>>
        %dma_start3A_196 = arith.constant 0 : i32
        %dma_start3A_197 = arith.constant 0 : i32
        %dma_start3A_198 = tpu.memref_slice %arg5[%dma_start3A_187, %dma_start3A_196, %dma_start3A_197] : memref<2x2x128xi32, #tpu.memory_space<vmem>> -> memref<1x2x128xi32, #tpu.memory_space<vmem>>
        %dma_start3A_199 = tpu.memref_squeeze %dma_start3A_198 : memref<1x2x128xi32, #tpu.memory_space<vmem>> -> memref<2x128xi32, #tpu.memory_space<vmem>>
        %dma_start3A_200 = arith.constant 0 : i32
        %dma_start3A_201 = arith.constant 0 : i32
        %dma_start3A_202 = tpu.memref_slice %arg3[%add3A_186, %dma_start3A_200, %dma_start3A_201] : memref<2560x2x128xi32, #tpu.memory_space<hbm>> -> memref<1x2x128xi32, #tpu.memory_space<hbm>>
        %dma_start3A_203 = tpu.memref_squeeze %dma_start3A_202 : memref<1x2x128xi32, #tpu.memory_space<hbm>> -> memref<2x128xi32, #tpu.memory_space<hbm>>
        tpu.enqueue_dma source(%dma_start3A_203 : memref<2x128xi32, #tpu.memory_space<hbm>>) target(%dma_start3A_199 : memref<2x128xi32, #tpu.memory_space<vmem>>) target_semaphore(%arg9 : memref<!tpu.dma_semaphore, #tpu.memory_space<semaphore_mem>>)
      } else {
      }
    }
    %barrier3A_121 = arith.constant 0 : index
    tpu.barrier barrier_id(%barrier3A_121)
    "tpu.region"() ({
      %run_scoped3A_122 = tpu.sem_alloc : memref<!tpu.dma_semaphore, #tpu.memory_space<semaphore_mem>>
      %dma_start3A_123 = arith.constant 0 : i32
      %dma_start3A_124 = tpu.memref_slice %arg4[%arg0, %multiple_of3A, %dma_start3A_123] : memref<2x10240x128xf32, #tpu.memory_space<hbm>> -> memref<1x640x128xf32, #tpu.memory_space<hbm>>
      %dma_start3A_125 = tpu.memref_squeeze %dma_start3A_124 : memref<1x640x128xf32, #tpu.memory_space<hbm>> -> memref<640x128xf32, #tpu.memory_space<hbm>>
      %dma_start3A_126 = arith.constant 0 : i32
      %dma_start3A_127 = tpu.memref_slice %arg7[%multiple_of3A, %dma_start3A_126] : memref<10240x128xf32, #tpu.memory_space<vmem_shared>> -> memref<640x128xf32, #tpu.memory_space<vmem_shared>>
      tpu.enqueue_dma source(%dma_start3A_127 : memref<640x128xf32, #tpu.memory_space<vmem_shared>>) target(%dma_start3A_125 : memref<640x128xf32, #tpu.memory_space<hbm>>) target_semaphore(%run_scoped3A_122 : memref<!tpu.dma_semaphore, #tpu.memory_space<semaphore_mem>>)
      %dma_wait3A_128 = arith.constant 0 : i32
      %dma_wait3A_129 = tpu.memref_slice %arg4[%arg0, %multiple_of3A, %dma_wait3A_128] : memref<2x10240x128xf32, #tpu.memory_space<hbm>> -> memref<1x640x128xf32, #tpu.memory_space<hbm>>
      %dma_wait3A_130 = tpu.memref_squeeze %dma_wait3A_129 : memref<1x640x128xf32, #tpu.memory_space<hbm>> -> memref<640x128xf32, #tpu.memory_space<hbm>>
      %dma_wait3A_131 = arith.constant 0 : i32
      %dma_wait3A_132 = tpu.memref_slice %arg7[%multiple_of3A, %dma_wait3A_131] : memref<10240x128xf32, #tpu.memory_space<vmem_shared>> -> memref<640x128xf32, #tpu.memory_space<vmem_shared>>
      tpu.wait_dma2 semaphore(%run_scoped3A_122 : memref<!tpu.dma_semaphore, #tpu.memory_space<semaphore_mem>>) src(%dma_wait3A_132 : memref<640x128xf32, #tpu.memory_space<vmem_shared>>) dst(%dma_wait3A_130 : memref<640x128xf32, #tpu.memory_space<hbm>>)
      tpu.yield
    }) : () -> ()
    return
  }
}

module attributes {stable_mosaic.version = 14 : i64} {
  func.func @body(%arg0: memref<2x10240xf32, #tpu.memory_space<vmem>>, %arg1: memref<10240x1xf32, #tpu.memory_space<vmem>>) attributes {dimension_semantics = [], scalar_prefetch = 0 : i64, scratch_operands = 0 : i64, tpu.core_type = #tpu.core_type<tc>} {
    %get3A = arith.constant 0 : index
    %get3A_0 = arith.constant 0 : index
    %get3A_1 = vector.load %arg0[%get3A, %get3A_0] : memref<2x10240xf32, #tpu.memory_space<vmem>>, vector<2x10240xf32>
    %slice3A = vector.extract_strided_slice %get3A_1 {offsets = [0, 0], sizes = [1, 10240], strides = [1, 1]} : vector<2x10240xf32> to vector<1x10240xf32>
    %squeeze3A = vector.shape_cast %slice3A : vector<1x10240xf32> to vector<10240xf32>
    %slice3A_2 = vector.extract_strided_slice %get3A_1 {offsets = [1, 0], sizes = [1, 10240], strides = [1, 1]} : vector<2x10240xf32> to vector<1x10240xf32>
    %squeeze3A_3 = vector.shape_cast %slice3A_2 : vector<1x10240xf32> to vector<10240xf32>
    %add3A = arith.addf %squeeze3A, %squeeze3A_3 : vector<10240xf32>
    %add3A_4 = arith.constant 1.000000e+00 : f32
    %add3A_5 = vector.broadcast %add3A_4 : f32 to vector<10240xf32>
    %add3A_6 = arith.addf %add3A, %add3A_5 : vector<10240xf32>
    %rsqrt3A = math.rsqrt %add3A_6 : vector<10240xf32>
    %broadcast_in_dim3A = vector.shape_cast %rsqrt3A : vector<10240xf32> to vector<10240x1xf32>
    %swap3A = arith.constant 0 : index
    %swap3A_7 = arith.constant 0 : index
    %swap3A_8 = vector.load %arg1[%swap3A, %swap3A_7] : memref<10240x1xf32, #tpu.memory_space<vmem>>, vector<10240x1xf32>
    tpu.vector_store %arg1[%swap3A, %swap3A_7], %broadcast_in_dim3A {strides = array<i32>} : memref<10240x1xf32, #tpu.memory_space<vmem>>, vector<10240x1xf32>,
    return
  }
}

module attributes {stable_mosaic.version = 14 : i64} {
  func.func @body(%arg0: i32, %arg1: memref<400x128xf32, #tpu.memory_space<vmem>>, %arg2: memref<128x128xf32, #tpu.memory_space<vmem>>, %arg3: memref<400x1xf32, #tpu.memory_space<vmem>>, %arg4: memref<400x128xf32, #tpu.memory_space<vmem>>) attributes {dimension_semantics = [#tpu.dimension_semantics<arbitrary>], iteration_bounds = array<i64: 25>, scalar_prefetch = 0 : i64, scratch_operands = 0 : i64, tpu.core_type = #tpu.core_type<tc>, window_params = [{transform_indices = @transform_0, window_bounds = array<i64: 400, 128>}, {pipeline_mode = #tpu.pipeline_mode<synchronous>, transform_indices = @transform_1, window_bounds = array<i64: 128, 128>}, {transform_indices = @transform_2, window_bounds = array<i64: 400, 1>}, {transform_indices = @transform_3, window_bounds = array<i64: 400, 128>}]} {
    %get3A = arith.constant 0 : index
    %get3A_0 = arith.constant 0 : index
    %get3A_1 = vector.load %arg1[%get3A, %get3A_0] : memref<400x128xf32, #tpu.memory_space<vmem>>, vector<400x128xf32>
    %get3A_2 = arith.constant 0 : index
    %get3A_3 = arith.constant 0 : index
    %get3A_4 = vector.load %arg2[%get3A_2, %get3A_3] : memref<128x128xf32, #tpu.memory_space<vmem>>, vector<128x128xf32>
    %dot_general3A = arith.constant dense<0.000000e+00> : vector<400x128xf32>
    %dot_general3A_5 = tpu.matmul %get3A_1, %get3A_4, %dot_general3A {dimension_numbers = #tpu.dot_dimension_numbers<[1], [0], [0], [1], [0, 0, 1, 1], [], []>, transpose_lhs_hint = false} : vector<400x128xf32>, vector<128x128xf32>, vector<400x128xf32> -> vector<400x128xf32>
    %get3A_6 = arith.constant 0 : index
    %get3A_7 = arith.constant 0 : index
    %get3A_8 = vector.load %arg3[%get3A_6, %get3A_7] : memref<400x1xf32, #tpu.memory_space<vmem>>, vector<400x1xf32>
    %mul3A = vector.broadcast %get3A_8 : vector<400x1xf32> to vector<400x128xf32>
    %mul3A_9 = arith.mulf %dot_general3A_5, %mul3A : vector<400x128xf32>
    %swap3A = arith.constant 0 : index
    %swap3A_10 = arith.constant 0 : index
    %swap3A_11 = vector.load %arg4[%swap3A, %swap3A_10] : memref<400x128xf32, #tpu.memory_space<vmem>>, vector<400x128xf32>
    tpu.vector_store %arg4[%swap3A, %swap3A_10], %mul3A_9 {strides = array<i32>} : memref<400x128xf32, #tpu.memory_space<vmem>>, vector<400x128xf32>,
    return
  }
  func.func @transform_0(%arg0: i32) -> (i32, i32) {
    %c0_i32 = arith.constant 0 : i32
    %c0_i32_0 = arith.constant 0 : i32
    return %arg0, %c0_i32 : i32, i32
  }
  func.func @transform_1(%arg0: i32) -> (i32, i32) {
    %c0_i32 = arith.constant 0 : i32
    %c0_i32_0 = arith.constant 0 : i32
    %c0_i32_1 = arith.constant 0 : i32
    return %c0_i32, %c0_i32_0 : i32, i32
  }
  func.func @transform_2(%arg0: i32) -> (i32, i32) {
    %c0_i32 = arith.constant 0 : i32
    %c0_i32_0 = arith.constant 0 : i32
    return %arg0, %c0_i32 : i32, i32
  }
  func.func @transform_3(%arg0: i32) -> (i32, i32) {
    %c0_i32 = arith.constant 0 : i32
    %c0_i32_0 = arith.constant 0 : i32
    return %arg0, %c0_i32 : i32, i32
  }
}

module attributes {stable_mosaic.version = 14 : i64} {
  func.func @body(%arg0: i32, %arg1: memref<2x400x128xf32, #tpu.memory_space<vmem>>, %arg2: memref<400x128xf32, #tpu.memory_space<vmem>>, %arg3: memref<400x1xf32, #tpu.memory_space<vmem>>, %arg4: memref<1x128xf32, #tpu.memory_space<vmem>>, %arg5: memref<128x128xf32, #tpu.memory_space<vmem>>, %arg6: memref<400x128xf32, #tpu.memory_space<vmem>>) attributes {dimension_semantics = [#tpu.dimension_semantics<arbitrary>], iteration_bounds = array<i64: 25>, scalar_prefetch = 0 : i64, scratch_operands = 0 : i64, tpu.core_type = #tpu.core_type<tc>, window_params = [{transform_indices = @transform_0, window_bounds = array<i64: 2, 400, 128>}, {transform_indices = @transform_1, window_bounds = array<i64: 400, 128>}, {transform_indices = @transform_2, window_bounds = array<i64: 400, 1>}, {pipeline_mode = #tpu.pipeline_mode<synchronous>, transform_indices = @transform_3, window_bounds = array<i64: 1, 128>}, {pipeline_mode = #tpu.pipeline_mode<synchronous>, transform_indices = @transform_4, window_bounds = array<i64: 128, 128>}, {transform_indices = @transform_5, window_bounds = array<i64: 400, 128>}]} {
    %get3A = arith.constant 0 : index
    %get3A_0 = arith.constant 0 : index
    %get3A_1 = vector.load %arg3[%get3A, %get3A_0] : memref<400x1xf32, #tpu.memory_space<vmem>>, vector<400x1xf32>
    %get3A_2 = arith.constant 0 : index
    %get3A_3 = arith.constant 0 : index
    %get3A_4 = arith.constant 0 : index
    %get3A_5 = vector.load %arg1[%get3A_2, %get3A_3, %get3A_4] : memref<2x400x128xf32, #tpu.memory_space<vmem>>, vector<1x400x128xf32>
    %get3A_6 = vector.shape_cast %get3A_5 : vector<1x400x128xf32> to vector<400x128xf32>
    %get3A_7 = arith.constant 1 : index
    %get3A_8 = arith.constant 0 : index
    %get3A_9 = arith.constant 0 : index
    %get3A_10 = vector.load %arg1[%get3A_7, %get3A_8, %get3A_9] : memref<2x400x128xf32, #tpu.memory_space<vmem>>, vector<1x400x128xf32>
    %get3A_11 = vector.shape_cast %get3A_10 : vector<1x400x128xf32> to vector<400x128xf32>
    %add3A = arith.addf %get3A_6, %get3A_11 : vector<400x128xf32>
    %get3A_12 = arith.constant 0 : index
    %get3A_13 = arith.constant 0 : index
    %get3A_14 = vector.load %arg2[%get3A_12, %get3A_13] : memref<400x128xf32, #tpu.memory_space<vmem>>, vector<400x128xf32>
    %add3A_15 = arith.addf %add3A, %get3A_14 : vector<400x128xf32>
    %mul3A = vector.broadcast %get3A_1 : vector<400x1xf32> to vector<400x128xf32>
    %mul3A_16 = arith.mulf %add3A_15, %mul3A : vector<400x128xf32>
    %get3A_17 = arith.constant 0 : index
    %get3A_18 = arith.constant 0 : index
    %get3A_19 = vector.load %arg4[%get3A_17, %get3A_18] : memref<1x128xf32, #tpu.memory_space<vmem>>, vector<1x128xf32>
    %add3A_20 = vector.broadcast %get3A_19 : vector<1x128xf32> to vector<400x128xf32>
    %add3A_21 = arith.addf %mul3A_16, %add3A_20 : vector<400x128xf32>
    %max3A = arith.constant 0.000000e+00 : f32
    %max3A_22 = vector.broadcast %max3A : f32 to vector<400x128xf32>
    %max3A_23 = arith.maximumf %add3A_21, %max3A_22 : vector<400x128xf32>
    %get3A_24 = arith.constant 0 : index
    %get3A_25 = arith.constant 0 : index
    %get3A_26 = vector.load %arg5[%get3A_24, %get3A_25] : memref<128x128xf32, #tpu.memory_space<vmem>>, vector<128x128xf32>
    %dot_general3A = arith.constant dense<0.000000e+00> : vector<400x128xf32>
    %dot_general3A_27 = tpu.matmul %max3A_23, %get3A_26, %dot_general3A {dimension_numbers = #tpu.dot_dimension_numbers<[1], [0], [0], [1], [0, 0, 1, 1], [], []>, transpose_lhs_hint = false} : vector<400x128xf32>, vector<128x128xf32>, vector<400x128xf32> -> vector<400x128xf32>
    %mul3A_28 = vector.broadcast %get3A_1 : vector<400x1xf32> to vector<400x128xf32>
    %mul3A_29 = arith.mulf %dot_general3A_27, %mul3A_28 : vector<400x128xf32>
    %swap3A = arith.constant 0 : index
    %swap3A_30 = arith.constant 0 : index
    %swap3A_31 = vector.load %arg6[%swap3A, %swap3A_30] : memref<400x128xf32, #tpu.memory_space<vmem>>, vector<400x128xf32>
    tpu.vector_store %arg6[%swap3A, %swap3A_30], %mul3A_29 {strides = array<i32>} : memref<400x128xf32, #tpu.memory_space<vmem>>, vector<400x128xf32>,
    return
  }
  func.func @transform_0(%arg0: i32) -> (i32, i32, i32) {
    %c0_i32 = arith.constant 0 : i32
    %c0_i32_0 = arith.constant 0 : i32
    %c0_i32_1 = arith.constant 0 : i32
    return %c0_i32, %arg0, %c0_i32_0 : i32, i32, i32
  }
  func.func @transform_1(%arg0: i32) -> (i32, i32) {
    %c0_i32 = arith.constant 0 : i32
    %c0_i32_0 = arith.constant 0 : i32
    return %arg0, %c0_i32 : i32, i32
  }
  func.func @transform_2(%arg0: i32) -> (i32, i32) {
    %c0_i32 = arith.constant 0 : i32
    %c0_i32_0 = arith.constant 0 : i32
    return %arg0, %c0_i32 : i32, i32
  }
  func.func @transform_3(%arg0: i32) -> (i32, i32) {
    %c0_i32 = arith.constant 0 : i32
    %c0_i32_0 = arith.constant 0 : i32
    %c0_i32_1 = arith.constant 0 : i32
    return %c0_i32, %c0_i32_0 : i32, i32
  }
  func.func @transform_4(%arg0: i32) -> (i32, i32) {
    %c0_i32 = arith.constant 0 : i32
    %c0_i32_0 = arith.constant 0 : i32
    %c0_i32_1 = arith.constant 0 : i32
    return %c0_i32, %c0_i32_0 : i32, i32
  }
  func.func @transform_5(%arg0: i32) -> (i32, i32) {
    %c0_i32 = arith.constant 0 : i32
    %c0_i32_0 = arith.constant 0 : i32
    return %arg0, %c0_i32 : i32, i32
  }
}

module attributes {stable_mosaic.version = 14 : i64} {
  func.func @body(%arg0: i32, %arg1: memref<2x400x128xf32, #tpu.memory_space<vmem>>, %arg2: memref<400x128xf32, #tpu.memory_space<vmem>>, %arg3: memref<400x1xf32, #tpu.memory_space<vmem>>, %arg4: memref<1x128xf32, #tpu.memory_space<vmem>>, %arg5: memref<128x40xf32, #tpu.memory_space<vmem>>, %arg6: memref<1x40xf32, #tpu.memory_space<vmem>>, %arg7: memref<400x40xf32, #tpu.memory_space<vmem>>) attributes {dimension_semantics = [#tpu.dimension_semantics<arbitrary>], iteration_bounds = array<i64: 25>, scalar_prefetch = 0 : i64, scratch_operands = 0 : i64, tpu.core_type = #tpu.core_type<tc>, window_params = [{transform_indices = @transform_0, window_bounds = array<i64: 2, 400, 128>}, {transform_indices = @transform_1, window_bounds = array<i64: 400, 128>}, {transform_indices = @transform_2, window_bounds = array<i64: 400, 1>}, {pipeline_mode = #tpu.pipeline_mode<synchronous>, transform_indices = @transform_3, window_bounds = array<i64: 1, 128>}, {pipeline_mode = #tpu.pipeline_mode<synchronous>, transform_indices = @transform_4, window_bounds = array<i64: 128, 40>}, {pipeline_mode = #tpu.pipeline_mode<synchronous>, transform_indices = @transform_5, window_bounds = array<i64: 1, 40>}, {transform_indices = @transform_6, window_bounds = array<i64: 400, 40>}]} {
    %get3A = arith.constant 0 : index
    %get3A_0 = arith.constant 0 : index
    %get3A_1 = arith.constant 0 : index
    %get3A_2 = vector.load %arg1[%get3A, %get3A_0, %get3A_1] : memref<2x400x128xf32, #tpu.memory_space<vmem>>, vector<1x400x128xf32>
    %get3A_3 = vector.shape_cast %get3A_2 : vector<1x400x128xf32> to vector<400x128xf32>
    %get3A_4 = arith.constant 1 : index
    %get3A_5 = arith.constant 0 : index
    %get3A_6 = arith.constant 0 : index
    %get3A_7 = vector.load %arg1[%get3A_4, %get3A_5, %get3A_6] : memref<2x400x128xf32, #tpu.memory_space<vmem>>, vector<1x400x128xf32>
    %get3A_8 = vector.shape_cast %get3A_7 : vector<1x400x128xf32> to vector<400x128xf32>
    %add3A = arith.addf %get3A_3, %get3A_8 : vector<400x128xf32>
    %get3A_9 = arith.constant 0 : index
    %get3A_10 = arith.constant 0 : index
    %get3A_11 = vector.load %arg2[%get3A_9, %get3A_10] : memref<400x128xf32, #tpu.memory_space<vmem>>, vector<400x128xf32>
    %add3A_12 = arith.addf %add3A, %get3A_11 : vector<400x128xf32>
    %get3A_13 = arith.constant 0 : index
    %get3A_14 = arith.constant 0 : index
    %get3A_15 = vector.load %arg3[%get3A_13, %get3A_14] : memref<400x1xf32, #tpu.memory_space<vmem>>, vector<400x1xf32>
    %mul3A = vector.broadcast %get3A_15 : vector<400x1xf32> to vector<400x128xf32>
    %mul3A_16 = arith.mulf %add3A_12, %mul3A : vector<400x128xf32>
    %get3A_17 = arith.constant 0 : index
    %get3A_18 = arith.constant 0 : index
    %get3A_19 = vector.load %arg4[%get3A_17, %get3A_18] : memref<1x128xf32, #tpu.memory_space<vmem>>, vector<1x128xf32>
    %add3A_20 = vector.broadcast %get3A_19 : vector<1x128xf32> to vector<400x128xf32>
    %add3A_21 = arith.addf %mul3A_16, %add3A_20 : vector<400x128xf32>
    %max3A = arith.constant 0.000000e+00 : f32
    %max3A_22 = vector.broadcast %max3A : f32 to vector<400x128xf32>
    %max3A_23 = arith.maximumf %add3A_21, %max3A_22 : vector<400x128xf32>
    %get3A_24 = arith.constant 0 : index
    %get3A_25 = arith.constant 0 : index
    %get3A_26 = vector.load %arg5[%get3A_24, %get3A_25] : memref<128x40xf32, #tpu.memory_space<vmem>>, vector<128x40xf32>
    %dot_general3A = arith.constant dense<0.000000e+00> : vector<400x40xf32>
    %dot_general3A_27 = tpu.matmul %max3A_23, %get3A_26, %dot_general3A {dimension_numbers = #tpu.dot_dimension_numbers<[1], [0], [0], [1], [0, 0, 1, 1], [], []>, transpose_lhs_hint = false} : vector<400x128xf32>, vector<128x40xf32>, vector<400x40xf32> -> vector<400x40xf32>
    %get3A_28 = arith.constant 0 : index
    %get3A_29 = arith.constant 0 : index
    %get3A_30 = vector.load %arg6[%get3A_28, %get3A_29] : memref<1x40xf32, #tpu.memory_space<vmem>>, vector<1x40xf32>
    %add3A_31 = vector.broadcast %get3A_30 : vector<1x40xf32> to vector<400x40xf32>
    %add3A_32 = arith.addf %dot_general3A_27, %add3A_31 : vector<400x40xf32>
    %swap3A = arith.constant 0 : index
    %swap3A_33 = arith.constant 0 : index
    %swap3A_34 = vector.load %arg7[%swap3A, %swap3A_33] : memref<400x40xf32, #tpu.memory_space<vmem>>, vector<400x40xf32>
    tpu.vector_store %arg7[%swap3A, %swap3A_33], %add3A_32 {strides = array<i32>} : memref<400x40xf32, #tpu.memory_space<vmem>>, vector<400x40xf32>,
    return
  }
  func.func @transform_0(%arg0: i32) -> (i32, i32, i32) {
    %c0_i32 = arith.constant 0 : i32
    %c0_i32_0 = arith.constant 0 : i32
    %c0_i32_1 = arith.constant 0 : i32
    return %c0_i32, %arg0, %c0_i32_0 : i32, i32, i32
  }
  func.func @transform_1(%arg0: i32) -> (i32, i32) {
    %c0_i32 = arith.constant 0 : i32
    %c0_i32_0 = arith.constant 0 : i32
    return %arg0, %c0_i32 : i32, i32
  }
  func.func @transform_2(%arg0: i32) -> (i32, i32) {
    %c0_i32 = arith.constant 0 : i32
    %c0_i32_0 = arith.constant 0 : i32
    return %arg0, %c0_i32 : i32, i32
  }
  func.func @transform_3(%arg0: i32) -> (i32, i32) {
    %c0_i32 = arith.constant 0 : i32
    %c0_i32_0 = arith.constant 0 : i32
    %c0_i32_1 = arith.constant 0 : i32
    return %c0_i32, %c0_i32_0 : i32, i32
  }
  func.func @transform_4(%arg0: i32) -> (i32, i32) {
    %c0_i32 = arith.constant 0 : i32
    %c0_i32_0 = arith.constant 0 : i32
    %c0_i32_1 = arith.constant 0 : i32
    return %c0_i32, %c0_i32_0 : i32, i32
  }
  func.func @transform_5(%arg0: i32) -> (i32, i32) {
    %c0_i32 = arith.constant 0 : i32
    %c0_i32_0 = arith.constant 0 : i32
    %c0_i32_1 = arith.constant 0 : i32
    return %c0_i32, %c0_i32_0 : i32, i32
  }
  func.func @transform_6(%arg0: i32) -> (i32, i32) {
    %c0_i32 = arith.constant 0 : i32
    %c0_i32_0 = arith.constant 0 : i32
    return %arg0, %c0_i32 : i32, i32
  }
}

</mosaic_0001>

<sc_bundles>
// kernel: kernel.12.cloned.1.call-start
scs
__scs_entry_jumppad:
0x0: {  	(pc) =	sbr.rel $0x88, $3  }
0x1: {  	(tag) =	ssettag $0x0;
	lr =	simm.s32 $0x1  }
0x2: {  	[smem:$0x3F99] =	sst lr;
	_ =	strace $0xD0000000  }
0x3: {  	_ = 	snop  }
0x4: {  	_ = 	snop  }
0x5: {  	_ = 	snop  }
0x6: {  	_ = 	snop  }
0x7: {  	_ = 	snop  }
__scs_overlays_trampoline_lowered:
0x8: {  	[smem:$0x3FA8] =	sst s0  }
0x9: {  	[smem:$0x3FA9] =	sst s1  }
0xa: {  	[smem:$0x3FAA] =	sst s2  }
0xb: {  	[smem:$0x3FAB] =	sst s3  }
0xc: {  	[smem:$0x3FAC] =	sst s4  }
0xd: {  	[smem:$0x3FAD] =	sst s5  }
0xe: {  	[smem:$0x3FAE] =	sst s6  }
0xf: {  	[smem:$0x3FAF] =	sst s7  }
0x10: {  	[smem:$0x3FB0] =	sst s8  }
0x11: {  	[smem:$0x3FB1] =	sst s9;
	s0 =	simm.s32 @!p0 $0x0  }
0x12: {  	s1 =	sld [smem:$0x3F97];
	s0 =	simm.s32 @p0 $0x1  }
0x13: {  	[smem:$0x3FB2] =	sst s0;
	s0 =	simm.s32 @!p1 $0x0  }
0x14: {  	s2 =	sld [smem:$0x3F96];
	s0 =	simm.s32 @p1 $0x1  }
0x15: {  	[smem:$0x3FB3] =	sst s0;
	s0 =	simm.s32 @!p2 $0x0  }
0x16: {  	s3 =	sld [smem:$0x3FDB];
	s0 =	simm.s32 @p2 $0x1  }
0x17: {  	s4 =	simm.s32 $0x1BF5;
	[smem:$0x3FB5] =	sst s0  }
0x18: {  	s0 =	sld [smem:$0x3F98];
	_ =	swait.ge [sflag:s4], $0x0  }
0x19: {  	s7 =	sld [smem:$0x3F99]  }
0x1a: {  	s8 =	sadd.s32 $0xFFFFE003, lr  }
0x1b: {  	s9 =	sadd.s32 $0xFFFFFEF7, lr;
	s5 =	simm.s32 $0xFFFFFFFF;
	p2 =	slt.u32 s8, $0xFFFFF086  }
0x1c: {  	p1 =	slt.u32 s9, $0xF7A;
	s5 =	simm.s32 @!p2 $0x0  }
0x1d: {  	s5 =	simm.s32 @p1 $0x1;
	p0 =	seq.s32 s7, s2  }
0x1e: {  	s7 =	smul.u32 @!p0 $0xF7A, s2;
	p2 =	seq.s32 @!p0 s5, $0x0  }
0x1f: {  	s9 =	smul.u32 $0xF7A, s1;
	s8 =	simm.s32 @!p0 $0x1BF5;
	p2 =	por !p2, p0  }
0x20: {  	[sflag:s8] =	ssyncset.s32 @!p0 $0xFFFFF086;
	s6 =	sadd.s32 @!p0 s3, s7;
	s7 =	simm.s32 @!p0 $0x108  }
0x21: {  	s3 =	sadd.s32 s3, s9;
	s6 =	sadd.s32 @!p0 $0x88, s6;
	s7 =	simm.s32 @p2 $0x1082  }
0x22: {  	[simem:s7], [sflag:s8] =	dma.local @!p0 [hbm:s6], $0xF7A  }
0x23: {  	s9 =	sor.u32 $0xD0000000, s2;
	s6 =	simm.s32 $0x108;
	_ =	swait.ge @!p0 [sflag:s8], $0x0  }
0x24: {  	s3 =	sadd.s32 $0x88, s3;
	s6 =	simm.s32 @!p1 $0x1082;
	[sflag:s4] =	ssyncset.s32 $0xFFFFF086  }
0x25: {  	[simem:s6], [sflag:s4] =	dma.local [hbm:s3], $0xF7A  }
0x26: {  	[smem:$0x3F99] =	sst s1;
	(tag) =	ssettag s2;
	_ =	strace s9  }
0x27: {  	s1 =	sld [smem:$0x3FA9]  }
0x28: {  	s2 =	sld [smem:$0x3FAA]  }
0x29: {  	s4 =	sld [smem:$0x3FAC]  }
0x2a: {  	p0 =	seq.s32 s5, $0x0;
	s5 =	sld [smem:$0x3FAD]  }
0x2b: {  	s6 =	sld [smem:$0x3FAE]  }
0x2c: {  	s7 =	sld [smem:$0x3FAF]  }
0x2d: {  	s3 =	simm.s32 $0x108;
	s8 =	sld [smem:$0x3FB0]  }
0x2e: {  	s3 =	simm.s32 @!p0 $0x1082;
	s9 =	sld [smem:$0x3FB1]  }
0x2f: {  	lr =	sadd.s32 s0, s3;
	s0 =	sld [smem:$0x3FA8]  }
0x30: {  	s3 =	sld [smem:$0x3FAB]  }
0x31: {  	[smem:$0x3FB4] =	sst s10  }
0x32: {  	s10 =	sld [smem:$0x3FB2];
	_ =	sdelay $0x3  }
0x33: {  	p0 =	seq.s32 s10, $0x1;
	s10 =	sld [smem:$0x3FB4];
	_ =	sdelay $0x3  }
0x34: {  	[smem:$0x3FB4] =	sst s10  }
0x35: {  	s10 =	sld [smem:$0x3FB3];
	_ =	sdelay $0x3  }
0x36: {  	p1 =	seq.s32 s10, $0x1;
	s10 =	sld [smem:$0x3FB4];
	_ =	sdelay $0x3  }
0x37: {  	[smem:$0x3FB4] =	sst s10  }
0x38: {  	s10 =	sld [smem:$0x3FB5]  }
0x39: {  	_ = 	snop;
	(pc) =	sbr.ind lr, $3  }
0x3a: {  	_ = 	snop  }
0x3b: {  	_ = 	snop  }
0x3c: {  	p2 =	seq.s32 s10, $0x1;
	s10 =	sld [smem:$0x3FB4]  }
0x3d: {  	_ =	shalt  }
0x3e: {  	_ =	shalt  }
0x3f: {  	_ =	shalt  }
0x40: {  	_ =	shalt  }
0x41: {  	_ =	shalt  }
0x42: {  	_ =	shalt  }
0x43: {  	_ =	shalt  }
0x44: {  	_ =	shalt  }
0x45: {  	_ =	shalt  }
0x46: {  	_ =	shalt  }
0x47: {  	_ =	shalt  }
0x48: {  	_ =	shalt  }
0x49: {  	_ =	shalt  }
0x4a: {  	_ =	shalt  }
0x4b: {  	_ =	shalt  }
0x4c: {  	_ =	shalt  }
0x4d: {  	_ =	shalt  }
0x4e: {  	_ =	shalt  }
0x4f: {  	_ =	shalt  }
0x50: {  	_ =	shalt  }
0x51: {  	_ =	shalt  }
0x52: {  	_ =	shalt  }
0x53: {  	_ =	shalt  }
0x54: {  	_ =	shalt  }
0x55: {  	_ =	shalt  }
0x56: {  	_ =	shalt  }
0x57: {  	_ =	shalt  }
0x58: {  	_ =	shalt  }
0x59: {  	_ =	shalt  }
0x5a: {  	_ =	shalt  }
0x5b: {  	_ =	shalt  }
0x5c: {  	_ =	shalt  }
0x5d: {  	_ =	shalt  }
0x5e: {  	_ =	shalt  }
0x5f: {  	_ =	shalt  }
0x60: {  	_ =	shalt  }
0x61: {  	_ =	shalt  }
0x62: {  	_ =	shalt  }
0x63: {  	_ =	shalt  }
0x64: {  	_ =	shalt  }
0x65: {  	_ =	shalt  }
0x66: {  	_ =	shalt  }
0x67: {  	_ =	shalt  }
0x68: {  	_ =	shalt  }
0x69: {  	_ =	shalt  }
0x6a: {  	_ =	shalt  }
0x6b: {  	_ =	shalt  }
0x6c: {  	_ =	shalt  }
0x6d: {  	_ =	shalt  }
0x6e: {  	_ =	shalt  }
0x6f: {  	_ =	shalt  }
0x70: {  	_ =	shalt  }
0x71: {  	_ =	shalt  }
0x72: {  	_ =	shalt  }
0x73: {  	_ =	shalt  }
0x74: {  	_ =	shalt  }
0x75: {  	_ =	shalt  }
0x76: {  	_ =	shalt  }
0x77: {  	_ =	shalt  }
0x78: {  	_ =	shalt  }
0x79: {  	_ =	shalt  }
0x7a: {  	_ =	shalt  }
0x7b: {  	_ =	shalt  }
0x7c: {  	_ =	shalt  }
0x7d: {  	_ =	shalt  }
0x7e: {  	_ =	shalt  }
0x7f: {  	_ =	shalt  }
0x80: {  	_ =	shalt  }
0x81: {  	_ =	shalt  }
0x82: {  	_ =	shalt  }
0x83: {  	_ =	shalt  }
0x84: {  	_ =	shalt  }
0x85: {  	_ =	shalt  }
0x86: {  	_ =	shalt  }
0x87: {  	_ =	shalt  }
.Lfunc_end0:
.L_simem_size_0:
called_computation.1_lowered:
.L_overlay_start_0:
0x88: {  	s2 =	sld [smem:$0x3FD9]  }
0x89: {  	s3 =	sld [smem:$0x3FFE];
	_ =	sdelay $0x1  }
0x8a: {  	s1 =	srdreg.scid  }
0x8b: {  	s0 =	sand.u32 $0x1, s1  }
0x8c: {  	s16 =	sshll.u32 s0, $0xA;
	s2 =	sadd.s32 s3, s2  }
0x8d: {  	s2 =	sadd.s32 s2, s16  }
0x8e: {  	[smem:$0x3FC0] =	sst s2  }
0x8f: {  	_ = 	snop  }
0x90: {  	(tm) =	ssettm $0x1  }
0x91: {  	s17 =	sld [smem:$0x3FFB];
	_ =	sdelay $0x3  }
0x92: {  	_ =	strace s17  }
0x93: {  	s2 =	sld [smem:$0x3FFC];
	_ =	sdelay $0x3  }
0x94: {  	_ =	strace s2  }
0x95: {  	s2 =	sld [smem:$0x3FFD];
	_ =	sdelay $0x3  }
0x96: {  	_ =	strace s2  }
0x97: {  	_ =	strace $0x8FFFFFFF  }
0x98: {  	s18 =	sld [smem:$0x3FDB];
	_ =	sdelay $0x1  }
0x99: {  	s19 =	simm.s32 $_scs_section_size  }
0x9a: {  	s4 =	simm.s32 $_size__tile_overlayer_lowered;
	s5 =	simm.s32 $_tile_overlayer_lowered  }
0x9b: {  	s22 =	simm.s32 $0x1BFF;
	s21 =	sshll.u32 s5, $0x1;
	s2 =	sadd.s32 s19, s18  }
0x9c: {  	s6 =	simm.s32 $0x0;
	s20 =	sshll.u32 s4, $0x1;
	s4 =	sadd.s32 s21, s2  }
0x9d: {  	[timem:s6], [sflag:s22] =	dma.local [hbm:s4], s20  }
0x9e: {  	_ =	swait.ge [sflag:s22], s20  }
0x9f: {  	s3 =	ssub.s32 $0x0, s20;
	[sflag:s22] =	ssyncset.done $0x0  }
0xa0: {  	[sflag:s22] =	ssyncadd.s32 s3;
	_ =	sdelay $0x1  }
0xa1: {  	s23 =	simm.s32 $0x1B8B  }
0xa2: {  	_ =	swait.ge [sflag:s23], $0x1  }
0xa3: {  	[sflag:s23] =	ssyncset.done $0x0  }
0xa4: {  	s25 =	simm.s32 $0x1B8E;
	s24 =	sld [smem:$0x3FFE];
	[sflag:s23] =	ssyncadd.s32 $0xFFFFFFFF  }
0xa5: {  	s26 =	simm.s32 $execute0_lowered;
	[smem:$0x3FD2] =	sst s25  }
0xa6: {  	s4 =	sshll.u32 s26, $0x1;
	_ =	strace $0x80000049;
	[dreg:$0x1] =	wrdreg $0xFFFFFFFF  }
0xa7: {  	s28 =	simm.s32 $_size_execute0_lowered;
	s2 =	sadd.s32 s2, s4;
	[dreg:$0x0] =	wrdreg $0x0  }
0xa8: {  	s4 =	sshll.u32 s28, $0x1;
	[dreg:$0x2] =	wrdreg s2  }
0xa9: {  	[dreg:$0x3] =	wrdreg s4  }
0xaa: {  	[dreg:$0x4] =	wrdreg $0xC0  }
0xab: {  	_ =	task [dreg:s6], $0x5FFFF  }
0xac: {  	[dreg:$0x1] =	wrdreg $0xFFFFFFFF  }
0xad: {  	[dreg:$0x0] =	wrdreg $0x60  }
0xae: {  	[dreg:$0x2] =	wrdreg s24  }
0xaf: {  	[dreg:$0x3] =	wrdreg $0x82000  }
0xb0: {  	[dreg:$0x4] =	wrdreg $0x9  }
0xb1: {  	_ =	task.clear_ibuf [dreg:s6], $0x5FFFF;
	_ =	strace $0x90000049  }
0xb2: {  	s29 =	simm.s32 $0x9;
	_ =	strace $0x8000004B  }
0xb3: {  	_ =	swait.ge [sflag:s29], $0x1  }
0xb4: {  	[sflag:s29] =	ssyncadd.s32 $0xFFFFFFFF  }
0xb5: {  	_ =	strace $0x9000004B  }
0xb6: {  	_ =	sfence  }
0xb7: {  	s30 =	sld [smem:$0x0];
	_ =	sdelay $0x2  }
0xb8: {  	s31 =	sshll.u32 s1, $0xD;
	s1 =	sshrl.u32 s1, $0x2  }
0xb9: {  	s3 =	sand.u32 $0x4000, s31;
	s1 =	sadd.s32 s1, s30  }
0xba: {  	s0 =	sor.u32 s3, s0;
	s1 =	sshll.u32 s1, $0x11  }
0xbb: {  	s0 =	sor.u32 s1, s0  }
0xbc: {  	s0 =	sadd.s32 $0x8F2B, s0  }
0xbd: {  	[sflag:s0] =	ssyncadd.remote.s32 $0x1  }
0xbe: {  	_ =	sfence.sel $0xFFFF  }
0xbf: {  	[dreg:$0x0] =	wrdreg $0xFFFFFFFF;
	(pc) =	sbr.abs _section_cstart, $3  }
0xc0: {  	[dreg:$0x1] =	wrdreg $0xFFFFFFFF  }
0xc1: {  	_ =	task.clear_ibuf [dreg:s6], $0x2FFFF;
	_ =	strace $0x9FFFFFFF  }
0xc2: {  	(tm) =	ssettm $0x7FFFFFFF  }
0xc3: {  	_ =	shalt  }
tec
execute0_lowered:
.L_overlay_start_1:
0x0: {  	(tag) =	ssettag $0x1  }
0x1: {  	s0 =	rddreg [dreg:$0x0]  }
0x2: {  	s2 =	rddreg [dreg:$0x1];
	s1 =	stileid.u32  }
0x3: {  	s4 =	srdreg.scid;
	s3 =	simm.s32 $0x0;
	s5 =	smul.u32 $0x8C, s1  }
0x4: {  	s19 =	simm.s32 $0x200;
	s20 =	simm.s32 $0x5;
	s21 =	smul.u32 $0x14, s1  }
0x5: {  	s28 =	simm.s32 $0x4200;
	s29 =	simm.s32 $0x0;
	s9 =	smul.u32 $0x14000, s1  }
0x6: {  	s6 =	sand.u32 $0x1, s4;
	[smem:$0x7FF] =	sst s3;
	s22 =	smul.u32 $0x50000, s1  }
0x7: {  	s4 =	sadd.s32 $0x16E00, s0;
	s7 =	smul.u32 $0x140000, s6;
	p0 =	seq.s32 s6, $0x0  }
0x8: {  	_ =	strace $0x8000004A;
	s6 =	ssub.s32 $0x2, s6;
	s8 =	sadd.s32 $0x8C0, s21  }
0x9: {  	s24 =	sshrl.u32 s6, $0x1;
	s25 =	sshrl.u32 s22, $0x2;
	s22 =	simm.s32 $0x1  }
0xa: {  	s8 =	smov.u32 @p0 s5;
	s7 =	sadd.s32 s9, s7;
	s14 =	ssub.s32 s6, s24  }
0xb: {  	s6 =	sadd.s32 s25, s2;
	s24 =	simm.s32 $0x3;
	s25 =	simm.s32 $0x4  }
0xc: {  	s5 =	sshll.u32 s8, $0x5;
	s23 =	sshrl.u32 s7, $0x3;
	s26 =	sadd.s32 $0x4000, s6  }
0xd: {  	s30 =	sadd.s32 $0x8000, s6;
	s31 =	sadd.s32 $0xC000, s6;
	s10 =	sadd.s32 $0x10000, s6  }
0xe: {  	s14 =	smax.u32 s14, $0x1;
	s18 =	sadd.s32 s5, s0;
	[dreg:$0x3] =	wrdreg s26  }
0xf: {  	s0 =	sadd.s32 s23, s0;
	s5 =	simm.s32 $0x8C;
	[dreg:$0x4] =	wrdreg s30  }
0x10: {  	[dreg:$0x5] =	wrdreg s31;
	s23 =	simm.s32 $0x80;
	s26 =	simm.s32 $0x180  }
0x11: {  	s5 =	simm.s32 @!p0 $0x14;
	s11 =	sadd.s32 $0x2E00, s18;
	s12 =	sadd.s32 $0x2E20, s18  }
0x12: {  	s13 =	sadd.s32 $0x3E000, s0;
	s18 =	sadd.s32 $0x2E40, s18;
	s17 =	sshrl.u32 s5, $0x1  }
0x13: {  	v0 =	vimm.f32 $0.0e+00;
	s15 =	sadd.s32 $0xFFFFFFFE, s5;
	s16 =	sadd.s32 $0xFFFFFFFD, s5;
	s17 =	sadd.s32 $0xFFFFFFFF, s17  }
.LBB2_1:
0x14: {  	s1 =	simm.s32 $0x0  }
0x15: {  	s0 =	sand.u32 $0xFE00, s1  }
0x16: {  	s21 =	sand.u32 $0x70, s1;
	s30 =	sshrl.u32 s0, $0x2  }
0x17: {  	s0 =	simm.s32 $0x40;
	s30 =	sor.u32 s21, s30;
	s21 =	simm.s32 $0x0  }
.LBB2_2:
0x18: {  	p0 =	sne.s32 s0, $0xFFC0  }
0x19: {  	[tilespmem:s30+$0x200] =	vst v0;
	s21 =	sadd.s32 $0x10, s21;
	s30 =	smov.u32 s0;
	s0 =	sadd.s32 $0x40, s0  }
.Ltmp0:
0x1a: {  	(pc) =	sbr.rel @p0 .LBB2_2-.Ltmp0, $4  }
0x1b: {  	_ = 	snop  }
0x1c: {  	s30 =	sand.u32 $0xFE00, s30  }
0x1d: {  	s31 =	sand.u32 $0x70, s21;
	s30 =	sshrl.u32 s30, $0x2  }
0x1e: {  	s30 =	sor.u32 s31, s30  }
0x1f: {  	[tilespmem:s30+$0x200] =	vst v0  }
0x20: {  	[spmem:s6] =	stream.linear.scatter [tilespmem:s19], [sflag:$0x5], $0x4000, $0x38;
	[tilespmem:$0x1C200] =	vst v63  }
0x21: {  	_ =	swait.ge [sflag:s20], $0x4000  }
0x22: {  	[sflag:s20] =	ssyncset.done $0x0  }
0x23: {  	s0 =	rddreg [dreg:$0x3];
	[sflag:s20] =	ssyncadd.s32 $0xFFFFC000  }
0x24: {  	[spmem:s0] =	stream.linear.scatter [tilespmem:s19], [sflag:$0x5], $0x4000, $0x38;
	[tilespmem:$0x1C200] =	vst v63  }
0x25: {  	_ =	swait.ge [sflag:s20], $0x4000  }
0x26: {  	[sflag:s20] =	ssyncset.done $0x0  }
0x27: {  	s9 =	rddreg [dreg:$0x4];
	[sflag:s20] =	ssyncadd.s32 $0xFFFFC000  }
0x28: {  	[spmem:s9] =	stream.linear.scatter [tilespmem:s19], [sflag:$0x5], $0x4000, $0x38;
	[tilespmem:$0x1C200] =	vst v63  }
0x29: {  	_ =	swait.ge [sflag:s20], $0x4000  }
0x2a: {  	[sflag:s20] =	ssyncset.done $0x0  }
0x2b: {  	s21 =	rddreg [dreg:$0x5];
	[sflag:s20] =	ssyncadd.s32 $0xFFFFC000  }
0x2c: {  	[spmem:s21] =	stream.linear.scatter [tilespmem:s19], [sflag:$0x5], $0x4000, $0x38;
	[tilespmem:$0x1C200] =	vst v63  }
0x2d: {  	_ =	swait.ge [sflag:s20], $0x4000  }
0x2e: {  	[sflag:s20] =	ssyncset.done $0x0  }
0x2f: {  	[sflag:s20] =	ssyncadd.s32 $0xFFFFC000  }
0x30: {  	[spmem:s10] =	stream.linear.scatter [tilespmem:s19], [sflag:$0x5], $0x4000, $0x38;
	[tilespmem:$0x1C200] =	vst v63  }
0x31: {  	_ =	swait.ge [sflag:s20], $0x4000  }
0x32: {  	[sflag:s20] =	ssyncset.done $0x0  }
0x33: {  	[sflag:s20] =	ssyncadd.s32 $0xFFFFC000  }
0x34: {  	s31 =	simm.s32 $0x0;
	s0 =	sadd.s32 $0xFFFFFFFF, s17;
	[bflag:$0x0] =	sbarrier.arrive $0xFFFF  }
0x35: {  	[tilespmem:s31], [sflag:$0x1] =	stream.linear.gather [hbm4b:s11+s31], $0x100, $0x38;
	[tilespmem:$0x1C200] =	vst v63  }
0x36: {  	s30 =	simm.s32 $0x100;
	p2 =	sne.s32 s0, $0x0  }
0x37: {  	[tilespmem:s30], [sflag:$0x2] =	stream.linear.gather [hbm4b:s12+s31], $0x100, $0x38;
	[tilespmem:$0x1C200] =	vst v63  }
.Ltmp1:
0x38: {  	_ = 	snop;
	(pc) =	sbr.rel @!p2 .LBB2_4-.Ltmp1, $4  }
0x39: {  	_ =	swait.ge [sflag:s22], $0x100  }
0x3a: {  	[sflag:s22] =	ssyncset.done $0x0  }
0x3b: {  	p1 =	sle.u32 s5, $0x1;
	p0 =	por $0x0, $0x0;
	[sflag:s22] =	ssyncadd.s32 $0xFFFFFF00  }
0x3c: {  	[tilespmem:s19], [sflag:$0x3] =	stream.indirect.gather [hbm4b:s4+s23], $0x80, s31, s23, $0xb8;
	[tilespmem:$0x1C200] =	vst v63  }
0x3d: {  	s21 =	simm.s32 @!p1 $0x2  }
0x3e: {  	_ =	swait.ge @!p1 [sflag:s21], $0x100  }
0x3f: {  	s30 =	simm.s32 @!p1 $0x4200;
	[sflag:s21] =	ssyncset.done @!p1 $0x0  }
0x40: {  	s31 =	simm.s32 @!p1 $0x80;
	s1 =	simm.s32 @!p1 $0x100;
	[sflag:s21] =	ssyncadd.s32 @!p1 $0xFFFFFF00  }
0x41: {  	[tilespmem:s30], [sflag:$0x4] =	stream.indirect.gather @!p1 [hbm4b:s4+s31], $0x80, s1, s31, $0xb8;
	[tilespmem:$0x1C200] =	vst v63  }
0x42: {  	_ =	swait.ge [sflag:s24], $0x4000  }
0x43: {  	[sflag:s24] =	ssyncset.done $0x0  }
0x44: {  	[sflag:s24] =	ssyncadd.s32 $0xFFFFC000  }
0x45: {  	[spmem:s2] =	stream.indirect.scatter.add.f32 [tilespmem:s19], [sflag:$0x5], $0x80, s23, s23, $0xb8;
	[tilespmem:$0x1C200] =	vst v63  }
0x46: {  	_ =	swait.ge [sflag:s20], $0x4000  }
0x47: {  	p0 =	sle.u32 s15, $0x0;
	[sflag:s20] =	ssyncset.done $0x0  }
0x48: {  	s21 =	simm.s32 @!p0 $0x1;
	s1 =	simm.s32 @!p0 $0x0;
	[sflag:s20] =	ssyncadd.s32 $0xFFFFC000  }
0x49: {  	[tilespmem:s1], [sflag:$0x1] =	stream.linear.gather @!p0 [hbm4b:s18+s1], $0x100, $0x38;
	[tilespmem:$0x1C200] =	vst v63  }
0x4a: {  	s0 =	sadd.s32 $0xFFFFFFFF, s0;
	_ =	swait.ge @!p0 [sflag:s21], $0x100  }
0x4b: {  	p2 =	sne.s32 s0, $0x0;
	[sflag:s21] =	ssyncset.done @!p0 $0x0  }
0x4c: {  	s30 =	simm.s32 @!p0 $0x80;
	s31 =	simm.s32 @!p0 $0x200;
	[sflag:s21] =	ssyncadd.s32 @!p0 $0xFFFFFF00  }
0x4d: {  	[tilespmem:s31], [sflag:$0x3] =	stream.indirect.gather @!p0 [hbm4b:s4+s30], $0x80, s1, s30, $0xb8;
	[tilespmem:$0x1C200] =	vst v63  }
.Ltmp2:
0x4e: {  	_ =	swait.ge [sflag:s25], $0x4000;
	(pc) =	sbr.rel @!p2 .LBB2_7-.Ltmp2, $4  }
0x4f: {  	p3 =	sle.u32 s16, $0x0;
	p1 =	sle.u32 s5, $0x3;
	[sflag:s25] =	ssyncset.done $0x0  }
0x50: {  	s21 =	sadd.s32 @!p3 $0x20, s18;
	s31 =	simm.s32 $0x2;
	[sflag:s25] =	ssyncadd.s32 $0xFFFFC000  }
0x51: {  	[spmem:s2] =	stream.indirect.scatter.add.f32 [tilespmem:s28], [sflag:$0x5], $0x80, s26, s23, $0xb8;
	[tilespmem:$0x1C200] =	vst v63  }
0x52: {  	s30 =	sadd.s32 $0x40, s18;
	p0 =	por $0x1, $0x1;
	_ =	swait.ge [sflag:s20], $0x4000  }
.LBB2_6:
0x53: {  	s1 =	simm.s32 @!p1 $0x2;
	[sflag:s20] =	ssyncset.done $0x0;
	s3 =	simm.s32 @!p3 $0x100  }
0x54: {  	s0 =	sadd.s32 $0xFFFFFFFF, s0;
	s7 =	simm.s32 @!p3 $0x0;
	[sflag:s20] =	ssyncadd.s32 $0xFFFFC000  }
0x55: {  	[tilespmem:s3], [sflag:$0x2] =	stream.linear.gather @!p3 [hbm4b:s21+s7], $0x100, $0x38;
	[tilespmem:$0x1C200] =	vst v63  }
0x56: {  	p2 =	sne.s32 s0, $0x0;
	s3 =	simm.s32 @!p1 $0x4200;
	_ =	swait.ge @!p1 [sflag:s1], $0x100  }
0x57: {  	s7 =	simm.s32 @!p1 $0x80;
	s21 =	simm.s32 @!p1 $0x100;
	[sflag:s1] =	ssyncset.done @!p1 $0x0  }
0x58: {  	s8 =	smov.u32 s30;
	[sflag:s1] =	ssyncadd.s32 @!p1 $0xFFFFFF00;
	s1 =	smov.u32 s31  }
0x59: {  	[tilespmem:s3], [sflag:$0x4] =	stream.indirect.gather @!p1 [hbm4b:s4+s7], $0x80, s21, s7, $0xb8;
	[tilespmem:$0x1C200] =	vst v63  }
0x5a: {  	_ =	swait.ge [sflag:s24], $0x4000  }
0x5b: {  	[sflag:s24] =	ssyncset.done $0x0  }
0x5c: {  	[sflag:s24] =	ssyncadd.s32 $0xFFFFC000  }
0x5d: {  	[spmem:s2] =	stream.indirect.scatter.add.f32 [tilespmem:s19], [sflag:$0x5], $0x80, s23, s23, $0xb8;
	[tilespmem:$0x1C200] =	vst v63  }
0x5e: {  	p1 =	sge.u32 s31, s15;
	_ =	swait.ge [sflag:s20], $0x4000  }
0x5f: {  	s3 =	simm.s32 @!p1 $0x0;
	s7 =	simm.s32 @!p1 $0x1;
	[sflag:s20] =	ssyncset.done $0x0  }
0x60: {  	[sflag:s20] =	ssyncadd.s32 $0xFFFFC000  }
0x61: {  	[tilespmem:s3], [sflag:$0x1] =	stream.linear.gather @!p1 [hbm4b:s30+s3], $0x100, $0x38;
	[tilespmem:$0x1C200] =	vst v63  }
0x62: {  	_ =	swait.ge @!p1 [sflag:s7], $0x100  }
0x63: {  	s21 =	simm.s32 @!p1 $0x80;
	s9 =	simm.s32 @!p1 $0x200;
	[sflag:s7] =	ssyncset.done @!p1 $0x0  }
0x64: {  	[sflag:s7] =	ssyncadd.s32 @!p1 $0xFFFFFF00  }
0x65: {  	[tilespmem:s9], [sflag:$0x3] =	stream.indirect.gather @!p1 [hbm4b:s4+s21], $0x80, s3, s21, $0xb8;
	[tilespmem:$0x1C200] =	vst v63  }
.Ltmp3:
0x66: {  	_ =	swait.ge [sflag:s25], $0x4000;
	(pc) =	sbr.rel @p2 .LBB2_6-.Ltmp3, $4  }
0x67: {  	s31 =	sadd.s32 $0x2, s31;
	s30 =	sadd.s32 $0x40, s30;
	[sflag:s25] =	ssyncset.done $0x0  }
0x68: {  	p3 =	sge.u32 s1, s16;
	s3 =	sadd.s32 $0x1, s31;
	[sflag:s25] =	ssyncadd.s32 $0xFFFFC000  }
0x69: {  	[spmem:s2] =	stream.indirect.scatter.add.f32 [tilespmem:s28], [sflag:$0x5], $0x80, s26, s23, $0xb8;
	[tilespmem:$0x1C200] =	vst v63  }
0x6a: {  	s21 =	sadd.s32 @!p3 $0x20, s8;
	p1 =	sge.u32 s3, s5;
	_ =	swait.ge [sflag:s20], $0x4000  }
.LBB2_7:
0x6b: {  	s0 =	simm.s32 @!p1 $0x2;
	[sflag:s20] =	ssyncset.done @p0 $0x0;
	p2 =	por p3, !p0  }
0x6c: {  	s1 =	simm.s32 @!p2 $0x100;
	[sflag:s20] =	ssyncadd.s32 @p0 $0xFFFFC000;
	s3 =	simm.s32 @!p2 $0x0  }
0x6d: {  	[tilespmem:s1], [sflag:$0x2] =	stream.linear.gather @!p2 [hbm4b:s21+s3], $0x100, $0x38;
	[tilespmem:$0x1C200] =	vst v63  }
0x6e: {  	_ =	swait.ge @!p1 [sflag:s0], $0x100  }
0x6f: {  	s7 =	simm.s32 @!p1 $0x100;
	[sflag:s0] =	ssyncset.done @!p1 $0x0  }
0x70: {  	s1 =	simm.s32 @!p1 $0x4200;
	s3 =	simm.s32 @!p1 $0x80;
	[sflag:s0] =	ssyncadd.s32 @!p1 $0xFFFFFF00  }
0x71: {  	[tilespmem:s1], [sflag:$0x4] =	stream.indirect.gather @!p1 [hbm4b:s4+s3], $0x80, s7, s3, $0xb8;
	[tilespmem:$0x1C200] =	vst v63  }
0x72: {  	_ =	swait.ge [sflag:s24], $0x4000  }
0x73: {  	[sflag:s24] =	ssyncset.done $0x0  }
0x74: {  	[sflag:s24] =	ssyncadd.s32 $0xFFFFC000  }
0x75: {  	[spmem:s2] =	stream.indirect.scatter.add.f32 [tilespmem:s19], [sflag:$0x5], $0x80, s23, s23, $0xb8;
	[tilespmem:$0x1C200] =	vst v63  }
0x76: {  	_ =	swait.ge [sflag:s20], $0x4000  }
0x77: {  	p0 =	sge.u32 s31, s15;
	[sflag:s20] =	ssyncset.done $0x0  }
0x78: {  	s0 =	simm.s32 @!p0 $0x0;
	s1 =	simm.s32 @!p0 $0x1;
	[sflag:s20] =	ssyncadd.s32 $0xFFFFC000  }
0x79: {  	[tilespmem:s0], [sflag:$0x1] =	stream.linear.gather @!p0 [hbm4b:s30+s0], $0x100, $0x38;
	[tilespmem:$0x1C200] =	vst v63  }
0x7a: {  	_ =	swait.ge @!p0 [sflag:s1], $0x100  }
0x7b: {  	[sflag:s1] =	ssyncset.done @!p0 $0x0  }
0x7c: {  	s3 =	simm.s32 @!p0 $0x80;
	s7 =	simm.s32 @!p0 $0x200;
	[sflag:s1] =	ssyncadd.s32 @!p0 $0xFFFFFF00  }
0x7d: {  	[tilespmem:s7], [sflag:$0x3] =	stream.indirect.gather @!p0 [hbm4b:s4+s3], $0x80, s0, s3, $0xb8;
	[tilespmem:$0x1C200] =	vst v63  }
0x7e: {  	_ =	swait.ge [sflag:s25], $0x4000  }
0x7f: {  	[sflag:s25] =	ssyncset.done $0x0  }
0x80: {  	[sflag:s25] =	ssyncadd.s32 $0xFFFFC000  }
0x81: {  	[spmem:s2] =	stream.indirect.scatter.add.f32 [tilespmem:s28], [sflag:$0x5], $0x80, s26, s23, $0xb8;
	[tilespmem:$0x1C200] =	vst v63  }
0x82: {  	s9 =	sadd.s32 $0x2, s31;
	p0 =	sge.u32 s31, s16;
	_ =	swait.ge [sflag:s20], $0x4000  }
0x83: {  	s21 =	sadd.s32 $0x1, s9;
	s1 =	sadd.s32 @!p0 $0x20, s30;
	[sflag:s20] =	ssyncset.done $0x0  }
0x84: {  	s3 =	simm.s32 @!p0 $0x100;
	s7 =	simm.s32 @!p0 $0x0;
	[sflag:s20] =	ssyncadd.s32 $0xFFFFC000  }
0x85: {  	[tilespmem:s3], [sflag:$0x2] =	stream.linear.gather @!p0 [hbm4b:s1+s7], $0x100, $0x38;
	[tilespmem:$0x1C200] =	vst v63  }
0x86: {  	p0 =	sge.u32 s21, s5  }
0x87: {  	s1 =	simm.s32 @!p0 $0x2  }
0x88: {  	_ =	swait.ge @!p0 [sflag:s1], $0x100  }
0x89: {  	s3 =	simm.s32 @!p0 $0x100;
	[sflag:s1] =	ssyncset.done @!p0 $0x0  }
0x8a: {  	s7 =	simm.s32 @!p0 $0x4200;
	[sflag:s1] =	ssyncadd.s32 @!p0 $0xFFFFFF00;
	s1 =	simm.s32 @!p0 $0x80  }
0x8b: {  	[tilespmem:s7], [sflag:$0x4] =	stream.indirect.gather @!p0 [hbm4b:s4+s1], $0x80, s3, s1, $0xb8;
	[tilespmem:$0x1C200] =	vst v63  }
0x8c: {  	_ =	swait.ge [sflag:s24], $0x4000  }
0x8d: {  	[sflag:s24] =	ssyncset.done $0x0  }
0x8e: {  	[sflag:s24] =	ssyncadd.s32 $0xFFFFC000  }
0x8f: {  	[spmem:s2] =	stream.indirect.scatter.add.f32 [tilespmem:s19], [sflag:$0x5], $0x80, s23, s23, $0xb8;
	[tilespmem:$0x1C200] =	vst v63  }
0x90: {  	_ =	swait.ge [sflag:s20], $0x4000  }
0x91: {  	p0 =	sge.u32 s9, s15;
	s1 =	sadd.s32 $0x40, s30;
	[sflag:s20] =	ssyncset.done $0x0  }
0x92: {  	s3 =	simm.s32 @!p0 $0x0;
	s7 =	simm.s32 @!p0 $0x1;
	[sflag:s20] =	ssyncadd.s32 $0xFFFFC000  }
0x93: {  	[tilespmem:s3], [sflag:$0x1] =	stream.linear.gather @!p0 [hbm4b:s1+s3], $0x100, $0x38;
	[tilespmem:$0x1C200] =	vst v63  }
0x94: {  	_ =	swait.ge @!p0 [sflag:s7], $0x100  }
0x95: {  	[sflag:s7] =	ssyncset.done @!p0 $0x0  }
0x96: {  	s8 =	simm.s32 @!p0 $0x200;
	[sflag:s7] =	ssyncadd.s32 @!p0 $0xFFFFFF00;
	s7 =	simm.s32 @!p0 $0x80  }
0x97: {  	[tilespmem:s8], [sflag:$0x3] =	stream.indirect.gather @!p0 [hbm4b:s4+s7], $0x80, s3, s7, $0xb8;
	[tilespmem:$0x1C200] =	vst v63  }
0x98: {  	_ =	swait.ge [sflag:s25], $0x4000  }
0x99: {  	[sflag:s25] =	ssyncset.done $0x0  }
0x9a: {  	[sflag:s25] =	ssyncadd.s32 $0xFFFFC000  }
0x9b: {  	[spmem:s2] =	stream.indirect.scatter.add.f32 [tilespmem:s28], [sflag:$0x5], $0x80, s26, s23, $0xb8;
	[tilespmem:$0x1C200] =	vst v63  }
0x9c: {  	p0 =	sge.u32 s9, s16;
	_ =	swait.ge [sflag:s20], $0x4000  }
0x9d: {  	s30 =	stileid.u32;
	s0 =	sadd.s32 @!p0 $0x20, s1;
	[sflag:s20] =	ssyncset.done $0x0  }
0x9e: {  	s1 =	simm.s32 @!p0 $0x0;
	s3 =	simm.s32 @!p0 $0x100;
	[sflag:s20] =	ssyncadd.s32 $0xFFFFC000  }
0x9f: {  	[tilespmem:s3], [sflag:$0x2] =	stream.linear.gather @!p0 [hbm4b:s0+s1], $0x100, $0x38;
	[tilespmem:$0x1C200] =	vst v63  }
0xa0: {  	s29 =	sadd.s32 $0x1, s29;
	s31 =	sshrl.u32 s6, $0x3;
	s0 =	sshll.u32 s30, $0x6  }
0xa1: {  	p0 =	sne.s32 s29, s14;
	[bflag:$0x0] =	sbarrier.arrive $0xFFFF;
	s0 =	sor.u32 $0x1C05, s0  }
0xa2: {  	[hbm:s13], [sflag:s0] =	dma.local [spmem:s31], $0x2800  }
.Ltmp4:
0xa3: {  	_ = 	snop;
	(pc) =	sbr.rel @p0 .LBB2_1-.Ltmp4, $4  }
.Ltmp5:
0xa4: {  	_ = 	snop;
	(pc) =	sbr.rel @!p0 .LBB2_8-.Ltmp5, $4  }
0xa5: {  	_ =	swait.ge [sflag:s20], $0x2800  }
0xa6: {  	[sflag:s20] =	ssyncset.done $0x0  }
0xa7: {  	[sflag:s20] =	ssyncadd.s32 $0xFFFFD800  }
0xa8: {  	_ = 	snop  }
.LBB2_4:
.Ltmp6:
0xa9: {  	(pc) =	sbr.rel .LBB2_7-.Ltmp6, $2  }
0xaa: {  	_ =	sdelay $0x2  }
0xab: {  	s30 =	smov.u32 s18  }
.LBB2_8:
0xac: {  	_ =	sfence.sel $0x180000  }
0xad: {  	[bflag:$0x0] =	sbarrier.arrive $0xFFFF  }
0xae: {  	_ =	strace $0x9000004A  }
0xaf: {  	s0 =	stileid.u32;
	[bflag:$0x2] =	sbarrier.arrive $0xFFFF  }
0xb0: {  	p0 =	sne.s32 s0, $0x0;
	s0 =	rddreg [dreg:$0x2]  }
0xb1: {  	s0 =	sadd.s32 @!p0 $0x100000, s0  }
0xb2: {  	[sflag:s0] =	ssyncadd.tile.s32 @!p0 $0x1;
	_ =	shalt  }
.Lfunc_end2:
_tile_overlayer_lowered:
.L_overlay_start_2:
0xb3: {  	(tag) =	ssettag $0x2  }
0xb4: {  	s0 =	rddreg [dreg:$0x0];
	s2 =	stileid.u32  }
0xb5: {  	s1 =	rddreg [dreg:$0x1];
	p0 =	sne.s32 s2, $0x0  }
0xb6: {  	s3 =	rddreg [dreg:$0x2];
	[bflag:$0x3] =	sbarrier.arrive $0xFFFF;
	s2 =	simm.s32 @!p0 $0x1C05  }
0xb7: {  	[timem:s3], [sflag:s2] =	dma.local @!p0 [hbm:s0], s1  }
0xb8: {  	s0 =	simm.s32 @!p0 $0x5  }
0xb9: {  	_ =	swait.ge @!p0 [sflag:s0], s1  }
0xba: {  	s1 =	ssub.s32 @!p0 $0x0, s1;
	[sflag:s0] =	ssyncset.done @!p0 $0x0  }
0xbb: {  	[sflag:s0] =	ssyncadd.s32 @!p0 s1  }
0xbc: {  	[bflag:$0x3] =	sbarrier.arrive $0xFFFF  }
0xbd: {  	_ =	shalt  }

// kernel: kernel.15.cloned.1.call-start
scs
__scs_entry_jumppad:
0x0: {  	(pc) =	sbr.rel $0x88, $3  }
0x1: {  	(tag) =	ssettag $0x0;
	lr =	simm.s32 $0x1  }
0x2: {  	[smem:$0x3F99] =	sst lr;
	_ =	strace $0xD0000000  }
0x3: {  	_ = 	snop  }
0x4: {  	_ = 	snop  }
0x5: {  	_ = 	snop  }
0x6: {  	_ = 	snop  }
0x7: {  	_ = 	snop  }
__scs_overlays_trampoline_lowered:
0x8: {  	[smem:$0x3FA8] =	sst s0  }
0x9: {  	[smem:$0x3FA9] =	sst s1  }
0xa: {  	[smem:$0x3FAA] =	sst s2  }
0xb: {  	[smem:$0x3FAB] =	sst s3  }
0xc: {  	[smem:$0x3FAC] =	sst s4  }
0xd: {  	[smem:$0x3FAD] =	sst s5  }
0xe: {  	[smem:$0x3FAE] =	sst s6  }
0xf: {  	[smem:$0x3FAF] =	sst s7  }
0x10: {  	[smem:$0x3FB0] =	sst s8  }
0x11: {  	[smem:$0x3FB1] =	sst s9;
	s0 =	simm.s32 @!p0 $0x0  }
0x12: {  	s1 =	sld [smem:$0x3F97];
	s0 =	simm.s32 @p0 $0x1  }
0x13: {  	[smem:$0x3FB2] =	sst s0;
	s0 =	simm.s32 @!p1 $0x0  }
0x14: {  	s2 =	sld [smem:$0x3F96];
	s0 =	simm.s32 @p1 $0x1  }
0x15: {  	[smem:$0x3FB3] =	sst s0;
	s0 =	simm.s32 @!p2 $0x0  }
0x16: {  	s3 =	sld [smem:$0x3FDB];
	s0 =	simm.s32 @p2 $0x1  }
0x17: {  	s4 =	simm.s32 $0x1BF5;
	[smem:$0x3FB5] =	sst s0  }
0x18: {  	s0 =	sld [smem:$0x3F98];
	_ =	swait.ge [sflag:s4], $0x0  }
0x19: {  	s7 =	sld [smem:$0x3F99]  }
0x1a: {  	s8 =	sadd.s32 $0xFFFFE003, lr  }
0x1b: {  	s9 =	sadd.s32 $0xFFFFFEF7, lr;
	s5 =	simm.s32 $0xFFFFFFFF;
	p2 =	slt.u32 s8, $0xFFFFF086  }
0x1c: {  	p1 =	slt.u32 s9, $0xF7A;
	s5 =	simm.s32 @!p2 $0x0  }
0x1d: {  	s5 =	simm.s32 @p1 $0x1;
	p0 =	seq.s32 s7, s2  }
0x1e: {  	s7 =	smul.u32 @!p0 $0xF7A, s2;
	p2 =	seq.s32 @!p0 s5, $0x0  }
0x1f: {  	s9 =	smul.u32 $0xF7A, s1;
	s8 =	simm.s32 @!p0 $0x1BF5;
	p2 =	por !p2, p0  }
0x20: {  	[sflag:s8] =	ssyncset.s32 @!p0 $0xFFFFF086;
	s6 =	sadd.s32 @!p0 s3, s7;
	s7 =	simm.s32 @!p0 $0x108  }
0x21: {  	s3 =	sadd.s32 s3, s9;
	s6 =	sadd.s32 @!p0 $0x88, s6;
	s7 =	simm.s32 @p2 $0x1082  }
0x22: {  	[simem:s7], [sflag:s8] =	dma.local @!p0 [hbm:s6], $0xF7A  }
0x23: {  	s9 =	sor.u32 $0xD0000000, s2;
	s6 =	simm.s32 $0x108;
	_ =	swait.ge @!p0 [sflag:s8], $0x0  }
0x24: {  	s3 =	sadd.s32 $0x88, s3;
	s6 =	simm.s32 @!p1 $0x1082;
	[sflag:s4] =	ssyncset.s32 $0xFFFFF086  }
0x25: {  	[simem:s6], [sflag:s4] =	dma.local [hbm:s3], $0xF7A  }
0x26: {  	[smem:$0x3F99] =	sst s1;
	(tag) =	ssettag s2;
	_ =	strace s9  }
0x27: {  	s1 =	sld [smem:$0x3FA9]  }
0x28: {  	s2 =	sld [smem:$0x3FAA]  }
0x29: {  	s4 =	sld [smem:$0x3FAC]  }
0x2a: {  	p0 =	seq.s32 s5, $0x0;
	s5 =	sld [smem:$0x3FAD]  }
0x2b: {  	s6 =	sld [smem:$0x3FAE]  }
0x2c: {  	s7 =	sld [smem:$0x3FAF]  }
0x2d: {  	s3 =	simm.s32 $0x108;
	s8 =	sld [smem:$0x3FB0]  }
0x2e: {  	s3 =	simm.s32 @!p0 $0x1082;
	s9 =	sld [smem:$0x3FB1]  }
0x2f: {  	lr =	sadd.s32 s0, s3;
	s0 =	sld [smem:$0x3FA8]  }
0x30: {  	s3 =	sld [smem:$0x3FAB]  }
0x31: {  	[smem:$0x3FB4] =	sst s10  }
0x32: {  	s10 =	sld [smem:$0x3FB2];
	_ =	sdelay $0x3  }
0x33: {  	p0 =	seq.s32 s10, $0x1;
	s10 =	sld [smem:$0x3FB4];
	_ =	sdelay $0x3  }
0x34: {  	[smem:$0x3FB4] =	sst s10  }
0x35: {  	s10 =	sld [smem:$0x3FB3];
	_ =	sdelay $0x3  }
0x36: {  	p1 =	seq.s32 s10, $0x1;
	s10 =	sld [smem:$0x3FB4];
	_ =	sdelay $0x3  }
0x37: {  	[smem:$0x3FB4] =	sst s10  }
0x38: {  	s10 =	sld [smem:$0x3FB5]  }
0x39: {  	_ = 	snop;
	(pc) =	sbr.ind lr, $3  }
0x3a: {  	_ = 	snop  }
0x3b: {  	_ = 	snop  }
0x3c: {  	p2 =	seq.s32 s10, $0x1;
	s10 =	sld [smem:$0x3FB4]  }
0x3d: {  	_ =	shalt  }
0x3e: {  	_ =	shalt  }
0x3f: {  	_ =	shalt  }
0x40: {  	_ =	shalt  }
0x41: {  	_ =	shalt  }
0x42: {  	_ =	shalt  }
0x43: {  	_ =	shalt  }
0x44: {  	_ =	shalt  }
0x45: {  	_ =	shalt  }
0x46: {  	_ =	shalt  }
0x47: {  	_ =	shalt  }
0x48: {  	_ =	shalt  }
0x49: {  	_ =	shalt  }
0x4a: {  	_ =	shalt  }
0x4b: {  	_ =	shalt  }
0x4c: {  	_ =	shalt  }
0x4d: {  	_ =	shalt  }
0x4e: {  	_ =	shalt  }
0x4f: {  	_ =	shalt  }
0x50: {  	_ =	shalt  }
0x51: {  	_ =	shalt  }
0x52: {  	_ =	shalt  }
0x53: {  	_ =	shalt  }
0x54: {  	_ =	shalt  }
0x55: {  	_ =	shalt  }
0x56: {  	_ =	shalt  }
0x57: {  	_ =	shalt  }
0x58: {  	_ =	shalt  }
0x59: {  	_ =	shalt  }
0x5a: {  	_ =	shalt  }
0x5b: {  	_ =	shalt  }
0x5c: {  	_ =	shalt  }
0x5d: {  	_ =	shalt  }
0x5e: {  	_ =	shalt  }
0x5f: {  	_ =	shalt  }
0x60: {  	_ =	shalt  }
0x61: {  	_ =	shalt  }
0x62: {  	_ =	shalt  }
0x63: {  	_ =	shalt  }
0x64: {  	_ =	shalt  }
0x65: {  	_ =	shalt  }
0x66: {  	_ =	shalt  }
0x67: {  	_ =	shalt  }
0x68: {  	_ =	shalt  }
0x69: {  	_ =	shalt  }
0x6a: {  	_ =	shalt  }
0x6b: {  	_ =	shalt  }
0x6c: {  	_ =	shalt  }
0x6d: {  	_ =	shalt  }
0x6e: {  	_ =	shalt  }
0x6f: {  	_ =	shalt  }
0x70: {  	_ =	shalt  }
0x71: {  	_ =	shalt  }
0x72: {  	_ =	shalt  }
0x73: {  	_ =	shalt  }
0x74: {  	_ =	shalt  }
0x75: {  	_ =	shalt  }
0x76: {  	_ =	shalt  }
0x77: {  	_ =	shalt  }
0x78: {  	_ =	shalt  }
0x79: {  	_ =	shalt  }
0x7a: {  	_ =	shalt  }
0x7b: {  	_ =	shalt  }
0x7c: {  	_ =	shalt  }
0x7d: {  	_ =	shalt  }
0x7e: {  	_ =	shalt  }
0x7f: {  	_ =	shalt  }
0x80: {  	_ =	shalt  }
0x81: {  	_ =	shalt  }
0x82: {  	_ =	shalt  }
0x83: {  	_ =	shalt  }
0x84: {  	_ =	shalt  }
0x85: {  	_ =	shalt  }
0x86: {  	_ =	shalt  }
0x87: {  	_ =	shalt  }
.Lfunc_end0:
.L_simem_size_0:
called_computation.2_lowered:
.L_overlay_start_0:
0x88: {  	s2 =	sld [smem:$0x3FD9]  }
0x89: {  	s3 =	sld [smem:$0x3FFE];
	_ =	sdelay $0x1  }
0x8a: {  	s1 =	srdreg.scid  }
0x8b: {  	s0 =	sand.u32 $0x1, s1  }
0x8c: {  	s16 =	sshll.u32 s0, $0xA;
	s2 =	sadd.s32 s3, s2  }
0x8d: {  	s2 =	sadd.s32 s2, s16  }
0x8e: {  	[smem:$0x3FC0] =	sst s2  }
0x8f: {  	_ = 	snop  }
0x90: {  	(tm) =	ssettm $0x1  }
0x91: {  	s17 =	sld [smem:$0x3FFB];
	_ =	sdelay $0x3  }
0x92: {  	_ =	strace s17  }
0x93: {  	s2 =	sld [smem:$0x3FFC];
	_ =	sdelay $0x3  }
0x94: {  	_ =	strace s2  }
0x95: {  	s2 =	sld [smem:$0x3FFD];
	_ =	sdelay $0x3  }
0x96: {  	_ =	strace s2  }
0x97: {  	_ =	strace $0x8FFFFFFF  }
0x98: {  	s18 =	sld [smem:$0x3FDB];
	_ =	sdelay $0x1  }
0x99: {  	s19 =	simm.s32 $_scs_section_size  }
0x9a: {  	s4 =	simm.s32 $_size__tile_overlayer_lowered;
	s5 =	simm.s32 $_tile_overlayer_lowered  }
0x9b: {  	s22 =	simm.s32 $0x1BFF;
	s21 =	sshll.u32 s5, $0x1;
	s2 =	sadd.s32 s19, s18  }
0x9c: {  	s6 =	simm.s32 $0x0;
	s20 =	sshll.u32 s4, $0x1;
	s4 =	sadd.s32 s21, s2  }
0x9d: {  	[timem:s6], [sflag:s22] =	dma.local [hbm:s4], s20  }
0x9e: {  	_ =	swait.ge [sflag:s22], s20  }
0x9f: {  	s3 =	ssub.s32 $0x0, s20;
	[sflag:s22] =	ssyncset.done $0x0  }
0xa0: {  	[sflag:s22] =	ssyncadd.s32 s3;
	_ =	sdelay $0x1  }
0xa1: {  	s23 =	simm.s32 $0x1B8B  }
0xa2: {  	_ =	swait.ge [sflag:s23], $0x1  }
0xa3: {  	[sflag:s23] =	ssyncset.done $0x0  }
0xa4: {  	s25 =	simm.s32 $0x1B8E;
	s24 =	sld [smem:$0x3FFE];
	[sflag:s23] =	ssyncadd.s32 $0xFFFFFFFF  }
0xa5: {  	s26 =	simm.s32 $execute0_lowered;
	[smem:$0x3FD2] =	sst s25  }
0xa6: {  	s4 =	sshll.u32 s26, $0x1;
	_ =	strace $0x8000004C;
	[dreg:$0x1] =	wrdreg $0xFFFFFFFF  }
0xa7: {  	s28 =	simm.s32 $_size_execute0_lowered;
	s2 =	sadd.s32 s2, s4;
	[dreg:$0x0] =	wrdreg $0x0  }
0xa8: {  	s4 =	sshll.u32 s28, $0x1;
	[dreg:$0x2] =	wrdreg s2  }
0xa9: {  	[dreg:$0x3] =	wrdreg s4  }
0xaa: {  	[dreg:$0x4] =	wrdreg $0xC0  }
0xab: {  	_ =	task [dreg:s6], $0x5FFFF  }
0xac: {  	[dreg:$0x1] =	wrdreg $0xFFFFFFFF  }
0xad: {  	[dreg:$0x0] =	wrdreg $0x60  }
0xae: {  	[dreg:$0x2] =	wrdreg s24  }
0xaf: {  	[dreg:$0x3] =	wrdreg $0x82000  }
0xb0: {  	[dreg:$0x4] =	wrdreg $0x9  }
0xb1: {  	_ =	task.clear_ibuf [dreg:s6], $0x5FFFF;
	_ =	strace $0x9000004C  }
0xb2: {  	s29 =	simm.s32 $0x9;
	_ =	strace $0x8000004E  }
0xb3: {  	_ =	swait.ge [sflag:s29], $0x1  }
0xb4: {  	[sflag:s29] =	ssyncadd.s32 $0xFFFFFFFF  }
0xb5: {  	_ =	strace $0x9000004E  }
0xb6: {  	_ =	sfence  }
0xb7: {  	s30 =	sld [smem:$0x0];
	_ =	sdelay $0x2  }
0xb8: {  	s31 =	sshll.u32 s1, $0xD;
	s1 =	sshrl.u32 s1, $0x2  }
0xb9: {  	s3 =	sand.u32 $0x4000, s31;
	s1 =	sadd.s32 s1, s30  }
0xba: {  	s0 =	sor.u32 s3, s0;
	s1 =	sshll.u32 s1, $0x11  }
0xbb: {  	s0 =	sor.u32 s1, s0  }
0xbc: {  	s0 =	sadd.s32 $0x8F2B, s0  }
0xbd: {  	[sflag:s0] =	ssyncadd.remote.s32 $0x1  }
0xbe: {  	_ =	sfence.sel $0xFFFF  }
0xbf: {  	[dreg:$0x0] =	wrdreg $0xFFFFFFFF;
	(pc) =	sbr.abs _section_cstart, $3  }
0xc0: {  	[dreg:$0x1] =	wrdreg $0xFFFFFFFF  }
0xc1: {  	_ =	task.clear_ibuf [dreg:s6], $0x2FFFF;
	_ =	strace $0x9FFFFFFF  }
0xc2: {  	(tm) =	ssettm $0x7FFFFFFF  }
0xc3: {  	_ =	shalt  }
tec
execute0_lowered:
.L_overlay_start_1:
0x0: {  	(tag) =	ssettag $0x1  }
0x1: {  	s0 =	rddreg [dreg:$0x0]  }
0x2: {  	s2 =	rddreg [dreg:$0x1];
	s1 =	stileid.u32  }
0x3: {  	s4 =	srdreg.scid;
	s3 =	simm.s32 $0x0;
	s5 =	smul.u32 $0x8C, s1  }
0x4: {  	s19 =	simm.s32 $0x200;
	s20 =	simm.s32 $0x5;
	s21 =	smul.u32 $0x14, s1  }
0x5: {  	s28 =	simm.s32 $0x4200;
	s29 =	simm.s32 $0x0;
	s9 =	smul.u32 $0x14000, s1  }
0x6: {  	s6 =	sand.u32 $0x1, s4;
	[smem:$0x7FF] =	sst s3;
	s22 =	smul.u32 $0x50000, s1  }
0x7: {  	s4 =	sadd.s32 $0x16E00, s0;
	s7 =	smul.u32 $0x140000, s6;
	p0 =	seq.s32 s6, $0x0  }
0x8: {  	_ =	strace $0x8000004D;
	s6 =	ssub.s32 $0x2, s6;
	s8 =	sadd.s32 $0x8C0, s21  }
0x9: {  	s24 =	sshrl.u32 s6, $0x1;
	s25 =	sshrl.u32 s22, $0x2;
	s22 =	simm.s32 $0x1  }
0xa: {  	s8 =	smov.u32 @p0 s5;
	s7 =	sadd.s32 s9, s7;
	s14 =	ssub.s32 s6, s24  }
0xb: {  	s6 =	sadd.s32 s25, s2;
	s24 =	simm.s32 $0x3;
	s25 =	simm.s32 $0x4  }
0xc: {  	s5 =	sshll.u32 s8, $0x5;
	s23 =	sshrl.u32 s7, $0x3;
	s26 =	sadd.s32 $0x4000, s6  }
0xd: {  	s30 =	sadd.s32 $0x8000, s6;
	s31 =	sadd.s32 $0xC000, s6;
	s10 =	sadd.s32 $0x10000, s6  }
0xe: {  	s14 =	smax.u32 s14, $0x1;
	s18 =	sadd.s32 s5, s0;
	[dreg:$0x3] =	wrdreg s26  }
0xf: {  	s0 =	sadd.s32 s23, s0;
	s5 =	simm.s32 $0x8C;
	[dreg:$0x4] =	wrdreg s30  }
0x10: {  	[dreg:$0x5] =	wrdreg s31;
	s23 =	simm.s32 $0x80;
	s26 =	simm.s32 $0x180  }
0x11: {  	s5 =	simm.s32 @!p0 $0x14;
	s11 =	sadd.s32 $0x2E00, s18;
	s12 =	sadd.s32 $0x2E20, s18  }
0x12: {  	s13 =	sadd.s32 $0x3E000, s0;
	s18 =	sadd.s32 $0x2E40, s18;
	s17 =	sshrl.u32 s5, $0x1  }
0x13: {  	v0 =	vimm.f32 $0.0e+00;
	s15 =	sadd.s32 $0xFFFFFFFE, s5;
	s16 =	sadd.s32 $0xFFFFFFFD, s5;
	s17 =	sadd.s32 $0xFFFFFFFF, s17  }
.LBB2_1:
0x14: {  	s1 =	simm.s32 $0x0  }
0x15: {  	s0 =	sand.u32 $0xFE00, s1  }
0x16: {  	s21 =	sand.u32 $0x70, s1;
	s30 =	sshrl.u32 s0, $0x2  }
0x17: {  	s0 =	simm.s32 $0x40;
	s30 =	sor.u32 s21, s30;
	s21 =	simm.s32 $0x0  }
.LBB2_2:
0x18: {  	p0 =	sne.s32 s0, $0xFFC0  }
0x19: {  	[tilespmem:s30+$0x200] =	vst v0;
	s21 =	sadd.s32 $0x10, s21;
	s30 =	smov.u32 s0;
	s0 =	sadd.s32 $0x40, s0  }
.Ltmp0:
0x1a: {  	(pc) =	sbr.rel @p0 .LBB2_2-.Ltmp0, $4  }
0x1b: {  	_ = 	snop  }
0x1c: {  	s30 =	sand.u32 $0xFE00, s30  }
0x1d: {  	s31 =	sand.u32 $0x70, s21;
	s30 =	sshrl.u32 s30, $0x2  }
0x1e: {  	s30 =	sor.u32 s31, s30  }
0x1f: {  	[tilespmem:s30+$0x200] =	vst v0  }
0x20: {  	[spmem:s6] =	stream.linear.scatter [tilespmem:s19], [sflag:$0x5], $0x4000, $0x38;
	[tilespmem:$0x1C200] =	vst v63  }
0x21: {  	_ =	swait.ge [sflag:s20], $0x4000  }
0x22: {  	[sflag:s20] =	ssyncset.done $0x0  }
0x23: {  	s0 =	rddreg [dreg:$0x3];
	[sflag:s20] =	ssyncadd.s32 $0xFFFFC000  }
0x24: {  	[spmem:s0] =	stream.linear.scatter [tilespmem:s19], [sflag:$0x5], $0x4000, $0x38;
	[tilespmem:$0x1C200] =	vst v63  }
0x25: {  	_ =	swait.ge [sflag:s20], $0x4000  }
0x26: {  	[sflag:s20] =	ssyncset.done $0x0  }
0x27: {  	s9 =	rddreg [dreg:$0x4];
	[sflag:s20] =	ssyncadd.s32 $0xFFFFC000  }
0x28: {  	[spmem:s9] =	stream.linear.scatter [tilespmem:s19], [sflag:$0x5], $0x4000, $0x38;
	[tilespmem:$0x1C200] =	vst v63  }
0x29: {  	_ =	swait.ge [sflag:s20], $0x4000  }
0x2a: {  	[sflag:s20] =	ssyncset.done $0x0  }
0x2b: {  	s21 =	rddreg [dreg:$0x5];
	[sflag:s20] =	ssyncadd.s32 $0xFFFFC000  }
0x2c: {  	[spmem:s21] =	stream.linear.scatter [tilespmem:s19], [sflag:$0x5], $0x4000, $0x38;
	[tilespmem:$0x1C200] =	vst v63  }
0x2d: {  	_ =	swait.ge [sflag:s20], $0x4000  }
0x2e: {  	[sflag:s20] =	ssyncset.done $0x0  }
0x2f: {  	[sflag:s20] =	ssyncadd.s32 $0xFFFFC000  }
0x30: {  	[spmem:s10] =	stream.linear.scatter [tilespmem:s19], [sflag:$0x5], $0x4000, $0x38;
	[tilespmem:$0x1C200] =	vst v63  }
0x31: {  	_ =	swait.ge [sflag:s20], $0x4000  }
0x32: {  	[sflag:s20] =	ssyncset.done $0x0  }
0x33: {  	[sflag:s20] =	ssyncadd.s32 $0xFFFFC000  }
0x34: {  	s31 =	simm.s32 $0x0;
	s0 =	sadd.s32 $0xFFFFFFFF, s17;
	[bflag:$0x0] =	sbarrier.arrive $0xFFFF  }
0x35: {  	[tilespmem:s31], [sflag:$0x1] =	stream.linear.gather [hbm4b:s11+s31], $0x100, $0x38;
	[tilespmem:$0x1C200] =	vst v63  }
0x36: {  	s30 =	simm.s32 $0x100;
	p2 =	sne.s32 s0, $0x0  }
0x37: {  	[tilespmem:s30], [sflag:$0x2] =	stream.linear.gather [hbm4b:s12+s31], $0x100, $0x38;
	[tilespmem:$0x1C200] =	vst v63  }
.Ltmp1:
0x38: {  	_ = 	snop;
	(pc) =	sbr.rel @!p2 .LBB2_4-.Ltmp1, $4  }
0x39: {  	_ =	swait.ge [sflag:s22], $0x100  }
0x3a: {  	[sflag:s22] =	ssyncset.done $0x0  }
0x3b: {  	p1 =	sle.u32 s5, $0x1;
	p0 =	por $0x0, $0x0;
	[sflag:s22] =	ssyncadd.s32 $0xFFFFFF00  }
0x3c: {  	[tilespmem:s19], [sflag:$0x3] =	stream.indirect.gather [hbm4b:s4+s23], $0x80, s31, s23, $0xb8;
	[tilespmem:$0x1C200] =	vst v63  }
0x3d: {  	s21 =	simm.s32 @!p1 $0x2  }
0x3e: {  	_ =	swait.ge @!p1 [sflag:s21], $0x100  }
0x3f: {  	s30 =	simm.s32 @!p1 $0x4200;
	[sflag:s21] =	ssyncset.done @!p1 $0x0  }
0x40: {  	s31 =	simm.s32 @!p1 $0x80;
	s1 =	simm.s32 @!p1 $0x100;
	[sflag:s21] =	ssyncadd.s32 @!p1 $0xFFFFFF00  }
0x41: {  	[tilespmem:s30], [sflag:$0x4] =	stream.indirect.gather @!p1 [hbm4b:s4+s31], $0x80, s1, s31, $0xb8;
	[tilespmem:$0x1C200] =	vst v63  }
0x42: {  	_ =	swait.ge [sflag:s24], $0x4000  }
0x43: {  	[sflag:s24] =	ssyncset.done $0x0  }
0x44: {  	[sflag:s24] =	ssyncadd.s32 $0xFFFFC000  }
0x45: {  	[spmem:s2] =	stream.indirect.scatter.add.f32 [tilespmem:s19], [sflag:$0x5], $0x80, s23, s23, $0xb8;
	[tilespmem:$0x1C200] =	vst v63  }
0x46: {  	_ =	swait.ge [sflag:s20], $0x4000  }
0x47: {  	p0 =	sle.u32 s15, $0x0;
	[sflag:s20] =	ssyncset.done $0x0  }
0x48: {  	s21 =	simm.s32 @!p0 $0x1;
	s1 =	simm.s32 @!p0 $0x0;
	[sflag:s20] =	ssyncadd.s32 $0xFFFFC000  }
0x49: {  	[tilespmem:s1], [sflag:$0x1] =	stream.linear.gather @!p0 [hbm4b:s18+s1], $0x100, $0x38;
	[tilespmem:$0x1C200] =	vst v63  }
0x4a: {  	s0 =	sadd.s32 $0xFFFFFFFF, s0;
	_ =	swait.ge @!p0 [sflag:s21], $0x100  }
0x4b: {  	p2 =	sne.s32 s0, $0x0;
	[sflag:s21] =	ssyncset.done @!p0 $0x0  }
0x4c: {  	s30 =	simm.s32 @!p0 $0x80;
	s31 =	simm.s32 @!p0 $0x200;
	[sflag:s21] =	ssyncadd.s32 @!p0 $0xFFFFFF00  }
0x4d: {  	[tilespmem:s31], [sflag:$0x3] =	stream.indirect.gather @!p0 [hbm4b:s4+s30], $0x80, s1, s30, $0xb8;
	[tilespmem:$0x1C200] =	vst v63  }
.Ltmp2:
0x4e: {  	_ =	swait.ge [sflag:s25], $0x4000;
	(pc) =	sbr.rel @!p2 .LBB2_7-.Ltmp2, $4  }
0x4f: {  	p3 =	sle.u32 s16, $0x0;
	p1 =	sle.u32 s5, $0x3;
	[sflag:s25] =	ssyncset.done $0x0  }
0x50: {  	s21 =	sadd.s32 @!p3 $0x20, s18;
	s31 =	simm.s32 $0x2;
	[sflag:s25] =	ssyncadd.s32 $0xFFFFC000  }
0x51: {  	[spmem:s2] =	stream.indirect.scatter.add.f32 [tilespmem:s28], [sflag:$0x5], $0x80, s26, s23, $0xb8;
	[tilespmem:$0x1C200] =	vst v63  }
0x52: {  	s30 =	sadd.s32 $0x40, s18;
	p0 =	por $0x1, $0x1;
	_ =	swait.ge [sflag:s20], $0x4000  }
.LBB2_6:
0x53: {  	s1 =	simm.s32 @!p1 $0x2;
	[sflag:s20] =	ssyncset.done $0x0;
	s3 =	simm.s32 @!p3 $0x100  }
0x54: {  	s0 =	sadd.s32 $0xFFFFFFFF, s0;
	s7 =	simm.s32 @!p3 $0x0;
	[sflag:s20] =	ssyncadd.s32 $0xFFFFC000  }
0x55: {  	[tilespmem:s3], [sflag:$0x2] =	stream.linear.gather @!p3 [hbm4b:s21+s7], $0x100, $0x38;
	[tilespmem:$0x1C200] =	vst v63  }
0x56: {  	p2 =	sne.s32 s0, $0x0;
	s3 =	simm.s32 @!p1 $0x4200;
	_ =	swait.ge @!p1 [sflag:s1], $0x100  }
0x57: {  	s7 =	simm.s32 @!p1 $0x80;
	s21 =	simm.s32 @!p1 $0x100;
	[sflag:s1] =	ssyncset.done @!p1 $0x0  }
0x58: {  	s8 =	smov.u32 s30;
	[sflag:s1] =	ssyncadd.s32 @!p1 $0xFFFFFF00;
	s1 =	smov.u32 s31  }
0x59: {  	[tilespmem:s3], [sflag:$0x4] =	stream.indirect.gather @!p1 [hbm4b:s4+s7], $0x80, s21, s7, $0xb8;
	[tilespmem:$0x1C200] =	vst v63  }
0x5a: {  	_ =	swait.ge [sflag:s24], $0x4000  }
0x5b: {  	[sflag:s24] =	ssyncset.done $0x0  }
0x5c: {  	[sflag:s24] =	ssyncadd.s32 $0xFFFFC000  }
0x5d: {  	[spmem:s2] =	stream.indirect.scatter.add.f32 [tilespmem:s19], [sflag:$0x5], $0x80, s23, s23, $0xb8;
	[tilespmem:$0x1C200] =	vst v63  }
0x5e: {  	p1 =	sge.u32 s31, s15;
	_ =	swait.ge [sflag:s20], $0x4000  }
0x5f: {  	s3 =	simm.s32 @!p1 $0x0;
	s7 =	simm.s32 @!p1 $0x1;
	[sflag:s20] =	ssyncset.done $0x0  }
0x60: {  	[sflag:s20] =	ssyncadd.s32 $0xFFFFC000  }
0x61: {  	[tilespmem:s3], [sflag:$0x1] =	stream.linear.gather @!p1 [hbm4b:s30+s3], $0x100, $0x38;
	[tilespmem:$0x1C200] =	vst v63  }
0x62: {  	_ =	swait.ge @!p1 [sflag:s7], $0x100  }
0x63: {  	s21 =	simm.s32 @!p1 $0x80;
	s9 =	simm.s32 @!p1 $0x200;
	[sflag:s7] =	ssyncset.done @!p1 $0x0  }
0x64: {  	[sflag:s7] =	ssyncadd.s32 @!p1 $0xFFFFFF00  }
0x65: {  	[tilespmem:s9], [sflag:$0x3] =	stream.indirect.gather @!p1 [hbm4b:s4+s21], $0x80, s3, s21, $0xb8;
	[tilespmem:$0x1C200] =	vst v63  }
.Ltmp3:
0x66: {  	_ =	swait.ge [sflag:s25], $0x4000;
	(pc) =	sbr.rel @p2 .LBB2_6-.Ltmp3, $4  }
0x67: {  	s31 =	sadd.s32 $0x2, s31;
	s30 =	sadd.s32 $0x40, s30;
	[sflag:s25] =	ssyncset.done $0x0  }
0x68: {  	p3 =	sge.u32 s1, s16;
	s3 =	sadd.s32 $0x1, s31;
	[sflag:s25] =	ssyncadd.s32 $0xFFFFC000  }
0x69: {  	[spmem:s2] =	stream.indirect.scatter.add.f32 [tilespmem:s28], [sflag:$0x5], $0x80, s26, s23, $0xb8;
	[tilespmem:$0x1C200] =	vst v63  }
0x6a: {  	s21 =	sadd.s32 @!p3 $0x20, s8;
	p1 =	sge.u32 s3, s5;
	_ =	swait.ge [sflag:s20], $0x4000  }
.LBB2_7:
0x6b: {  	s0 =	simm.s32 @!p1 $0x2;
	[sflag:s20] =	ssyncset.done @p0 $0x0;
	p2 =	por p3, !p0  }
0x6c: {  	s1 =	simm.s32 @!p2 $0x100;
	[sflag:s20] =	ssyncadd.s32 @p0 $0xFFFFC000;
	s3 =	simm.s32 @!p2 $0x0  }
0x6d: {  	[tilespmem:s1], [sflag:$0x2] =	stream.linear.gather @!p2 [hbm4b:s21+s3], $0x100, $0x38;
	[tilespmem:$0x1C200] =	vst v63  }
0x6e: {  	_ =	swait.ge @!p1 [sflag:s0], $0x100  }
0x6f: {  	s7 =	simm.s32 @!p1 $0x100;
	[sflag:s0] =	ssyncset.done @!p1 $0x0  }
0x70: {  	s1 =	simm.s32 @!p1 $0x4200;
	s3 =	simm.s32 @!p1 $0x80;
	[sflag:s0] =	ssyncadd.s32 @!p1 $0xFFFFFF00  }
0x71: {  	[tilespmem:s1], [sflag:$0x4] =	stream.indirect.gather @!p1 [hbm4b:s4+s3], $0x80, s7, s3, $0xb8;
	[tilespmem:$0x1C200] =	vst v63  }
0x72: {  	_ =	swait.ge [sflag:s24], $0x4000  }
0x73: {  	[sflag:s24] =	ssyncset.done $0x0  }
0x74: {  	[sflag:s24] =	ssyncadd.s32 $0xFFFFC000  }
0x75: {  	[spmem:s2] =	stream.indirect.scatter.add.f32 [tilespmem:s19], [sflag:$0x5], $0x80, s23, s23, $0xb8;
	[tilespmem:$0x1C200] =	vst v63  }
0x76: {  	_ =	swait.ge [sflag:s20], $0x4000  }
0x77: {  	p0 =	sge.u32 s31, s15;
	[sflag:s20] =	ssyncset.done $0x0  }
0x78: {  	s0 =	simm.s32 @!p0 $0x0;
	s1 =	simm.s32 @!p0 $0x1;
	[sflag:s20] =	ssyncadd.s32 $0xFFFFC000  }
0x79: {  	[tilespmem:s0], [sflag:$0x1] =	stream.linear.gather @!p0 [hbm4b:s30+s0], $0x100, $0x38;
	[tilespmem:$0x1C200] =	vst v63  }
0x7a: {  	_ =	swait.ge @!p0 [sflag:s1], $0x100  }
0x7b: {  	[sflag:s1] =	ssyncset.done @!p0 $0x0  }
0x7c: {  	s3 =	simm.s32 @!p0 $0x80;
	s7 =	simm.s32 @!p0 $0x200;
	[sflag:s1] =	ssyncadd.s32 @!p0 $0xFFFFFF00  }
0x7d: {  	[tilespmem:s7], [sflag:$0x3] =	stream.indirect.gather @!p0 [hbm4b:s4+s3], $0x80, s0, s3, $0xb8;
	[tilespmem:$0x1C200] =	vst v63  }
0x7e: {  	_ =	swait.ge [sflag:s25], $0x4000  }
0x7f: {  	[sflag:s25] =	ssyncset.done $0x0  }
0x80: {  	[sflag:s25] =	ssyncadd.s32 $0xFFFFC000  }
0x81: {  	[spmem:s2] =	stream.indirect.scatter.add.f32 [tilespmem:s28], [sflag:$0x5], $0x80, s26, s23, $0xb8;
	[tilespmem:$0x1C200] =	vst v63  }
0x82: {  	s9 =	sadd.s32 $0x2, s31;
	p0 =	sge.u32 s31, s16;
	_ =	swait.ge [sflag:s20], $0x4000  }
0x83: {  	s21 =	sadd.s32 $0x1, s9;
	s1 =	sadd.s32 @!p0 $0x20, s30;
	[sflag:s20] =	ssyncset.done $0x0  }
0x84: {  	s3 =	simm.s32 @!p0 $0x100;
	s7 =	simm.s32 @!p0 $0x0;
	[sflag:s20] =	ssyncadd.s32 $0xFFFFC000  }
0x85: {  	[tilespmem:s3], [sflag:$0x2] =	stream.linear.gather @!p0 [hbm4b:s1+s7], $0x100, $0x38;
	[tilespmem:$0x1C200] =	vst v63  }
0x86: {  	p0 =	sge.u32 s21, s5  }
0x87: {  	s1 =	simm.s32 @!p0 $0x2  }
0x88: {  	_ =	swait.ge @!p0 [sflag:s1], $0x100  }
0x89: {  	s3 =	simm.s32 @!p0 $0x100;
	[sflag:s1] =	ssyncset.done @!p0 $0x0  }
0x8a: {  	s7 =	simm.s32 @!p0 $0x4200;
	[sflag:s1] =	ssyncadd.s32 @!p0 $0xFFFFFF00;
	s1 =	simm.s32 @!p0 $0x80  }
0x8b: {  	[tilespmem:s7], [sflag:$0x4] =	stream.indirect.gather @!p0 [hbm4b:s4+s1], $0x80, s3, s1, $0xb8;
	[tilespmem:$0x1C200] =	vst v63  }
0x8c: {  	_ =	swait.ge [sflag:s24], $0x4000  }
0x8d: {  	[sflag:s24] =	ssyncset.done $0x0  }
0x8e: {  	[sflag:s24] =	ssyncadd.s32 $0xFFFFC000  }
0x8f: {  	[spmem:s2] =	stream.indirect.scatter.add.f32 [tilespmem:s19], [sflag:$0x5], $0x80, s23, s23, $0xb8;
	[tilespmem:$0x1C200] =	vst v63  }
0x90: {  	_ =	swait.ge [sflag:s20], $0x4000  }
0x91: {  	p0 =	sge.u32 s9, s15;
	s1 =	sadd.s32 $0x40, s30;
	[sflag:s20] =	ssyncset.done $0x0  }
0x92: {  	s3 =	simm.s32 @!p0 $0x0;
	s7 =	simm.s32 @!p0 $0x1;
	[sflag:s20] =	ssyncadd.s32 $0xFFFFC000  }
0x93: {  	[tilespmem:s3], [sflag:$0x1] =	stream.linear.gather @!p0 [hbm4b:s1+s3], $0x100, $0x38;
	[tilespmem:$0x1C200] =	vst v63  }
0x94: {  	_ =	swait.ge @!p0 [sflag:s7], $0x100  }
0x95: {  	[sflag:s7] =	ssyncset.done @!p0 $0x0  }
0x96: {  	s8 =	simm.s32 @!p0 $0x200;
	[sflag:s7] =	ssyncadd.s32 @!p0 $0xFFFFFF00;
	s7 =	simm.s32 @!p0 $0x80  }
0x97: {  	[tilespmem:s8], [sflag:$0x3] =	stream.indirect.gather @!p0 [hbm4b:s4+s7], $0x80, s3, s7, $0xb8;
	[tilespmem:$0x1C200] =	vst v63  }
0x98: {  	_ =	swait.ge [sflag:s25], $0x4000  }
0x99: {  	[sflag:s25] =	ssyncset.done $0x0  }
0x9a: {  	[sflag:s25] =	ssyncadd.s32 $0xFFFFC000  }
0x9b: {  	[spmem:s2] =	stream.indirect.scatter.add.f32 [tilespmem:s28], [sflag:$0x5], $0x80, s26, s23, $0xb8;
	[tilespmem:$0x1C200] =	vst v63  }
0x9c: {  	p0 =	sge.u32 s9, s16;
	_ =	swait.ge [sflag:s20], $0x4000  }
0x9d: {  	s30 =	stileid.u32;
	s0 =	sadd.s32 @!p0 $0x20, s1;
	[sflag:s20] =	ssyncset.done $0x0  }
0x9e: {  	s1 =	simm.s32 @!p0 $0x0;
	s3 =	simm.s32 @!p0 $0x100;
	[sflag:s20] =	ssyncadd.s32 $0xFFFFC000  }
0x9f: {  	[tilespmem:s3], [sflag:$0x2] =	stream.linear.gather @!p0 [hbm4b:s0+s1], $0x100, $0x38;
	[tilespmem:$0x1C200] =	vst v63  }
0xa0: {  	s29 =	sadd.s32 $0x1, s29;
	s31 =	sshrl.u32 s6, $0x3;
	s0 =	sshll.u32 s30, $0x6  }
0xa1: {  	p0 =	sne.s32 s29, s14;
	[bflag:$0x0] =	sbarrier.arrive $0xFFFF;
	s0 =	sor.u32 $0x1C05, s0  }
0xa2: {  	[hbm:s13], [sflag:s0] =	dma.local [spmem:s31], $0x2800  }
.Ltmp4:
0xa3: {  	_ = 	snop;
	(pc) =	sbr.rel @p0 .LBB2_1-.Ltmp4, $4  }
.Ltmp5:
0xa4: {  	_ = 	snop;
	(pc) =	sbr.rel @!p0 .LBB2_8-.Ltmp5, $4  }
0xa5: {  	_ =	swait.ge [sflag:s20], $0x2800  }
0xa6: {  	[sflag:s20] =	ssyncset.done $0x0  }
0xa7: {  	[sflag:s20] =	ssyncadd.s32 $0xFFFFD800  }
0xa8: {  	_ = 	snop  }
.LBB2_4:
.Ltmp6:
0xa9: {  	(pc) =	sbr.rel .LBB2_7-.Ltmp6, $2  }
0xaa: {  	_ =	sdelay $0x2  }
0xab: {  	s30 =	smov.u32 s18  }
.LBB2_8:
0xac: {  	_ =	sfence.sel $0x180000  }
0xad: {  	[bflag:$0x0] =	sbarrier.arrive $0xFFFF  }
0xae: {  	_ =	strace $0x9000004D  }
0xaf: {  	s0 =	stileid.u32;
	[bflag:$0x2] =	sbarrier.arrive $0xFFFF  }
0xb0: {  	p0 =	sne.s32 s0, $0x0;
	s0 =	rddreg [dreg:$0x2]  }
0xb1: {  	s0 =	sadd.s32 @!p0 $0x100000, s0  }
0xb2: {  	[sflag:s0] =	ssyncadd.tile.s32 @!p0 $0x1;
	_ =	shalt  }
.Lfunc_end2:
_tile_overlayer_lowered:
.L_overlay_start_2:
0xb3: {  	(tag) =	ssettag $0x2  }
0xb4: {  	s0 =	rddreg [dreg:$0x0];
	s2 =	stileid.u32  }
0xb5: {  	s1 =	rddreg [dreg:$0x1];
	p0 =	sne.s32 s2, $0x0  }
0xb6: {  	s3 =	rddreg [dreg:$0x2];
	[bflag:$0x3] =	sbarrier.arrive $0xFFFF;
	s2 =	simm.s32 @!p0 $0x1C05  }
0xb7: {  	[timem:s3], [sflag:s2] =	dma.local @!p0 [hbm:s0], s1  }
0xb8: {  	s0 =	simm.s32 @!p0 $0x5  }
0xb9: {  	_ =	swait.ge @!p0 [sflag:s0], s1  }
0xba: {  	s1 =	ssub.s32 @!p0 $0x0, s1;
	[sflag:s0] =	ssyncset.done @!p0 $0x0  }
0xbb: {  	[sflag:s0] =	ssyncadd.s32 @!p0 s1  }
0xbc: {  	[bflag:$0x3] =	sbarrier.arrive $0xFFFF  }
0xbd: {  	_ =	shalt  }

// kernel: kernel.9.cloned.1.call-start
scs
__scs_entry_jumppad:
0x0: {  	(pc) =	sbr.rel $0x88, $3  }
0x1: {  	(tag) =	ssettag $0x0;
	lr =	simm.s32 $0x1  }
0x2: {  	[smem:$0x3F99] =	sst lr;
	_ =	strace $0xD0000000  }
0x3: {  	_ = 	snop  }
0x4: {  	_ = 	snop  }
0x5: {  	_ = 	snop  }
0x6: {  	_ = 	snop  }
0x7: {  	_ = 	snop  }
__scs_overlays_trampoline_lowered:
0x8: {  	[smem:$0x3FA8] =	sst s0  }
0x9: {  	[smem:$0x3FA9] =	sst s1  }
0xa: {  	[smem:$0x3FAA] =	sst s2  }
0xb: {  	[smem:$0x3FAB] =	sst s3  }
0xc: {  	[smem:$0x3FAC] =	sst s4  }
0xd: {  	[smem:$0x3FAD] =	sst s5  }
0xe: {  	[smem:$0x3FAE] =	sst s6  }
0xf: {  	[smem:$0x3FAF] =	sst s7  }
0x10: {  	[smem:$0x3FB0] =	sst s8  }
0x11: {  	[smem:$0x3FB1] =	sst s9;
	s0 =	simm.s32 @!p0 $0x0  }
0x12: {  	s1 =	sld [smem:$0x3F97];
	s0 =	simm.s32 @p0 $0x1  }
0x13: {  	[smem:$0x3FB2] =	sst s0;
	s0 =	simm.s32 @!p1 $0x0  }
0x14: {  	s2 =	sld [smem:$0x3F96];
	s0 =	simm.s32 @p1 $0x1  }
0x15: {  	[smem:$0x3FB3] =	sst s0;
	s0 =	simm.s32 @!p2 $0x0  }
0x16: {  	s3 =	sld [smem:$0x3FDB];
	s0 =	simm.s32 @p2 $0x1  }
0x17: {  	s4 =	simm.s32 $0x1BF5;
	[smem:$0x3FB5] =	sst s0  }
0x18: {  	s0 =	sld [smem:$0x3F98];
	_ =	swait.ge [sflag:s4], $0x0  }
0x19: {  	s7 =	sld [smem:$0x3F99]  }
0x1a: {  	s8 =	sadd.s32 $0xFFFFE003, lr  }
0x1b: {  	s9 =	sadd.s32 $0xFFFFFEF7, lr;
	s5 =	simm.s32 $0xFFFFFFFF;
	p2 =	slt.u32 s8, $0xFFFFF086  }
0x1c: {  	p1 =	slt.u32 s9, $0xF7A;
	s5 =	simm.s32 @!p2 $0x0  }
0x1d: {  	s5 =	simm.s32 @p1 $0x1;
	p0 =	seq.s32 s7, s2  }
0x1e: {  	s7 =	smul.u32 @!p0 $0xF7A, s2;
	p2 =	seq.s32 @!p0 s5, $0x0  }
0x1f: {  	s9 =	smul.u32 $0xF7A, s1;
	s8 =	simm.s32 @!p0 $0x1BF5;
	p2 =	por !p2, p0  }
0x20: {  	[sflag:s8] =	ssyncset.s32 @!p0 $0xFFFFF086;
	s6 =	sadd.s32 @!p0 s3, s7;
	s7 =	simm.s32 @!p0 $0x108  }
0x21: {  	s3 =	sadd.s32 s3, s9;
	s6 =	sadd.s32 @!p0 $0x88, s6;
	s7 =	simm.s32 @p2 $0x1082  }
0x22: {  	[simem:s7], [sflag:s8] =	dma.local @!p0 [hbm:s6], $0xF7A  }
0x23: {  	s9 =	sor.u32 $0xD0000000, s2;
	s6 =	simm.s32 $0x108;
	_ =	swait.ge @!p0 [sflag:s8], $0x0  }
0x24: {  	s3 =	sadd.s32 $0x88, s3;
	s6 =	simm.s32 @!p1 $0x1082;
	[sflag:s4] =	ssyncset.s32 $0xFFFFF086  }
0x25: {  	[simem:s6], [sflag:s4] =	dma.local [hbm:s3], $0xF7A  }
0x26: {  	[smem:$0x3F99] =	sst s1;
	(tag) =	ssettag s2;
	_ =	strace s9  }
0x27: {  	s1 =	sld [smem:$0x3FA9]  }
0x28: {  	s2 =	sld [smem:$0x3FAA]  }
0x29: {  	s4 =	sld [smem:$0x3FAC]  }
0x2a: {  	p0 =	seq.s32 s5, $0x0;
	s5 =	sld [smem:$0x3FAD]  }
0x2b: {  	s6 =	sld [smem:$0x3FAE]  }
0x2c: {  	s7 =	sld [smem:$0x3FAF]  }
0x2d: {  	s3 =	simm.s32 $0x108;
	s8 =	sld [smem:$0x3FB0]  }
0x2e: {  	s3 =	simm.s32 @!p0 $0x1082;
	s9 =	sld [smem:$0x3FB1]  }
0x2f: {  	lr =	sadd.s32 s0, s3;
	s0 =	sld [smem:$0x3FA8]  }
0x30: {  	s3 =	sld [smem:$0x3FAB]  }
0x31: {  	[smem:$0x3FB4] =	sst s10  }
0x32: {  	s10 =	sld [smem:$0x3FB2];
	_ =	sdelay $0x3  }
0x33: {  	p0 =	seq.s32 s10, $0x1;
	s10 =	sld [smem:$0x3FB4];
	_ =	sdelay $0x3  }
0x34: {  	[smem:$0x3FB4] =	sst s10  }
0x35: {  	s10 =	sld [smem:$0x3FB3];
	_ =	sdelay $0x3  }
0x36: {  	p1 =	seq.s32 s10, $0x1;
	s10 =	sld [smem:$0x3FB4];
	_ =	sdelay $0x3  }
0x37: {  	[smem:$0x3FB4] =	sst s10  }
0x38: {  	s10 =	sld [smem:$0x3FB5]  }
0x39: {  	_ = 	snop;
	(pc) =	sbr.ind lr, $3  }
0x3a: {  	_ = 	snop  }
0x3b: {  	_ = 	snop  }
0x3c: {  	p2 =	seq.s32 s10, $0x1;
	s10 =	sld [smem:$0x3FB4]  }
0x3d: {  	_ =	shalt  }
0x3e: {  	_ =	shalt  }
0x3f: {  	_ =	shalt  }
0x40: {  	_ =	shalt  }
0x41: {  	_ =	shalt  }
0x42: {  	_ =	shalt  }
0x43: {  	_ =	shalt  }
0x44: {  	_ =	shalt  }
0x45: {  	_ =	shalt  }
0x46: {  	_ =	shalt  }
0x47: {  	_ =	shalt  }
0x48: {  	_ =	shalt  }
0x49: {  	_ =	shalt  }
0x4a: {  	_ =	shalt  }
0x4b: {  	_ =	shalt  }
0x4c: {  	_ =	shalt  }
0x4d: {  	_ =	shalt  }
0x4e: {  	_ =	shalt  }
0x4f: {  	_ =	shalt  }
0x50: {  	_ =	shalt  }
0x51: {  	_ =	shalt  }
0x52: {  	_ =	shalt  }
0x53: {  	_ =	shalt  }
0x54: {  	_ =	shalt  }
0x55: {  	_ =	shalt  }
0x56: {  	_ =	shalt  }
0x57: {  	_ =	shalt  }
0x58: {  	_ =	shalt  }
0x59: {  	_ =	shalt  }
0x5a: {  	_ =	shalt  }
0x5b: {  	_ =	shalt  }
0x5c: {  	_ =	shalt  }
0x5d: {  	_ =	shalt  }
0x5e: {  	_ =	shalt  }
0x5f: {  	_ =	shalt  }
0x60: {  	_ =	shalt  }
0x61: {  	_ =	shalt  }
0x62: {  	_ =	shalt  }
0x63: {  	_ =	shalt  }
0x64: {  	_ =	shalt  }
0x65: {  	_ =	shalt  }
0x66: {  	_ =	shalt  }
0x67: {  	_ =	shalt  }
0x68: {  	_ =	shalt  }
0x69: {  	_ =	shalt  }
0x6a: {  	_ =	shalt  }
0x6b: {  	_ =	shalt  }
0x6c: {  	_ =	shalt  }
0x6d: {  	_ =	shalt  }
0x6e: {  	_ =	shalt  }
0x6f: {  	_ =	shalt  }
0x70: {  	_ =	shalt  }
0x71: {  	_ =	shalt  }
0x72: {  	_ =	shalt  }
0x73: {  	_ =	shalt  }
0x74: {  	_ =	shalt  }
0x75: {  	_ =	shalt  }
0x76: {  	_ =	shalt  }
0x77: {  	_ =	shalt  }
0x78: {  	_ =	shalt  }
0x79: {  	_ =	shalt  }
0x7a: {  	_ =	shalt  }
0x7b: {  	_ =	shalt  }
0x7c: {  	_ =	shalt  }
0x7d: {  	_ =	shalt  }
0x7e: {  	_ =	shalt  }
0x7f: {  	_ =	shalt  }
0x80: {  	_ =	shalt  }
0x81: {  	_ =	shalt  }
0x82: {  	_ =	shalt  }
0x83: {  	_ =	shalt  }
0x84: {  	_ =	shalt  }
0x85: {  	_ =	shalt  }
0x86: {  	_ =	shalt  }
0x87: {  	_ =	shalt  }
.Lfunc_end0:
.L_simem_size_0:
called_computation_lowered:
.L_overlay_start_0:
0x88: {  	s2 =	sld [smem:$0x3FD9]  }
0x89: {  	s3 =	sld [smem:$0x3FFE];
	_ =	sdelay $0x1  }
0x8a: {  	s1 =	srdreg.scid  }
0x8b: {  	s0 =	sand.u32 $0x1, s1  }
0x8c: {  	s17 =	sshll.u32 s0, $0xA;
	s2 =	sadd.s32 s3, s2  }
0x8d: {  	s2 =	sadd.s32 s2, s17  }
0x8e: {  	[smem:$0x3FC0] =	sst s2  }
0x8f: {  	_ = 	snop  }
0x90: {  	s2 =	sld [smem:$0x3FD0];
	(tm) =	ssettm $0x1  }
0x91: {  	s18 =	sld [smem:$0x3FFB];
	_ =	sdelay $0x3  }
0x92: {  	_ =	strace s18  }
0x93: {  	s3 =	sld [smem:$0x3FFC];
	_ =	sdelay $0x3  }
0x94: {  	_ =	strace s3  }
0x95: {  	s3 =	sld [smem:$0x3FFD];
	_ =	sdelay $0x3  }
0x96: {  	_ =	strace s3  }
0x97: {  	_ =	strace $0x8FFFFFFF  }
0x98: {  	s19 =	sld [smem:$0x3FDB];
	_ =	sdelay $0x1  }
0x99: {  	s4 =	simm.s32 $_scs_section_size  }
0x9a: {  	s5 =	simm.s32 $_size__tile_overlayer_lowered;
	s6 =	simm.s32 $_tile_overlayer_lowered  }
0x9b: {  	s22 =	simm.s32 $0x1BFF;
	s21 =	sshll.u32 s6, $0x1;
	s3 =	sadd.s32 s4, s19  }
0x9c: {  	s7 =	simm.s32 $0x0;
	s20 =	sshll.u32 s5, $0x1;
	s5 =	sadd.s32 s21, s3  }
0x9d: {  	[timem:s7], [sflag:s22] =	dma.local [hbm:s5], s20  }
0x9e: {  	_ =	swait.ge [sflag:s22], s20  }
0x9f: {  	s4 =	ssub.s32 $0x0, s20;
	[sflag:s22] =	ssyncset.done $0x0  }
0xa0: {  	[sflag:s22] =	ssyncadd.s32 s4;
	_ =	sdelay $0x1  }
0xa1: {  	s23 =	simm.s32 $0x1B8B  }
0xa2: {  	_ =	swait.ge [sflag:s23], $0x1  }
0xa3: {  	[sflag:s23] =	ssyncset.done $0x0  }
0xa4: {  	s25 =	simm.s32 $0x1B8E;
	s24 =	sld [smem:$0x3FFE];
	[sflag:s23] =	ssyncadd.s32 $0xFFFFFFFF  }
0xa5: {  	s26 =	simm.s32 $execute0_lowered;
	[smem:$0x3FD2] =	sst s25  }
0xa6: {  	s5 =	sshll.u32 s26, $0x1;
	_ =	strace $0x80000046;
	[dreg:$0x1] =	wrdreg $0xFFFFFFFF  }
0xa7: {  	s28 =	simm.s32 $_size_execute0_lowered;
	s3 =	sadd.s32 s3, s5;
	[dreg:$0x0] =	wrdreg $0x0  }
0xa8: {  	s5 =	sshll.u32 s28, $0x1;
	[dreg:$0x2] =	wrdreg s3  }
0xa9: {  	[dreg:$0x3] =	wrdreg s5  }
0xaa: {  	[dreg:$0x4] =	wrdreg $0xC0  }
0xab: {  	_ =	task [dreg:s7], $0x5FFFF  }
0xac: {  	[dreg:$0x1] =	wrdreg $0xFFFFFFFF  }
0xad: {  	[dreg:$0x0] =	wrdreg $0x60  }
0xae: {  	[dreg:$0x2] =	wrdreg s2  }
0xaf: {  	[dreg:$0x3] =	wrdreg s24  }
0xb0: {  	[dreg:$0x4] =	wrdreg $0x2B000  }
0xb1: {  	[dreg:$0x5] =	wrdreg $0x9  }
0xb2: {  	_ =	task.clear_ibuf [dreg:s7], $0x6FFFF;
	_ =	strace $0x90000046  }
0xb3: {  	s29 =	simm.s32 $0x9;
	_ =	strace $0x80000048  }
0xb4: {  	_ =	swait.ge [sflag:s29], $0x1  }
0xb5: {  	[sflag:s29] =	ssyncadd.s32 $0xFFFFFFFF  }
0xb6: {  	_ =	strace $0x90000048  }
0xb7: {  	_ =	sfence  }
0xb8: {  	s30 =	sld [smem:$0x0];
	_ =	sdelay $0x2  }
0xb9: {  	s31 =	sshll.u32 s1, $0xD;
	s1 =	sshrl.u32 s1, $0x2  }
0xba: {  	s3 =	sand.u32 $0x4000, s31;
	s1 =	sadd.s32 s1, s30  }
0xbb: {  	s0 =	sor.u32 s3, s0;
	s1 =	sshll.u32 s1, $0x11  }
0xbc: {  	s0 =	sor.u32 s1, s0  }
0xbd: {  	s0 =	sadd.s32 $0x8F2B, s0  }
0xbe: {  	[sflag:s0] =	ssyncadd.remote.s32 $0x1  }
0xbf: {  	_ =	sfence.sel $0xFFFF  }
0xc0: {  	[dreg:$0x0] =	wrdreg $0xFFFFFFFF;
	(pc) =	sbr.abs _section_cstart, $3  }
0xc1: {  	[dreg:$0x1] =	wrdreg $0xFFFFFFFF  }
0xc2: {  	_ =	task.clear_ibuf [dreg:s7], $0x2FFFF;
	_ =	strace $0x9FFFFFFF  }
0xc3: {  	(tm) =	ssettm $0x7FFFFFFF  }
tec
execute0_lowered:
.L_overlay_start_1:
0x0: {  	(tag) =	ssettag $0x1  }
0x1: {  	s4 =	rddreg [dreg:$0x0]  }
0x2: {  	s5 =	rddreg [dreg:$0x1]  }
0x3: {  	s2 =	rddreg [dreg:$0x2]  }
0x4: {  	s0 =	rddreg [dreg:$0x3];
	s6 =	srdreg.scid  }
0x5: {  	s1 =	stileid.u32;
	s3 =	simm.s32 $0x0;
	s11 =	simm.s32 $0x2800  }
0x6: {  	s12 =	simm.s32 $0x1;
	s15 =	simm.s32 $0x20;
	s16 =	simm.s32 $0x10  }
0x7: {  	s17 =	simm.s32 $0x0;
	s6 =	sand.u32 $0x1, s6;
	s7 =	smul.u32 $0x500, s1  }
0x8: {  	[smem:$0x7FF] =	sst s3;
	s9 =	smul.u32 $0xA00, s1;
	s13 =	sshll.u32 s1, $0x6  }
0x9: {  	s8 =	sshll.u32 s6, $0x7;
	_ =	strace $0x80000047;
	s30 =	sshll.u32 s6, $0x4  }
0xa: {  	s6 =	ssub.s32 $0x2, s6;
	s13 =	sor.u32 $0x1C02, s13;
	s7 =	sor.u32 s8, s7  }
0xb: {  	s8 =	sor.u32 s1, s30;
	s10 =	sshrl.u32 s6, $0x1;
	s31 =	sshrl.u32 s9, $0x2  }
0xc: {  	s9 =	simm.s32 $0x2880;
	s7 =	sshrl.u32 s7, $0x3;
	s8 =	smul.u32 $0x500, s8  }
0xd: {  	s10 =	ssub.s32 s6, s10;
	s7 =	sadd.s32 s7, s5;
	s5 =	sadd.s32 s31, s2  }
0xe: {  	s4 =	sadd.s32 s4, s8;
	s6 =	sadd.s32 $0x2400, s7;
	s7 =	smax.u32 s10, $0x1  }
0xf: {  	v0 =	vimm.f32 $0.0e+00;
	v1 =	vimm.f32 $1.000000000e+00;
	s8 =	simm.s32 $0x2;
	s10 =	simm.s32 $0x80;
	s14 =	sshrl.u32 s5, $0x3  }
.LBB2_1:
0x10: {  	[tilespmem:$0x2880] =	vst v0  }
0x11: {  	[tilespmem:$0x2890] =	vst v0  }
0x12: {  	[tilespmem:$0x28A0] =	vst v0  }
0x13: {  	[tilespmem:$0x28B0] =	vst v0  }
0x14: {  	[tilespmem:$0x28C0] =	vst v0  }
0x15: {  	[tilespmem:$0x28D0] =	vst v0  }
0x16: {  	[tilespmem:$0x28E0] =	vst v0  }
0x17: {  	[tilespmem:$0x28F0] =	vst v0  }
0x18: {  	[tilespmem:$0x2900] =	vst v0  }
0x19: {  	[tilespmem:$0x2910] =	vst v0  }
0x1a: {  	[tilespmem:$0x2920] =	vst v0  }
0x1b: {  	[tilespmem:$0x2930] =	vst v0  }
0x1c: {  	[tilespmem:$0x2940] =	vst v0  }
0x1d: {  	[tilespmem:$0x2950] =	vst v0  }
0x1e: {  	[tilespmem:$0x2960] =	vst v0  }
0x1f: {  	[tilespmem:$0x2970] =	vst v0  }
0x20: {  	[tilespmem:$0x2980] =	vst v0  }
0x21: {  	[tilespmem:$0x2990] =	vst v0  }
0x22: {  	[tilespmem:$0x29A0] =	vst v0  }
0x23: {  	[tilespmem:$0x29B0] =	vst v0  }
0x24: {  	[tilespmem:$0x29C0] =	vst v0  }
0x25: {  	[tilespmem:$0x29D0] =	vst v0  }
0x26: {  	[tilespmem:$0x29E0] =	vst v0  }
0x27: {  	[tilespmem:$0x29F0] =	vst v0  }
0x28: {  	[tilespmem:$0x2A00] =	vst v0  }
0x29: {  	[tilespmem:$0x2A10] =	vst v0  }
0x2a: {  	[tilespmem:$0x2A20] =	vst v0  }
0x2b: {  	[tilespmem:$0x2A30] =	vst v0  }
0x2c: {  	[tilespmem:$0x2A40] =	vst v0  }
0x2d: {  	[tilespmem:$0x2A50] =	vst v0  }
0x2e: {  	[tilespmem:$0x2A60] =	vst v0  }
0x2f: {  	[tilespmem:$0x2A70] =	vst v0  }
0x30: {  	[tilespmem:$0x2A80] =	vst v0  }
0x31: {  	[tilespmem:$0x2A90] =	vst v0  }
0x32: {  	[tilespmem:$0x2AA0] =	vst v0  }
0x33: {  	[tilespmem:$0x2AB0] =	vst v0  }
0x34: {  	[tilespmem:$0x2AC0] =	vst v0  }
0x35: {  	[tilespmem:$0x2AD0] =	vst v0  }
0x36: {  	[tilespmem:$0x2AE0] =	vst v0  }
0x37: {  	[tilespmem:$0x2AF0] =	vst v0  }
0x38: {  	[tilespmem:$0x2800] =	vst v1  }
0x39: {  	[tilespmem:$0x2810] =	vst v1  }
0x3a: {  	[tilespmem:$0x2820] =	vst v1  }
0x3b: {  	[tilespmem:$0x2830] =	vst v1  }
0x3c: {  	[tilespmem:$0x2840] =	vst v1  }
0x3d: {  	[tilespmem:$0x2850] =	vst v1  }
0x3e: {  	[tilespmem:$0x2860] =	vst v1  }
0x3f: {  	[tilespmem:$0x2870] =	vst v1  }
0x40: {  	[tilespmem:s3], [sflag:$0x2] =	stream.linear.gather [hbm4b:s4+s3], $0x2800, $0x38;
	[tilespmem:$0x2D80] =	vst v63  }
0x41: {  	_ =	swait.ge [sflag:s8], $0x2800  }
0x42: {  	[sflag:s8] =	ssyncset.done $0x0  }
0x43: {  	[sflag:s8] =	ssyncadd.s32 $0xFFFFD800  }
0x44: {  	[spmem:s5] =	stream.linear.scatter [tilespmem:s9], [sflag:$0x2], $0x280, $0x38;
	[tilespmem:$0x2D80] =	vst v63  }
0x45: {  	_ =	swait.ge [sflag:s8], $0x280  }
0x46: {  	[sflag:s8] =	ssyncset.done $0x0  }
0x47: {  	[sflag:s8] =	ssyncadd.s32 $0xFFFFFD80  }
0x48: {  	s18 =	simm.s32 $0x0;
	[bflag:$0x0] =	sbarrier.arrive $0xFFFF  }
.LBB2_2:
0x49: {  	p0 =	sne.s32 s18, $0x9E00  }
.Ltmp0:
0x4a: {  	_ = 	snop;
	(pc) =	sbr.rel @p0 .LBB2_2-.Ltmp0, $3  }
0x4b: {  	_ =	sdelay $0x1  }
0x4c: {  	s19 =	sshra.s32 s18, $0x2;
	s18 =	sadd.s32 $0x200, s18  }
0x4d: {  	[spmem:s2] =	stream.indirect.scatter.add.f32 [tilespmem:s11], [sflag:$0x1], $0x1, s19, s10, $0xb8;
	[tilespmem:$0x2D80] =	vst v63  }
0x4e: {  	_ =	swait.ge [sflag:s12], $0x80  }
0x4f: {  	s18 =	simm.s32 $0x4F;
	[sflag:s12] =	ssyncset.done $0x0  }
.LBB2_4:
0x50: {  	p0 =	sne.s32 s18, $0x1;
	s18 =	sadd.s32 $0xFFFFFFFF, s18;
	[sflag:s12] =	ssyncadd.s32 $0xFFFFFF80  }
.Ltmp1:
0x51: {  	(pc) =	sbr.rel @p0 .LBB2_4-.Ltmp1, $3  }
0x52: {  	_ =	sdelay $0x1  }
0x53: {  	_ =	swait.ge [sflag:s12], $0x80  }
0x54: {  	[sflag:s12] =	ssyncset.done $0x0  }
0x55: {  	s17 =	sadd.s32 $0x1, s17  }
0x56: {  	[sflag:s12] =	ssyncadd.s32 $0xFFFFFF80;
	p0 =	sne.s32 s17, s7  }
.Ltmp2:
0x57: {  	[bflag:$0x0] =	sbarrier.arrive $0xFFFF;
	(pc) =	sbr.rel @p0 .LBB2_1-.Ltmp2, $4  }
0x58: {  	[hbm:s6@s15], [sflag:s13] =	dma.strided [spmem:s14@s16], $0x50, s12, $0x10   }
0x59: {  	_ =	swait.ge [sflag:s8], $0x50  }
0x5a: {  	[sflag:s8] =	ssyncset.done $0x0  }
0x5b: {  	[sflag:s8] =	ssyncadd.s32 $0xFFFFFFB0  }
0x5c: {  	_ =	sfence.sel $0x180000  }
0x5d: {  	[bflag:$0x0] =	sbarrier.arrive $0xFFFF  }
0x5e: {  	p0 =	sne.s32 s1, $0x0;
	_ =	strace $0x90000047  }
0x5f: {  	s0 =	sadd.s32 @!p0 $0x100000, s0;
	[bflag:$0x2] =	sbarrier.arrive $0xFFFF  }
0x60: {  	[sflag:s0] =	ssyncadd.tile.s32 @!p0 $0x1;
	_ =	shalt  }
.Lfunc_end2:
_tile_overlayer_lowered:
.L_overlay_start_2:
0x61: {  	(tag) =	ssettag $0x2  }
0x62: {  	s0 =	rddreg [dreg:$0x0];
	s2 =	stileid.u32  }
0x63: {  	s1 =	rddreg [dreg:$0x1];
	p0 =	sne.s32 s2, $0x0  }
0x64: {  	s3 =	rddreg [dreg:$0x2];
	[bflag:$0x3] =	sbarrier.arrive $0xFFFF;
	s2 =	simm.s32 @!p0 $0x1C02  }
0x65: {  	[timem:s3], [sflag:s2] =	dma.local @!p0 [hbm:s0], s1  }
0x66: {  	s0 =	simm.s32 @!p0 $0x2  }
0x67: {  	_ =	swait.ge @!p0 [sflag:s0], s1  }
0x68: {  	s1 =	ssub.s32 @!p0 $0x0, s1;
	[sflag:s0] =	ssyncset.done @!p0 $0x0  }
0x69: {  	[sflag:s0] =	ssyncadd.s32 @!p0 s1  }
0x6a: {  	[bflag:$0x3] =	sbarrier.arrive $0xFFFF  }
0x6b: {  	_ =	shalt  }

</sc_bundles>
